<compile_context>
chip_gen: v7x
topology: tpu7x:2x2x1
jax: 0.10.2.dev20260603
libtpu: 0.0.44.dev20260713+nightly
codegen_flags: <defaults>
</compile_context>

<pallas_src>
import functools

import jax
import jax.numpy as jnp
from jax import lax
from jax.experimental import pallas as pl
from jax.experimental.pallas import tpu as pltpu
from jax.experimental.pallas import tpu_sc as plsc

B, C, H, W = 2, 96, 384, 384
QK_DIM = 96
NUM_HEADS = 3
K_SP = 576
TOPK = 64
HEAD_DIM = QK_DIM // NUM_HEADS
SCALE_F = HEAD_DIM ** (-0.5)
HW = H * W
NTOK = B * K_SP * TOPK

TP = 2048
G_SP = 4

NW = 32
RPW = NTOK // NW
GBLK = 128
NBLK = RPW // GBLK


def _sc_mesh():
    return plsc.VectorSubcoreMesh(core_axis_name="c", subcore_axis_name="s")


def _gather_body(table_hbm, idx_hbm, out_hbm, idx_v, rows_v, gsem, ssem):
    c = lax.axis_index("c")
    s = lax.axis_index("s")
    w = s * 2 + c
    pltpu.sync_copy(idx_hbm.at[w], idx_v)

    def g_start(blk, buf):
        return pltpu.async_copy(table_hbm.at[idx_v.at[blk]], rows_v.at[buf], gsem)

    def s_start(blk, buf):
        return pltpu.async_copy(
            rows_v.at[buf], out_hbm.at[pl.ds(w * RPW + blk * GBLK, GBLK)], ssem)

    gcp = [None] * NBLK
    scp = [None] * NBLK
    gcp[0] = g_start(0, 0)
    for blk in range(NBLK):
        if blk + 1 < NBLK:
            if blk - 1 >= 0:
                scp[blk - 1].wait()
            gcp[blk + 1] = g_start(blk + 1, (blk + 1) % 2)
        gcp[blk].wait()
        scp[blk] = s_start(blk, blk % 2)
    scp[NBLK - 2].wait()
    scp[NBLK - 1].wait()


def _sc_gather(xn_flat, idx3):
    kfn = pl.kernel(
        _gather_body,
        out_type=jax.ShapeDtypeStruct((NTOK, C), jnp.float32),
        mesh=_sc_mesh(),
        scratch_types=[
            pltpu.VMEM((NBLK, GBLK), jnp.int32),
            pltpu.VMEM((2, GBLK, C), jnp.float32),
            pltpu.SemaphoreType.DMA,
            pltpu.SemaphoreType.DMA,
        ],
        compiler_params=pltpu.CompilerParams(use_tc_tiling_on_sc=False),
    )
    return kfn(xn_flat, idx3)


def _ln_body(x_ref, o_ref):
    xb = x_ref[0]
    u = jnp.mean(xb, axis=0, keepdims=True)
    d = xb - u
    s = jnp.mean(d * d, axis=0, keepdims=True)
    xn = d * lax.rsqrt(s + 1e-6)
    o_ref[0] = xn.T


def _ln_transpose(x3):
    return pl.pallas_call(
        _ln_body,
        grid=(B, HW // TP),
        in_specs=[pl.BlockSpec((1, C, TP), lambda b, i: (b, 0, i))],
        out_specs=pl.BlockSpec((1, TP, C), lambda b, i: (b, i, 0)),
        out_shape=jax.ShapeDtypeStruct((B, HW, C), jnp.float32),
    )(x3)


CHUNK = 8192
NCHUNK = HW // CHUNK
TPB = (K_SP * TOPK) // 16
TBLK = TPB // GBLK
RPT = CHUNK // 16


def _scatter_body(idx_hbm, tok_hbm, zacc_hbm, zcnt_hbm, ones_hbm,
                  acc_hbm, cnt_hbm,
                  idx_v, pix_v, rows_v, ones_v, zacc_v, zcnt_v, acc_sh, cnt_sh):
    c = lax.axis_index("c")
    s = lax.axis_index("s")
    tok_base = c * (K_SP * TOPK) + s * TPB
    pltpu.sync_copy(idx_hbm.at[c, s], idx_v)
    pltpu.sync_copy(zacc_hbm, zacc_v)
    pltpu.sync_copy(zcnt_hbm, zcnt_v)
    pltpu.sync_copy(ones_hbm, ones_v)

    def chunk_body(k, carry):
        lo = k * CHUNK
        base = s * RPT
        def zero_body(z, carryz):
            pltpu.sync_copy(zacc_v, acc_sh.at[pl.ds(base + z * GBLK, GBLK)])
            pltpu.sync_copy(zcnt_v, cnt_sh.at[pl.ds(base + z * GBLK, GBLK)])
            return carryz
        lax.fori_loop(0, RPT // GBLK, zero_body, 0)
        plsc.subcore_barrier()

        def blk_body(blk, carry2):
            def lane_body(j, carry3):
                v = idx_v[pl.ds(blk * GBLK + j * 16, 16)]
                r = v - lo
                inr = jnp.logical_and(r >= 0, r < CHUNK)
                pix_v[pl.ds(j * 16, 16)] = jnp.where(inr, r, CHUNK)
                return carry3
            lax.fori_loop(0, GBLK // 16, lane_body, 0)
            pltpu.sync_copy(tok_hbm.at[pl.ds(tok_base + blk * GBLK, GBLK)],
                            rows_v)
            pltpu.sync_copy(rows_v, acc_sh.at[pix_v], add=True)
            pltpu.sync_copy(ones_v, cnt_sh.at[pix_v], add=True)
            return carry2
        lax.fori_loop(0, TBLK, blk_body, 0)
        plsc.subcore_barrier()
        pltpu.sync_copy(acc_sh.at[pl.ds(base, RPT)],
                        acc_hbm.at[c, pl.ds(lo + base, RPT)])
        pltpu.sync_copy(cnt_sh.at[pl.ds(base, RPT)],
                        cnt_hbm.at[c, pl.ds(lo + base, RPT)])
        plsc.subcore_barrier()
        return carry
    lax.fori_loop(0, NCHUNK, chunk_body, 0)


def _sc_scatter(idx_local, out_tok):
    kfn = pl.kernel(
        _scatter_body,
        out_type=[jax.ShapeDtypeStruct((B, HW, C), jnp.float32),
                  jax.ShapeDtypeStruct((B, HW, 16), jnp.float32)],
        mesh=_sc_mesh(),
        scratch_types=[
            pltpu.VMEM((TPB,), jnp.int32),
            pltpu.VMEM((GBLK,), jnp.int32),
            pltpu.VMEM((GBLK, C), jnp.float32),
            pltpu.VMEM((GBLK, 16), jnp.float32),
            pltpu.VMEM((GBLK, C), jnp.float32),
            pltpu.VMEM((GBLK, 16), jnp.float32),
            pltpu.VMEM_SHARED((CHUNK + 16, C), jnp.float32),
            pltpu.VMEM_SHARED((CHUNK + 16, 16), jnp.float32),
        ],
        compiler_params=pltpu.CompilerParams(use_tc_tiling_on_sc=False),
    )
    zacc = jnp.zeros((GBLK, C), jnp.float32)
    zcnt = jnp.zeros((GBLK, 16), jnp.float32)
    ones = jnp.ones((GBLK, 16), jnp.float32)
    return kfn(idx_local, out_tok, zacc, zcnt, ones)


def _attn_body(xg_ref, sims_ref, mask_ref, qw_ref, kw_ref, vw_ref, bias_ref, o_ref):
    T = G_SP * TOPK
    xb = xg_ref[...]
    xbT = xb.T
    q = jnp.dot(xb, qw_ref[...], preferred_element_type=jnp.float32) + bias_ref[0]
    kt = (jnp.dot(kw_ref[...], xbT, preferred_element_type=jnp.float32)
          + bias_ref[1][:, None])
    v = jnp.dot(xb, vw_ref[...], preferred_element_type=jnp.float32) + bias_ref[2]
    sims_col = sims_ref[0, 0][:, None]
    mask_row = mask_ref[0, 0][None, :]
    rblk = lax.broadcasted_iota(jnp.int32, (T, T), 0) // TOPK
    cblk = lax.broadcasted_iota(jnp.int32, (T, T), 1) // TOPK
    keep = jnp.logical_and(rblk == cblk, mask_row > 0)
    vw_tok = sims_col * v
    outs = []
    for h in range(NUM_HEADS):
        hs = slice(h * HEAD_DIM, (h + 1) * HEAD_DIM)
        qh = q[:, hs]
        kth = kt[hs, :]
        qq = jnp.sum(qh * qh, axis=1, keepdims=True)
        kk = jnp.sum(kth * kth, axis=0, keepdims=True)
        gr = jnp.dot(qh, kth, preferred_element_type=jnp.float32)
        d2 = qq + kk - 2.0 * gr
        dist = jnp.sqrt(jnp.maximum(d2, 1e-12))
        a = jnp.where(keep, -SCALE_F * dist, -1e9)
        a = a - jnp.max(a, axis=1, keepdims=True)
        e = jnp.exp(a)
        p = e / jnp.sum(e, axis=1, keepdims=True)
        outs.append(jnp.dot(p, vw_tok[:, hs], preferred_element_type=jnp.float32))
    o_ref[...] = sims_col * jnp.concatenate(outs, axis=1)


def _attention(xg, sims2, mask2, qw_t, kw_t, vw_t, bias):
    ntile = TOPK * G_SP
    return pl.pallas_call(
        _attn_body,
        grid=(NTOK // ntile,),
        in_specs=[
            pl.BlockSpec((ntile, C), lambda i: (i, 0)),
            pl.BlockSpec((1, 1, ntile), lambda i: (i, 0, 0)),
            pl.BlockSpec((1, 1, ntile), lambda i: (i, 0, 0)),
            pl.BlockSpec((C, C), lambda i: (0, 0)),
            pl.BlockSpec((C, C), lambda i: (0, 0)),
            pl.BlockSpec((C, C), lambda i: (0, 0)),
            pl.BlockSpec((8, C), lambda i: (0, 0)),
        ],
        out_specs=pl.BlockSpec((ntile, C), lambda i: (i, 0)),
        out_shape=jax.ShapeDtypeStruct((NTOK, C), jnp.float32),
    )(xg, sims2, mask2, qw_t, kw_t, vw_t, bias)


def _merge_body(xn_ref, acc_ref, cnt_ref, vw_ref, vb_ref, o_ref):
    xb = xn_ref[0]
    v = jnp.dot(xb, vw_ref[...], preferred_element_type=jnp.float32) + vb_ref[0]
    cnt = cnt_ref[0][:, :1]
    mean = acc_ref[0] / jnp.maximum(cnt, 1.0)
    sel = jnp.where(cnt >= 0.5, mean, v)
    o_ref[0] = sel.T


def _merge(xn_t, acc, cnt3, vw_t, vb):
    return pl.pallas_call(
        _merge_body,
        grid=(B, HW // TP),
        in_specs=[
            pl.BlockSpec((1, TP, C), lambda b, i: (b, i, 0)),
            pl.BlockSpec((1, TP, C), lambda b, i: (b, i, 0)),
            pl.BlockSpec((1, TP, 16), lambda b, i: (b, i, 0)),
            pl.BlockSpec((C, C), lambda b, i: (0, 0)),
            pl.BlockSpec((1, C), lambda b, i: (0, 0)),
        ],
        out_specs=pl.BlockSpec((1, C, TP), lambda b, i: (b, 0, i)),
        out_shape=jax.ShapeDtypeStruct((B, C, HW), jnp.float32),
    )(xn_t, acc, cnt3, vw_t, vb)


def kernel(x, sims, mask, ln_w, ln_b, q_w, k_w, v_w, indices, labels, num_spixels):
    qw_t = (q_w * ln_w[None, :]).T
    kw_eff = k_w * ln_w[None, :]
    vw_t = (v_w * ln_w[None, :]).T
    qb = q_w @ ln_b
    kb = k_w @ ln_b
    vb = v_w @ ln_b
    bias = jnp.zeros((8, C), jnp.float32).at[0].set(qb).at[1].set(kb).at[2].set(vb)

    x3 = x.reshape(B, C, HW)
    xn_t = _ln_transpose(x3)

    idx_g = (indices.reshape(B, K_SP * TOPK)
             + (jnp.arange(B, dtype=jnp.int32) * HW)[:, None]).reshape(-1)
    xn_flat = xn_t.reshape(B * HW, C)
    xg = _sc_gather(xn_flat, idx_g.reshape(NW, NBLK, GBLK))

    ntile = G_SP * TOPK
    sims2 = sims.reshape(NTOK // ntile, 1, ntile)
    mask2 = mask.reshape(NTOK // ntile, 1, ntile)
    out_tok = _attention(xg, sims2, mask2, qw_t, kw_eff, vw_t, bias)

    idx_local = indices.reshape(B, 16, TPB)
    acc, cnt3 = _sc_scatter(idx_local, out_tok)

    out = _merge(xn_t, acc, cnt3, vw_t, vb[None, :])
    return out.reshape(B, C, H, W)

# --- scband reference (transcript-rebuilt; emitter-appended) ---
"""Pipeline reference for scband-spa-4982162063813 (READ-ONLY COPY).

The authoritative reference and input builder live on the scoring server;
editing this copy changes nothing except your own understanding.
"""

import jax, jax.numpy as jnp
import numpy as np

B, C, H, W = 2, 96, 384, 384
QK_DIM = 96
NUM_HEADS = 3
K_SP = 576
TOPK = 64
HEAD_DIM = QK_DIM // NUM_HEADS
SCALE = HEAD_DIM ** (-0.5)
HW = H * W


def setup_inputs(seed: int = 0):
    key = jax.random.key(seed)
    ks = jax.random.split(key, 8)
    x = jax.random.normal(ks[0], (B, C, H, W), dtype=jnp.float32)
    sims = jax.random.uniform(ks[1], (B, K_SP, TOPK), dtype=jnp.float32)
    mask = jnp.ones((B, K_SP, TOPK), dtype=jnp.float32)
    indices = jax.random.randint(ks[2], (B, K_SP, TOPK), 0, HW, dtype=jnp.int32)
    labels = jax.random.randint(ks[3], (B, HW), 0, K_SP, dtype=jnp.int32)
    ln_w = jnp.ones((C,), dtype=jnp.float32)
    ln_b = jnp.zeros((C,), dtype=jnp.float32)
    q_w = jax.random.normal(ks[4], (QK_DIM, C), dtype=jnp.float32) * 0.02
    k_w = jax.random.normal(ks[5], (QK_DIM, C), dtype=jnp.float32) * 0.02
    v_w = jax.random.normal(ks[6], (C, C), dtype=jnp.float32) * 0.02
    return {'x': x, 'sims': sims, 'mask': mask, 'ln_w': ln_w, 'ln_b': ln_b, 'q_w': q_w, 'k_w': k_w, 'v_w': v_w, 'indices': indices, 'labels': labels, 'num_spixels': K_SP}


def _layernorm2d(x, w, b, eps=1e-6):
    u = jnp.mean(x, axis=1, keepdims=True)
    s = jnp.mean((x - u) ** 2, axis=1, keepdims=True)
    xn = (x - u) / jnp.sqrt(s + eps)
    return xn * w[None, :, None, None] + b[None, :, None, None]


def _conv1x1(x, w):
    return jnp.einsum('oc,bchw->bohw', w, x)


def _gather_tokens(flat, idx):
    def g(f, i):
        return jnp.take(f, i.reshape(-1), axis=1).reshape(f.shape[0], K_SP, TOPK)
    return jax.vmap(g)(flat, idx)


def _split_heads(g):
    d = g.shape[1]
    c = d // NUM_HEADS
    g = g.reshape(B, NUM_HEADS, c, K_SP, TOPK)
    return jnp.transpose(g, (0, 3, 1, 4, 2))


def _forward(x, sims, mask, ln_w, ln_b, q_w, k_w, v_w, indices):
    xn = _layernorm2d(x, ln_w, ln_b)
    q = _conv1x1(xn, q_w)
    k = _conv1x1(xn, k_w)
    v = _conv1x1(xn, v_w)
    Q = _split_heads(_gather_tokens(q.reshape(B, QK_DIM, HW), indices))
    Kt = _split_heads(_gather_tokens(k.reshape(B, QK_DIM, HW), indices))
    V = _split_heads(_gather_tokens(v.reshape(B, C, HW), indices))
    d2 = jnp.sum(Q * Q, -1)[..., :, None] + jnp.sum(Kt * Kt, -1)[..., None, :] - 2.0 * jnp.einsum('bkhtc,bkhsc->bkhts', Q, Kt)
    dist = jnp.sqrt(jnp.maximum(d2, 1e-12))
    attn = -SCALE * dist
    m = mask[:, :, None, None, :]
    attn = jnp.where(m > 0, attn, -1e9)
    attn = jax.nn.softmax(attn, axis=-1)
    w5 = jnp.broadcast_to(sims[:, :, None, :, None], V.shape)
    Vw = w5 * V
    out = jnp.einsum('bkhts,bkhsc->bkhtc', attn, Vw)
    out = w5 * out
    def merge(t):
        return jnp.transpose(t, (0, 2, 4, 1, 3)).reshape(B, C, K_SP * TOPK)
    out_m = merge(out)
    w_m = merge(w5)
    idx_flat = indices.reshape(B, K_SP * TOPK)
    def scat(src_b, idx_b, w_b):
        acc = jax.ops.segment_sum(src_b.T, idx_b, num_segments=HW).T
        cnt = jax.ops.segment_sum(jnp.ones((idx_b.shape[0],), jnp.float32), idx_b, num_segments=HW)
        wsum = jax.ops.segment_sum(w_b.T, idx_b, num_segments=HW).T
        return acc, cnt, wsum
    acc, cnt, wsum = jax.vmap(scat)(out_m, idx_flat, w_m)
    cnt_b = jnp.broadcast_to(cnt[:, None, :], acc.shape)
    mean = acc / jnp.maximum(cnt_b, 1.0)
    out4 = mean.reshape(B, C, H, W)
    cnt4 = cnt_b.reshape(B, C, H, W)
    valid = (cnt4 > 1e-5).astype(jnp.float32)
    return valid * out4 + (1.0 - valid) * v


def reference(x, sims, mask, ln_w, ln_b, q_w, k_w, v_w, indices, labels, num_spixels):
    return _forward(x, sims, mask, ln_w, ln_b, q_w, k_w, v_w, indices)

if __name__ == "__main__":
    import jax
    _d = setup_inputs()
    print(jax.jit(kernel)(*tuple(_d.values())))

</pallas_src>

<mosaic_0001>
#map = affine_map<(d0, d1) -> (0, 0, 0)>
#map1 = affine_map<(d0, d1) -> (0, 0)>
module attributes {stable_mosaic.version = 14 : i64} {
  func.func @_scatter_body(%arg0: i32, %arg1: i32, %arg2: memref<2x16x2304xi32, #tpu.memory_space<hbm>>, %arg3: memref<73728x96xf32, #tpu.memory_space<hbm>>, %arg4: memref<128x96xf32, #tpu.memory_space<hbm>>, %arg5: memref<128x16xf32, #tpu.memory_space<hbm>>, %arg6: memref<128x16xf32, #tpu.memory_space<hbm>>, %arg7: memref<2x147456x96xf32, #tpu.memory_space<hbm>>, %arg8: memref<2x147456x16xf32, #tpu.memory_space<hbm>>, %arg9: memref<2304xi32, #tpu.memory_space<vmem>>, %arg10: memref<128xi32, #tpu.memory_space<vmem>>, %arg11: memref<128x96xf32, #tpu.memory_space<vmem>>, %arg12: memref<128x16xf32, #tpu.memory_space<vmem>>, %arg13: memref<128x96xf32, #tpu.memory_space<vmem>>, %arg14: memref<128x16xf32, #tpu.memory_space<vmem>>, %arg15: memref<8208x96xf32, #tpu.memory_space<vmem_shared>>, %arg16: memref<8208x16xf32, #tpu.memory_space<vmem_shared>>) attributes {dimension_semantics = [#tpu.dimension_semantics<core_parallel>, #tpu.dimension_semantics<subcore_parallel>], iteration_bounds = array<i64: 2, 16>, scalar_prefetch = 0 : i64, scratch_operands = 8 : i64, tpu.core_type = #tpu.core_type<sc_vector_subcore>, window_params = [{transform_indices = #map}, {transform_indices = #map1}, {transform_indices = #map1}, {transform_indices = #map1}, {transform_indices = #map1}, {transform_indices = #map}, {transform_indices = #map}]} {
    %mul3A = arith.constant 36864 : i32
    %mul3A_0 = arith.muli %arg0, %mul3A : i32
    %mul3A_1 = arith.constant 2304 : i32
    %mul3A_2 = arith.muli %arg1, %mul3A_1 : i32
    %add3A = arith.addi %mul3A_0, %mul3A_2 : i32
    "tpu.region"() ({
      %run_scoped3A = tpu.sem_alloc : memref<!tpu.dma_semaphore, #tpu.memory_space<semaphore_mem>>
      %dma_start3A = arith.constant 0 : i32
      %dma_start3A_8 = tpu.memref_slice %arg2[%arg0, %arg1, %dma_start3A] : memref<2x16x2304xi32, #tpu.memory_space<hbm>> -> memref<1x1x2304xi32, #tpu.memory_space<hbm>>
      %dma_start3A_9 = tpu.memref_squeeze %dma_start3A_8 : memref<1x1x2304xi32, #tpu.memory_space<hbm>> -> memref<2304xi32, #tpu.memory_space<hbm>>
      %dma_start3A_10 = arith.constant 0 : i32
      %dma_start3A_11 = tpu.memref_slice %arg2[%arg0, %arg1, %dma_start3A_10] : memref<2x16x2304xi32, #tpu.memory_space<hbm>> -> memref<1x1x2304xi32, #tpu.memory_space<hbm>>
      %dma_start3A_12 = tpu.memref_squeeze %dma_start3A_11 : memref<1x1x2304xi32, #tpu.memory_space<hbm>> -> memref<2304xi32, #tpu.memory_space<hbm>>
      tpu.enqueue_dma source(%dma_start3A_12 : memref<2304xi32, #tpu.memory_space<hbm>>) target(%arg9 : memref<2304xi32, #tpu.memory_space<vmem>>) target_semaphore(%run_scoped3A : memref<!tpu.dma_semaphore, #tpu.memory_space<semaphore_mem>>)
      %dma_wait3A = arith.constant 0 : i32
      %dma_wait3A_13 = tpu.memref_slice %arg2[%arg0, %arg1, %dma_wait3A] : memref<2x16x2304xi32, #tpu.memory_space<hbm>> -> memref<1x1x2304xi32, #tpu.memory_space<hbm>>
      %dma_wait3A_14 = tpu.memref_squeeze %dma_wait3A_13 : memref<1x1x2304xi32, #tpu.memory_space<hbm>> -> memref<2304xi32, #tpu.memory_space<hbm>>
      %dma_wait3A_15 = arith.constant 0 : i32
      %dma_wait3A_16 = tpu.memref_slice %arg2[%arg0, %arg1, %dma_wait3A_15] : memref<2x16x2304xi32, #tpu.memory_space<hbm>> -> memref<1x1x2304xi32, #tpu.memory_space<hbm>>
      %dma_wait3A_17 = tpu.memref_squeeze %dma_wait3A_16 : memref<1x1x2304xi32, #tpu.memory_space<hbm>> -> memref<2304xi32, #tpu.memory_space<hbm>>
      tpu.wait_dma2 semaphore(%run_scoped3A : memref<!tpu.dma_semaphore, #tpu.memory_space<semaphore_mem>>) src(%dma_wait3A_17 : memref<2304xi32, #tpu.memory_space<hbm>>) dst(%arg9 : memref<2304xi32, #tpu.memory_space<vmem>>)
      tpu.yield
    }) : () -> ()
    "tpu.region"() ({
      %run_scoped3A = tpu.sem_alloc : memref<!tpu.dma_semaphore, #tpu.memory_space<semaphore_mem>>
      tpu.enqueue_dma source(%arg4 : memref<128x96xf32, #tpu.memory_space<hbm>>) target(%arg13 : memref<128x96xf32, #tpu.memory_space<vmem>>) target_semaphore(%run_scoped3A : memref<!tpu.dma_semaphore, #tpu.memory_space<semaphore_mem>>)
      tpu.wait_dma2 semaphore(%run_scoped3A : memref<!tpu.dma_semaphore, #tpu.memory_space<semaphore_mem>>) src(%arg4 : memref<128x96xf32, #tpu.memory_space<hbm>>) dst(%arg13 : memref<128x96xf32, #tpu.memory_space<vmem>>)
      tpu.yield
    }) : () -> ()
    "tpu.region"() ({
      %run_scoped3A = tpu.sem_alloc : memref<!tpu.dma_semaphore, #tpu.memory_space<semaphore_mem>>
      tpu.enqueue_dma source(%arg5 : memref<128x16xf32, #tpu.memory_space<hbm>>) target(%arg14 : memref<128x16xf32, #tpu.memory_space<vmem>>) target_semaphore(%run_scoped3A : memref<!tpu.dma_semaphore, #tpu.memory_space<semaphore_mem>>)
      tpu.wait_dma2 semaphore(%run_scoped3A : memref<!tpu.dma_semaphore, #tpu.memory_space<semaphore_mem>>) src(%arg5 : memref<128x16xf32, #tpu.memory_space<hbm>>) dst(%arg14 : memref<128x16xf32, #tpu.memory_space<vmem>>)
      tpu.yield
    }) : () -> ()
    "tpu.region"() ({
      %run_scoped3A = tpu.sem_alloc : memref<!tpu.dma_semaphore, #tpu.memory_space<semaphore_mem>>
      tpu.enqueue_dma source(%arg6 : memref<128x16xf32, #tpu.memory_space<hbm>>) target(%arg12 : memref<128x16xf32, #tpu.memory_space<vmem>>) target_semaphore(%run_scoped3A : memref<!tpu.dma_semaphore, #tpu.memory_space<semaphore_mem>>)
      tpu.wait_dma2 semaphore(%run_scoped3A : memref<!tpu.dma_semaphore, #tpu.memory_space<semaphore_mem>>) src(%arg6 : memref<128x16xf32, #tpu.memory_space<hbm>>) dst(%arg12 : memref<128x16xf32, #tpu.memory_space<vmem>>)
      tpu.yield
    }) : () -> ()
    %scan3A = arith.constant 0 : i32
    %scan3A_3 = arith.constant 0 : i32
    %scan3A_4 = arith.constant 18 : i32
    %scan3A_5 = arith.addi %scan3A_3, %scan3A_4 : i32
    %scan3A_6 = arith.constant 1 : i32
    scf.for %scan3A_8 = %scan3A_3 to %scan3A_5 step %scan3A_6  : i32 {
      %mul3A_9 = arith.constant 8192 : i32
      %mul3A_10 = arith.muli %scan3A_8, %mul3A_9 : i32
      %mul3A_11 = arith.constant 512 : i32
      %mul3A_12 = arith.muli %arg1, %mul3A_11 : i32
      %scan3A_13 = arith.constant 0 : i32
      %scan3A_14 = arith.constant 0 : i32
      %scan3A_15 = arith.constant 4 : i32
      %scan3A_16 = arith.addi %scan3A_14, %scan3A_15 : i32
      %scan3A_17 = arith.constant 1 : i32
      scf.for %scan3A_29 = %scan3A_14 to %scan3A_16 step %scan3A_17  : i32 {
        %mul3A_30 = arith.constant 128 : i32
        %mul3A_31 = arith.muli %scan3A_29, %mul3A_30 : i32
        %add3A_32 = arith.addi %mul3A_12, %mul3A_31 : i32
        "tpu.region"() ({
          %run_scoped3A = tpu.sem_alloc : memref<!tpu.dma_semaphore, #tpu.memory_space<semaphore_mem>>
          %dma_start3A = arith.constant 0 : i32
          %dma_start3A_36 = tpu.memref_slice %arg15[%add3A_32, %dma_start3A] : memref<8208x96xf32, #tpu.memory_space<vmem_shared>> -> memref<128x96xf32, #tpu.memory_space<vmem_shared>>
          %dma_start3A_37 = arith.constant 0 : i32
          %dma_start3A_38 = tpu.memref_slice %arg15[%add3A_32, %dma_start3A_37] : memref<8208x96xf32, #tpu.memory_space<vmem_shared>> -> memref<128x96xf32, #tpu.memory_space<vmem_shared>>
          tpu.enqueue_dma source(%arg13 : memref<128x96xf32, #tpu.memory_space<vmem>>) target(%dma_start3A_38 : memref<128x96xf32, #tpu.memory_space<vmem_shared>>) target_semaphore(%run_scoped3A : memref<!tpu.dma_semaphore, #tpu.memory_space<semaphore_mem>>)
          %dma_wait3A = arith.constant 0 : i32
          %dma_wait3A_39 = tpu.memref_slice %arg15[%add3A_32, %dma_wait3A] : memref<8208x96xf32, #tpu.memory_space<vmem_shared>> -> memref<128x96xf32, #tpu.memory_space<vmem_shared>>
          %dma_wait3A_40 = arith.constant 0 : i32
          %dma_wait3A_41 = tpu.memref_slice %arg15[%add3A_32, %dma_wait3A_40] : memref<8208x96xf32, #tpu.memory_space<vmem_shared>> -> memref<128x96xf32, #tpu.memory_space<vmem_shared>>
          tpu.wait_dma2 semaphore(%run_scoped3A : memref<!tpu.dma_semaphore, #tpu.memory_space<semaphore_mem>>) src(%arg13 : memref<128x96xf32, #tpu.memory_space<vmem>>) dst(%dma_wait3A_41 : memref<128x96xf32, #tpu.memory_space<vmem_shared>>)
          tpu.yield
        }) : () -> ()
        %mul3A_33 = arith.constant 128 : i32
        %mul3A_34 = arith.muli %scan3A_29, %mul3A_33 : i32
        %add3A_35 = arith.addi %mul3A_12, %mul3A_34 : i32
        "tpu.region"() ({
          %run_scoped3A = tpu.sem_alloc : memref<!tpu.dma_semaphore, #tpu.memory_space<semaphore_mem>>
          %dma_start3A = arith.constant 0 : i32
          %dma_start3A_36 = tpu.memref_slice %arg16[%add3A_35, %dma_start3A] : memref<8208x16xf32, #tpu.memory_space<vmem_shared>> -> memref<128x16xf32, #tpu.memory_space<vmem_shared>>
          %dma_start3A_37 = arith.constant 0 : i32
          %dma_start3A_38 = tpu.memref_slice %arg16[%add3A_35, %dma_start3A_37] : memref<8208x16xf32, #tpu.memory_space<vmem_shared>> -> memref<128x16xf32, #tpu.memory_space<vmem_shared>>
          tpu.enqueue_dma source(%arg14 : memref<128x16xf32, #tpu.memory_space<vmem>>) target(%dma_start3A_38 : memref<128x16xf32, #tpu.memory_space<vmem_shared>>) target_semaphore(%run_scoped3A : memref<!tpu.dma_semaphore, #tpu.memory_space<semaphore_mem>>)
          %dma_wait3A = arith.constant 0 : i32
          %dma_wait3A_39 = tpu.memref_slice %arg16[%add3A_35, %dma_wait3A] : memref<8208x16xf32, #tpu.memory_space<vmem_shared>> -> memref<128x16xf32, #tpu.memory_space<vmem_shared>>
          %dma_wait3A_40 = arith.constant 0 : i32
          %dma_wait3A_41 = tpu.memref_slice %arg16[%add3A_35, %dma_wait3A_40] : memref<8208x16xf32, #tpu.memory_space<vmem_shared>> -> memref<128x16xf32, #tpu.memory_space<vmem_shared>>
          tpu.wait_dma2 semaphore(%run_scoped3A : memref<!tpu.dma_semaphore, #tpu.memory_space<semaphore_mem>>) src(%arg14 : memref<128x16xf32, #tpu.memory_space<vmem>>) dst(%dma_wait3A_41 : memref<128x16xf32, #tpu.memory_space<vmem_shared>>)
          tpu.yield
        }) : () -> ()
      }
      %scan3A_18 = arith.constant 4 : i32
      %barrier3A = arith.constant 0 : index
      tpu.barrier barrier_id(%barrier3A)
      %scan3A_19 = arith.constant 0 : i32
      %scan3A_20 = arith.constant 0 : i32
      %scan3A_21 = arith.constant 18 : i32
      %scan3A_22 = arith.addi %scan3A_20, %scan3A_21 : i32
      %scan3A_23 = arith.constant 1 : i32
      scf.for %scan3A_29 = %scan3A_20 to %scan3A_22 step %scan3A_23  : i32 {
        %scan3A_30 = arith.constant 0 : i32
        %scan3A_31 = arith.constant 0 : i32
        %scan3A_32 = arith.constant 8 : i32
        %scan3A_33 = arith.addi %scan3A_31, %scan3A_32 : i32
        %scan3A_34 = arith.constant 1 : i32
        scf.for %scan3A_39 = %scan3A_31 to %scan3A_33 step %scan3A_34  : i32 {
          %mul3A_40 = arith.constant 128 : i32
          %mul3A_41 = arith.muli %scan3A_29, %mul3A_40 : i32
          %mul3A_42 = arith.constant 16 : i32
          %mul3A_43 = arith.muli %scan3A_39, %mul3A_42 : i32
          %add3A_44 = arith.addi %mul3A_41, %mul3A_43 : i32
          %get3A = arith.index_cast %add3A_44 : i32 to index
          %get3A_45 = tpu.vector_load %arg9[%get3A] {strides = array<i32>} : memref<2304xi32, #tpu.memory_space<vmem>>, vector<16xi32>,
          %get3A_46 = vector.shape_cast %get3A_45 : vector<16xi32> to vector<16xi32>
          %sub3A = vector.broadcast %mul3A_10 : i32 to vector<16xi32>
          %sub3A_47 = arith.subi %get3A_46, %sub3A : vector<16xi32>
          %ge3A = arith.constant 0 : i32
          %ge3A_48 = vector.broadcast %ge3A : i32 to vector<16xi32>
          %ge3A_49 = arith.cmpi sge, %sub3A_47, %ge3A_48 : vector<16xi32>
          %lt3A = arith.constant 8192 : i32
          %lt3A_50 = vector.broadcast %lt3A : i32 to vector<16xi32>
          %lt3A_51 = arith.cmpi slt, %sub3A_47, %lt3A_50 : vector<16xi32>
          %and3A = arith.andi %ge3A_49, %lt3A_51 : vector<16xi1>
          %jit3A = arith.constant 8192 : i32
          %broadcast_in_dim3A = vector.broadcast %jit3A : i32 to vector<16xi32>
          %select_n3A = arith.select %and3A, %sub3A_47, %broadcast_in_dim3A : vector<16xi1>, vector<16xi32>
          %mul3A_52 = arith.constant 16 : i32
          %mul3A_53 = arith.muli %scan3A_39, %mul3A_52 : i32
          %swap3A = arith.index_cast %mul3A_53 : i32 to index
          %swap3A_54 = tpu.vector_load %arg10[%swap3A] {strides = array<i32>} : memref<128xi32, #tpu.memory_space<vmem>>, vector<16xi32>,
          %swap3A_55 = vector.shape_cast %swap3A_54 : vector<16xi32> to vector<16xi32>
          %swap3A_56 = vector.shape_cast %select_n3A : vector<16xi32> to vector<16xi32>
          tpu.vector_store %arg10[%swap3A], %swap3A_56 {strides = array<i32>} : memref<128xi32, #tpu.memory_space<vmem>>, vector<16xi32>,
        }
        %scan3A_35 = arith.constant 8 : i32
        %mul3A_36 = arith.constant 128 : i32
        %mul3A_37 = arith.muli %scan3A_29, %mul3A_36 : i32
        %add3A_38 = arith.addi %add3A, %mul3A_37 : i32
        "tpu.region"() ({
          %run_scoped3A = tpu.sem_alloc : memref<!tpu.dma_semaphore, #tpu.memory_space<semaphore_mem>>
          %dma_start3A = arith.constant 0 : i32
          %dma_start3A_39 = tpu.memref_slice %arg3[%add3A_38, %dma_start3A] : memref<73728x96xf32, #tpu.memory_space<hbm>> -> memref<128x96xf32, #tpu.memory_space<hbm>>
          %dma_start3A_40 = arith.constant 0 : i32
          %dma_start3A_41 = tpu.memref_slice %arg3[%add3A_38, %dma_start3A_40] : memref<73728x96xf32, #tpu.memory_space<hbm>> -> memref<128x96xf32, #tpu.memory_space<hbm>>
          tpu.enqueue_dma source(%dma_start3A_41 : memref<128x96xf32, #tpu.memory_space<hbm>>) target(%arg11 : memref<128x96xf32, #tpu.memory_space<vmem>>) target_semaphore(%run_scoped3A : memref<!tpu.dma_semaphore, #tpu.memory_space<semaphore_mem>>)
          %dma_wait3A = arith.constant 0 : i32
          %dma_wait3A_42 = tpu.memref_slice %arg3[%add3A_38, %dma_wait3A] : memref<73728x96xf32, #tpu.memory_space<hbm>> -> memref<128x96xf32, #tpu.memory_space<hbm>>
          %dma_wait3A_43 = arith.constant 0 : i32
          %dma_wait3A_44 = tpu.memref_slice %arg3[%add3A_38, %dma_wait3A_43] : memref<73728x96xf32, #tpu.memory_space<hbm>> -> memref<128x96xf32, #tpu.memory_space<hbm>>
          tpu.wait_dma2 semaphore(%run_scoped3A : memref<!tpu.dma_semaphore, #tpu.memory_space<semaphore_mem>>) src(%dma_wait3A_44 : memref<128x96xf32, #tpu.memory_space<hbm>>) dst(%arg11 : memref<128x96xf32, #tpu.memory_space<vmem>>)
          tpu.yield
        }) : () -> ()
        "tpu.region"() ({
          %run_scoped3A = tpu.sem_alloc : memref<!tpu.dma_semaphore, #tpu.memory_space<semaphore_mem>>
          %dma_start3A = arith.constant 0 : i32
          %dma_start3A_39 = arith.constant 0 : i32
          %dma_start3A_40 = tpu.memref_slice %arg15[%dma_start3A, %dma_start3A_39] : memref<8208x96xf32, #tpu.memory_space<vmem_shared>> -> memref<8208x96xf32, #tpu.memory_space<vmem_shared>>
          tpu.enqueue_indirect_dma source(%arg11 : memref<128x96xf32, #tpu.memory_space<vmem>>) target(%dma_start3A_40 : memref<8208x96xf32, #tpu.memory_space<vmem_shared>>) offsets(%arg10 : memref<128xi32, #tpu.memory_space<vmem>>) semaphore(%run_scoped3A : memref<!tpu.dma_semaphore, #tpu.memory_space<semaphore_mem>>) {add = true}
          %dma_wait3A = arith.constant 0 : i32
          %dma_wait3A_41 = arith.constant 0 : i32
          %dma_wait3A_42 = tpu.memref_slice %arg15[%dma_wait3A, %dma_wait3A_41] : memref<8208x96xf32, #tpu.memory_space<vmem_shared>> -> memref<8208x96xf32, #tpu.memory_space<vmem_shared>>
          tpu.wait_indirect_dma semaphore(%run_scoped3A : memref<!tpu.dma_semaphore, #tpu.memory_space<semaphore_mem>>) src(%arg11 : memref<128x96xf32, #tpu.memory_space<vmem>>) dst(%dma_wait3A_42 : memref<8208x96xf32, #tpu.memory_space<vmem_shared>>)
          tpu.yield
        }) : () -> ()
        "tpu.region"() ({
          %run_scoped3A = tpu.sem_alloc : memref<!tpu.dma_semaphore, #tpu.memory_space<semaphore_mem>>
          %dma_start3A = arith.constant 0 : i32
          %dma_start3A_39 = arith.constant 0 : i32
          %dma_start3A_40 = tpu.memref_slice %arg16[%dma_start3A, %dma_start3A_39] : memref<8208x16xf32, #tpu.memory_space<vmem_shared>> -> memref<8208x16xf32, #tpu.memory_space<vmem_shared>>
          tpu.enqueue_indirect_dma source(%arg12 : memref<128x16xf32, #tpu.memory_space<vmem>>) target(%dma_start3A_40 : memref<8208x16xf32, #tpu.memory_space<vmem_shared>>) offsets(%arg10 : memref<128xi32, #tpu.memory_space<vmem>>) semaphore(%run_scoped3A : memref<!tpu.dma_semaphore, #tpu.memory_space<semaphore_mem>>) {add = true}
          %dma_wait3A = arith.constant 0 : i32
          %dma_wait3A_41 = arith.constant 0 : i32
          %dma_wait3A_42 = tpu.memref_slice %arg16[%dma_wait3A, %dma_wait3A_41] : memref<8208x16xf32, #tpu.memory_space<vmem_shared>> -> memref<8208x16xf32, #tpu.memory_space<vmem_shared>>
          tpu.wait_indirect_dma semaphore(%run_scoped3A : memref<!tpu.dma_semaphore, #tpu.memory_space<semaphore_mem>>) src(%arg12 : memref<128x16xf32, #tpu.memory_space<vmem>>) dst(%dma_wait3A_42 : memref<8208x16xf32, #tpu.memory_space<vmem_shared>>)
          tpu.yield
        }) : () -> ()
      }
      %scan3A_24 = arith.constant 18 : i32
      %barrier3A_25 = arith.constant 0 : index
      tpu.barrier barrier_id(%barrier3A_25)
      %add3A_26 = arith.addi %mul3A_10, %mul3A_12 : i32
      "tpu.region"() ({
        %run_scoped3A = tpu.sem_alloc : memref<!tpu.dma_semaphore, #tpu.memory_space<semaphore_mem>>
        %dma_start3A = arith.constant 0 : i32
        %dma_start3A_29 = tpu.memref_slice %arg7[%arg0, %add3A_26, %dma_start3A] : memref<2x147456x96xf32, #tpu.memory_space<hbm>> -> memref<1x512x96xf32, #tpu.memory_space<hbm>>
        %dma_start3A_30 = tpu.memref_squeeze %dma_start3A_29 : memref<1x512x96xf32, #tpu.memory_space<hbm>> -> memref<512x96xf32, #tpu.memory_space<hbm>>
        %dma_start3A_31 = arith.constant 0 : i32
        %dma_start3A_32 = tpu.memref_slice %arg15[%mul3A_12, %dma_start3A_31] : memref<8208x96xf32, #tpu.memory_space<vmem_shared>> -> memref<512x96xf32, #tpu.memory_space<vmem_shared>>
        tpu.enqueue_dma source(%dma_start3A_32 : memref<512x96xf32, #tpu.memory_space<vmem_shared>>) target(%dma_start3A_30 : memref<512x96xf32, #tpu.memory_space<hbm>>) target_semaphore(%run_scoped3A : memref<!tpu.dma_semaphore, #tpu.memory_space<semaphore_mem>>)
        %dma_wait3A = arith.constant 0 : i32
        %dma_wait3A_33 = tpu.memref_slice %arg7[%arg0, %add3A_26, %dma_wait3A] : memref<2x147456x96xf32, #tpu.memory_space<hbm>> -> memref<1x512x96xf32, #tpu.memory_space<hbm>>
        %dma_wait3A_34 = tpu.memref_squeeze %dma_wait3A_33 : memref<1x512x96xf32, #tpu.memory_space<hbm>> -> memref<512x96xf32, #tpu.memory_space<hbm>>
        %dma_wait3A_35 = arith.constant 0 : i32
        %dma_wait3A_36 = tpu.memref_slice %arg15[%mul3A_12, %dma_wait3A_35] : memref<8208x96xf32, #tpu.memory_space<vmem_shared>> -> memref<512x96xf32, #tpu.memory_space<vmem_shared>>
        tpu.wait_dma2 semaphore(%run_scoped3A : memref<!tpu.dma_semaphore, #tpu.memory_space<semaphore_mem>>) src(%dma_wait3A_36 : memref<512x96xf32, #tpu.memory_space<vmem_shared>>) dst(%dma_wait3A_34 : memref<512x96xf32, #tpu.memory_space<hbm>>)
        tpu.yield
      }) : () -> ()
      %add3A_27 = arith.addi %mul3A_10, %mul3A_12 : i32
      "tpu.region"() ({
        %run_scoped3A = tpu.sem_alloc : memref<!tpu.dma_semaphore, #tpu.memory_space<semaphore_mem>>
        %dma_start3A = arith.constant 0 : i32
        %dma_start3A_29 = tpu.memref_slice %arg8[%arg0, %add3A_27, %dma_start3A] : memref<2x147456x16xf32, #tpu.memory_space<hbm>> -> memref<1x512x16xf32, #tpu.memory_space<hbm>>
        %dma_start3A_30 = tpu.memref_squeeze %dma_start3A_29 : memref<1x512x16xf32, #tpu.memory_space<hbm>> -> memref<512x16xf32, #tpu.memory_space<hbm>>
        %dma_start3A_31 = arith.constant 0 : i32
        %dma_start3A_32 = tpu.memref_slice %arg16[%mul3A_12, %dma_start3A_31] : memref<8208x16xf32, #tpu.memory_space<vmem_shared>> -> memref<512x16xf32, #tpu.memory_space<vmem_shared>>
        tpu.enqueue_dma source(%dma_start3A_32 : memref<512x16xf32, #tpu.memory_space<vmem_shared>>) target(%dma_start3A_30 : memref<512x16xf32, #tpu.memory_space<hbm>>) target_semaphore(%run_scoped3A : memref<!tpu.dma_semaphore, #tpu.memory_space<semaphore_mem>>)
        %dma_wait3A = arith.constant 0 : i32
        %dma_wait3A_33 = tpu.memref_slice %arg8[%arg0, %add3A_27, %dma_wait3A] : memref<2x147456x16xf32, #tpu.memory_space<hbm>> -> memref<1x512x16xf32, #tpu.memory_space<hbm>>
        %dma_wait3A_34 = tpu.memref_squeeze %dma_wait3A_33 : memref<1x512x16xf32, #tpu.memory_space<hbm>> -> memref<512x16xf32, #tpu.memory_space<hbm>>
        %dma_wait3A_35 = arith.constant 0 : i32
        %dma_wait3A_36 = tpu.memref_slice %arg16[%mul3A_12, %dma_wait3A_35] : memref<8208x16xf32, #tpu.memory_space<vmem_shared>> -> memref<512x16xf32, #tpu.memory_space<vmem_shared>>
        tpu.wait_dma2 semaphore(%run_scoped3A : memref<!tpu.dma_semaphore, #tpu.memory_space<semaphore_mem>>) src(%dma_wait3A_36 : memref<512x16xf32, #tpu.memory_space<vmem_shared>>) dst(%dma_wait3A_34 : memref<512x16xf32, #tpu.memory_space<hbm>>)
        tpu.yield
      }) : () -> ()
      %barrier3A_28 = arith.constant 0 : index
      tpu.barrier barrier_id(%barrier3A_28)
    }
    %scan3A_7 = arith.constant 18 : i32
    return
  }
}

#map = affine_map<(d0, d1) -> (0, 0)>
#map1 = affine_map<(d0, d1) -> (0, 0, 0)>
module attributes {stable_mosaic.version = 14 : i64} {
  func.func @_gather_body(%arg0: i32, %arg1: i32, %arg2: memref<294912x96xf32, #tpu.memory_space<hbm>>, %arg3: memref<32x18x128xi32, #tpu.memory_space<hbm>>, %arg4: memref<73728x96xf32, #tpu.memory_space<hbm>>, %arg5: memref<18x128xi32, #tpu.memory_space<vmem>>, %arg6: memref<2x128x96xf32, #tpu.memory_space<vmem>>, %arg7: memref<!tpu.dma_semaphore, #tpu.memory_space<semaphore_mem>>, %arg8: memref<!tpu.dma_semaphore, #tpu.memory_space<semaphore_mem>>) attributes {dimension_semantics = [#tpu.dimension_semantics<core_parallel>, #tpu.dimension_semantics<subcore_parallel>], iteration_bounds = array<i64: 2, 16>, scalar_prefetch = 0 : i64, scratch_operands = 4 : i64, tpu.core_type = #tpu.core_type<sc_vector_subcore>, window_params = [{transform_indices = #map}, {transform_indices = #map1}, {transform_indices = #map}]} {
    %mul3A = arith.constant 2 : i32
    %mul3A_0 = arith.muli %arg1, %mul3A : i32
    %add3A = arith.addi %mul3A_0, %arg0 : i32
    "tpu.region"() ({
      %run_scoped3A = tpu.sem_alloc : memref<!tpu.dma_semaphore, #tpu.memory_space<semaphore_mem>>
      %dma_start3A_971 = arith.constant 0 : i32
      %dma_start3A_972 = arith.constant 0 : i32
      %dma_start3A_973 = tpu.memref_slice %arg3[%add3A, %dma_start3A_971, %dma_start3A_972] : memref<32x18x128xi32, #tpu.memory_space<hbm>> -> memref<1x18x128xi32, #tpu.memory_space<hbm>>
      %dma_start3A_974 = tpu.memref_squeeze %dma_start3A_973 : memref<1x18x128xi32, #tpu.memory_space<hbm>> -> memref<18x128xi32, #tpu.memory_space<hbm>>
      %dma_start3A_975 = arith.constant 0 : i32
      %dma_start3A_976 = arith.constant 0 : i32
      %dma_start3A_977 = tpu.memref_slice %arg3[%add3A, %dma_start3A_975, %dma_start3A_976] : memref<32x18x128xi32, #tpu.memory_space<hbm>> -> memref<1x18x128xi32, #tpu.memory_space<hbm>>
      %dma_start3A_978 = tpu.memref_squeeze %dma_start3A_977 : memref<1x18x128xi32, #tpu.memory_space<hbm>> -> memref<18x128xi32, #tpu.memory_space<hbm>>
      tpu.enqueue_dma source(%dma_start3A_978 : memref<18x128xi32, #tpu.memory_space<hbm>>) target(%arg5 : memref<18x128xi32, #tpu.memory_space<vmem>>) target_semaphore(%run_scoped3A : memref<!tpu.dma_semaphore, #tpu.memory_space<semaphore_mem>>)
      %dma_wait3A_979 = arith.constant 0 : i32
      %dma_wait3A_980 = arith.constant 0 : i32
      %dma_wait3A_981 = tpu.memref_slice %arg3[%add3A, %dma_wait3A_979, %dma_wait3A_980] : memref<32x18x128xi32, #tpu.memory_space<hbm>> -> memref<1x18x128xi32, #tpu.memory_space<hbm>>
      %dma_wait3A_982 = tpu.memref_squeeze %dma_wait3A_981 : memref<1x18x128xi32, #tpu.memory_space<hbm>> -> memref<18x128xi32, #tpu.memory_space<hbm>>
      %dma_wait3A_983 = arith.constant 0 : i32
      %dma_wait3A_984 = arith.constant 0 : i32
      %dma_wait3A_985 = tpu.memref_slice %arg3[%add3A, %dma_wait3A_983, %dma_wait3A_984] : memref<32x18x128xi32, #tpu.memory_space<hbm>> -> memref<1x18x128xi32, #tpu.memory_space<hbm>>
      %dma_wait3A_986 = tpu.memref_squeeze %dma_wait3A_985 : memref<1x18x128xi32, #tpu.memory_space<hbm>> -> memref<18x128xi32, #tpu.memory_space<hbm>>
      tpu.wait_dma2 semaphore(%run_scoped3A : memref<!tpu.dma_semaphore, #tpu.memory_space<semaphore_mem>>) src(%dma_wait3A_986 : memref<18x128xi32, #tpu.memory_space<hbm>>) dst(%arg5 : memref<18x128xi32, #tpu.memory_space<vmem>>)
      tpu.yield
    }) : () -> ()
    %dma_start3A = arith.constant 0 : i32
    %dma_start3A_1 = arith.constant 0 : i32
    %dma_start3A_2 = arith.constant 0 : i32
    %dma_start3A_3 = arith.constant 0 : i32
    %dma_start3A_4 = tpu.memref_slice %arg6[%dma_start3A_1, %dma_start3A_2, %dma_start3A_3] : memref<2x128x96xf32, #tpu.memory_space<vmem>> -> memref<1x128x96xf32, #tpu.memory_space<vmem>>
    %dma_start3A_5 = tpu.memref_squeeze %dma_start3A_4 : memref<1x128x96xf32, #tpu.memory_space<vmem>> -> memref<128x96xf32, #tpu.memory_space<vmem>>
    %dma_start3A_6 = arith.constant 0 : i32
    %dma_start3A_7 = tpu.memref_slice %arg5[%dma_start3A, %dma_start3A_6] : memref<18x128xi32, #tpu.memory_space<vmem>> -> memref<1x128xi32, #tpu.memory_space<vmem>>
    %dma_start3A_8 = tpu.memref_squeeze %dma_start3A_7 : memref<1x128xi32, #tpu.memory_space<vmem>> -> memref<128xi32, #tpu.memory_space<vmem>>
    %dma_start3A_9 = arith.constant 0 : i32
    %dma_start3A_10 = arith.constant 0 : i32
    %dma_start3A_11 = tpu.memref_slice %arg2[%dma_start3A_9, %dma_start3A_10] : memref<294912x96xf32, #tpu.memory_space<hbm>> -> memref<294912x96xf32, #tpu.memory_space<hbm>>
    tpu.enqueue_indirect_dma source(%dma_start3A_11 : memref<294912x96xf32, #tpu.memory_space<hbm>>) target(%dma_start3A_5 : memref<128x96xf32, #tpu.memory_space<vmem>>) offsets(%dma_start3A_8 : memref<128xi32, #tpu.memory_space<vmem>>) semaphore(%arg7 : memref<!tpu.dma_semaphore, #tpu.memory_space<semaphore_mem>>)
    %dma_start3A_12 = arith.constant 1 : i32
    %dma_start3A_13 = arith.constant 1 : i32
    %dma_start3A_14 = arith.constant 0 : i32
    %dma_start3A_15 = arith.constant 0 : i32
    %dma_start3A_16 = tpu.memref_slice %arg6[%dma_start3A_13, %dma_start3A_14, %dma_start3A_15] : memref<2x128x96xf32, #tpu.memory_space<vmem>> -> memref<1x128x96xf32, #tpu.memory_space<vmem>>
    %dma_start3A_17 = tpu.memref_squeeze %dma_start3A_16 : memref<1x128x96xf32, #tpu.memory_space<vmem>> -> memref<128x96xf32, #tpu.memory_space<vmem>>
    %dma_start3A_18 = arith.constant 0 : i32
    %dma_start3A_19 = tpu.memref_slice %arg5[%dma_start3A_12, %dma_start3A_18] : memref<18x128xi32, #tpu.memory_space<vmem>> -> memref<1x128xi32, #tpu.memory_space<vmem>>
    %dma_start3A_20 = tpu.memref_squeeze %dma_start3A_19 : memref<1x128xi32, #tpu.memory_space<vmem>> -> memref<128xi32, #tpu.memory_space<vmem>>
    %dma_start3A_21 = arith.constant 0 : i32
    %dma_start3A_22 = arith.constant 0 : i32
    %dma_start3A_23 = tpu.memref_slice %arg2[%dma_start3A_21, %dma_start3A_22] : memref<294912x96xf32, #tpu.memory_space<hbm>> -> memref<294912x96xf32, #tpu.memory_space<hbm>>
    tpu.enqueue_indirect_dma source(%dma_start3A_23 : memref<294912x96xf32, #tpu.memory_space<hbm>>) target(%dma_start3A_17 : memref<128x96xf32, #tpu.memory_space<vmem>>) offsets(%dma_start3A_20 : memref<128xi32, #tpu.memory_space<vmem>>) semaphore(%arg7 : memref<!tpu.dma_semaphore, #tpu.memory_space<semaphore_mem>>)
    %dma_wait3A = arith.constant 0 : i32
    %dma_wait3A_24 = arith.constant 0 : i32
    %dma_wait3A_25 = arith.constant 0 : i32
    %dma_wait3A_26 = arith.constant 0 : i32
    %dma_wait3A_27 = tpu.memref_slice %arg6[%dma_wait3A_24, %dma_wait3A_25, %dma_wait3A_26] : memref<2x128x96xf32, #tpu.memory_space<vmem>> -> memref<1x128x96xf32, #tpu.memory_space<vmem>>
    %dma_wait3A_28 = tpu.memref_squeeze %dma_wait3A_27 : memref<1x128x96xf32, #tpu.memory_space<vmem>> -> memref<128x96xf32, #tpu.memory_space<vmem>>
    %dma_wait3A_29 = arith.constant 0 : i32
    %dma_wait3A_30 = tpu.memref_slice %arg5[%dma_wait3A, %dma_wait3A_29] : memref<18x128xi32, #tpu.memory_space<vmem>> -> memref<1x128xi32, #tpu.memory_space<vmem>>
    %dma_wait3A_31 = tpu.memref_squeeze %dma_wait3A_30 : memref<1x128xi32, #tpu.memory_space<vmem>> -> memref<128xi32, #tpu.memory_space<vmem>>
    %dma_wait3A_32 = arith.constant 0 : i32
    %dma_wait3A_33 = arith.constant 0 : i32
    %dma_wait3A_34 = tpu.memref_slice %arg2[%dma_wait3A_32, %dma_wait3A_33] : memref<294912x96xf32, #tpu.memory_space<hbm>> -> memref<294912x96xf32, #tpu.memory_space<hbm>>
    tpu.wait_indirect_dma semaphore(%arg7 : memref<!tpu.dma_semaphore, #tpu.memory_space<semaphore_mem>>) src(%dma_wait3A_34 : memref<294912x96xf32, #tpu.memory_space<hbm>>) dst(%dma_wait3A_28 : memref<128x96xf32, #tpu.memory_space<vmem>>)
    %mul3A_35 = arith.constant 2304 : i32
    %mul3A_36 = arith.muli %add3A, %mul3A_35 : i32
    %add3A_37 = arith.constant 0 : i32
    %add3A_38 = arith.addi %mul3A_36, %add3A_37 : i32
    %dma_start3A_39 = arith.constant 0 : i32
    %dma_start3A_40 = arith.constant 0 : i32
    %dma_start3A_41 = arith.constant 0 : i32
    %dma_start3A_42 = tpu.memref_slice %arg6[%dma_start3A_39, %dma_start3A_40, %dma_start3A_41] : memref<2x128x96xf32, #tpu.memory_space<vmem>> -> memref<1x128x96xf32, #tpu.memory_space<vmem>>
    %dma_start3A_43 = tpu.memref_squeeze %dma_start3A_42 : memref<1x128x96xf32, #tpu.memory_space<vmem>> -> memref<128x96xf32, #tpu.memory_space<vmem>>
    %dma_start3A_44 = arith.constant 0 : i32
    %dma_start3A_45 = tpu.memref_slice %arg4[%add3A_38, %dma_start3A_44] : memref<73728x96xf32, #tpu.memory_space<hbm>> -> memref<128x96xf32, #tpu.memory_space<hbm>>
    %dma_start3A_46 = arith.constant 0 : i32
    %dma_start3A_47 = tpu.memref_slice %arg4[%add3A_38, %dma_start3A_46] : memref<73728x96xf32, #tpu.memory_space<hbm>> -> memref<128x96xf32, #tpu.memory_space<hbm>>
    %dma_start3A_48 = arith.constant 0 : i32
    %dma_start3A_49 = arith.constant 0 : i32
    %dma_start3A_50 = tpu.memref_slice %arg6[%dma_start3A_39, %dma_start3A_48, %dma_start3A_49] : memref<2x128x96xf32, #tpu.memory_space<vmem>> -> memref<1x128x96xf32, #tpu.memory_space<vmem>>
    %dma_start3A_51 = tpu.memref_squeeze %dma_start3A_50 : memref<1x128x96xf32, #tpu.memory_space<vmem>> -> memref<128x96xf32, #tpu.memory_space<vmem>>
    tpu.enqueue_dma source(%dma_start3A_51 : memref<128x96xf32, #tpu.memory_space<vmem>>) target(%dma_start3A_47 : memref<128x96xf32, #tpu.memory_space<hbm>>) target_semaphore(%arg8 : memref<!tpu.dma_semaphore, #tpu.memory_space<semaphore_mem>>)
    %dma_wait3A_52 = arith.constant 0 : i32
    %dma_wait3A_53 = arith.constant 0 : i32
    %dma_wait3A_54 = arith.constant 0 : i32
    %dma_wait3A_55 = tpu.memref_slice %arg6[%dma_wait3A_52, %dma_wait3A_53, %dma_wait3A_54] : memref<2x128x96xf32, #tpu.memory_space<vmem>> -> memref<1x128x96xf32, #tpu.memory_space<vmem>>
    %dma_wait3A_56 = tpu.memref_squeeze %dma_wait3A_55 : memref<1x128x96xf32, #tpu.memory_space<vmem>> -> memref<128x96xf32, #tpu.memory_space<vmem>>
    %dma_wait3A_57 = arith.constant 0 : i32
    %dma_wait3A_58 = tpu.memref_slice %arg4[%add3A_38, %dma_wait3A_57] : memref<73728x96xf32, #tpu.memory_space<hbm>> -> memref<128x96xf32, #tpu.memory_space<hbm>>
    %dma_wait3A_59 = arith.constant 0 : i32
    %dma_wait3A_60 = tpu.memref_slice %arg4[%add3A_38, %dma_wait3A_59] : memref<73728x96xf32, #tpu.memory_space<hbm>> -> memref<128x96xf32, #tpu.memory_space<hbm>>
    %dma_wait3A_61 = arith.constant 0 : i32
    %dma_wait3A_62 = arith.constant 0 : i32
    %dma_wait3A_63 = tpu.memref_slice %arg6[%dma_wait3A_52, %dma_wait3A_61, %dma_wait3A_62] : memref<2x128x96xf32, #tpu.memory_space<vmem>> -> memref<1x128x96xf32, #tpu.memory_space<vmem>>
    %dma_wait3A_64 = tpu.memref_squeeze %dma_wait3A_63 : memref<1x128x96xf32, #tpu.memory_space<vmem>> -> memref<128x96xf32, #tpu.memory_space<vmem>>
    tpu.wait_dma2 semaphore(%arg8 : memref<!tpu.dma_semaphore, #tpu.memory_space<semaphore_mem>>) src(%dma_wait3A_64 : memref<128x96xf32, #tpu.memory_space<vmem>>) dst(%dma_wait3A_60 : memref<128x96xf32, #tpu.memory_space<hbm>>)
    %dma_start3A_65 = arith.constant 2 : i32
    %dma_start3A_66 = arith.constant 0 : i32
    %dma_start3A_67 = arith.constant 0 : i32
    %dma_start3A_68 = arith.constant 0 : i32
    %dma_start3A_69 = tpu.memref_slice %arg6[%dma_start3A_66, %dma_start3A_67, %dma_start3A_68] : memref<2x128x96xf32, #tpu.memory_space<vmem>> -> memref<1x128x96xf32, #tpu.memory_space<vmem>>
    %dma_start3A_70 = tpu.memref_squeeze %dma_start3A_69 : memref<1x128x96xf32, #tpu.memory_space<vmem>> -> memref<128x96xf32, #tpu.memory_space<vmem>>
    %dma_start3A_71 = arith.constant 0 : i32
    %dma_start3A_72 = tpu.memref_slice %arg5[%dma_start3A_65, %dma_start3A_71] : memref<18x128xi32, #tpu.memory_space<vmem>> -> memref<1x128xi32, #tpu.memory_space<vmem>>
    %dma_start3A_73 = tpu.memref_squeeze %dma_start3A_72 : memref<1x128xi32, #tpu.memory_space<vmem>> -> memref<128xi32, #tpu.memory_space<vmem>>
    %dma_start3A_74 = arith.constant 0 : i32
    %dma_start3A_75 = arith.constant 0 : i32
    %dma_start3A_76 = tpu.memref_slice %arg2[%dma_start3A_74, %dma_start3A_75] : memref<294912x96xf32, #tpu.memory_space<hbm>> -> memref<294912x96xf32, #tpu.memory_space<hbm>>
    tpu.enqueue_indirect_dma source(%dma_start3A_76 : memref<294912x96xf32, #tpu.memory_space<hbm>>) target(%dma_start3A_70 : memref<128x96xf32, #tpu.memory_space<vmem>>) offsets(%dma_start3A_73 : memref<128xi32, #tpu.memory_space<vmem>>) semaphore(%arg7 : memref<!tpu.dma_semaphore, #tpu.memory_space<semaphore_mem>>)
    %dma_wait3A_77 = arith.constant 1 : i32
    %dma_wait3A_78 = arith.constant 1 : i32
    %dma_wait3A_79 = arith.constant 0 : i32
    %dma_wait3A_80 = arith.constant 0 : i32
    %dma_wait3A_81 = tpu.memref_slice %arg6[%dma_wait3A_78, %dma_wait3A_79, %dma_wait3A_80] : memref<2x128x96xf32, #tpu.memory_space<vmem>> -> memref<1x128x96xf32, #tpu.memory_space<vmem>>
    %dma_wait3A_82 = tpu.memref_squeeze %dma_wait3A_81 : memref<1x128x96xf32, #tpu.memory_space<vmem>> -> memref<128x96xf32, #tpu.memory_space<vmem>>
    %dma_wait3A_83 = arith.constant 0 : i32
    %dma_wait3A_84 = tpu.memref_slice %arg5[%dma_wait3A_77, %dma_wait3A_83] : memref<18x128xi32, #tpu.memory_space<vmem>> -> memref<1x128xi32, #tpu.memory_space<vmem>>
    %dma_wait3A_85 = tpu.memref_squeeze %dma_wait3A_84 : memref<1x128xi32, #tpu.memory_space<vmem>> -> memref<128xi32, #tpu.memory_space<vmem>>
    %dma_wait3A_86 = arith.constant 0 : i32
    %dma_wait3A_87 = arith.constant 0 : i32
    %dma_wait3A_88 = tpu.memref_slice %arg2[%dma_wait3A_86, %dma_wait3A_87] : memref<294912x96xf32, #tpu.memory_space<hbm>> -> memref<294912x96xf32, #tpu.memory_space<hbm>>
    tpu.wait_indirect_dma semaphore(%arg7 : memref<!tpu.dma_semaphore, #tpu.memory_space<semaphore_mem>>) src(%dma_wait3A_88 : memref<294912x96xf32, #tpu.memory_space<hbm>>) dst(%dma_wait3A_82 : memref<128x96xf32, #tpu.memory_space<vmem>>)
    %mul3A_89 = arith.constant 2304 : i32
    %mul3A_90 = arith.muli %add3A, %mul3A_89 : i32
    %add3A_91 = arith.constant 128 : i32
    %add3A_92 = arith.addi %mul3A_90, %add3A_91 : i32
    %dma_start3A_93 = arith.constant 1 : i32
    %dma_start3A_94 = arith.constant 0 : i32
    %dma_start3A_95 = arith.constant 0 : i32
    %dma_start3A_96 = tpu.memref_slice %arg6[%dma_start3A_93, %dma_start3A_94, %dma_start3A_95] : memref<2x128x96xf32, #tpu.memory_space<vmem>> -> memref<1x128x96xf32, #tpu.memory_space<vmem>>
    %dma_start3A_97 = tpu.memref_squeeze %dma_start3A_96 : memref<1x128x96xf32, #tpu.memory_space<vmem>> -> memref<128x96xf32, #tpu.memory_space<vmem>>
    %dma_start3A_98 = arith.constant 0 : i32
    %dma_start3A_99 = tpu.memref_slice %arg4[%add3A_92, %dma_start3A_98] : memref<73728x96xf32, #tpu.memory_space<hbm>> -> memref<128x96xf32, #tpu.memory_space<hbm>>
    %dma_start3A_100 = arith.constant 0 : i32
    %dma_start3A_101 = tpu.memref_slice %arg4[%add3A_92, %dma_start3A_100] : memref<73728x96xf32, #tpu.memory_space<hbm>> -> memref<128x96xf32, #tpu.memory_space<hbm>>
    %dma_start3A_102 = arith.constant 0 : i32
    %dma_start3A_103 = arith.constant 0 : i32
    %dma_start3A_104 = tpu.memref_slice %arg6[%dma_start3A_93, %dma_start3A_102, %dma_start3A_103] : memref<2x128x96xf32, #tpu.memory_space<vmem>> -> memref<1x128x96xf32, #tpu.memory_space<vmem>>
    %dma_start3A_105 = tpu.memref_squeeze %dma_start3A_104 : memref<1x128x96xf32, #tpu.memory_space<vmem>> -> memref<128x96xf32, #tpu.memory_space<vmem>>
    tpu.enqueue_dma source(%dma_start3A_105 : memref<128x96xf32, #tpu.memory_space<vmem>>) target(%dma_start3A_101 : memref<128x96xf32, #tpu.memory_space<hbm>>) target_semaphore(%arg8 : memref<!tpu.dma_semaphore, #tpu.memory_space<semaphore_mem>>)
    %dma_wait3A_106 = arith.constant 1 : i32
    %dma_wait3A_107 = arith.constant 0 : i32
    %dma_wait3A_108 = arith.constant 0 : i32
    %dma_wait3A_109 = tpu.memref_slice %arg6[%dma_wait3A_106, %dma_wait3A_107, %dma_wait3A_108] : memref<2x128x96xf32, #tpu.memory_space<vmem>> -> memref<1x128x96xf32, #tpu.memory_space<vmem>>
    %dma_wait3A_110 = tpu.memref_squeeze %dma_wait3A_109 : memref<1x128x96xf32, #tpu.memory_space<vmem>> -> memref<128x96xf32, #tpu.memory_space<vmem>>
    %dma_wait3A_111 = arith.constant 0 : i32
    %dma_wait3A_112 = tpu.memref_slice %arg4[%add3A_92, %dma_wait3A_111] : memref<73728x96xf32, #tpu.memory_space<hbm>> -> memref<128x96xf32, #tpu.memory_space<hbm>>
    %dma_wait3A_113 = arith.constant 0 : i32
    %dma_wait3A_114 = tpu.memref_slice %arg4[%add3A_92, %dma_wait3A_113] : memref<73728x96xf32, #tpu.memory_space<hbm>> -> memref<128x96xf32, #tpu.memory_space<hbm>>
    %dma_wait3A_115 = arith.constant 0 : i32
    %dma_wait3A_116 = arith.constant 0 : i32
    %dma_wait3A_117 = tpu.memref_slice %arg6[%dma_wait3A_106, %dma_wait3A_115, %dma_wait3A_116] : memref<2x128x96xf32, #tpu.memory_space<vmem>> -> memref<1x128x96xf32, #tpu.memory_space<vmem>>
    %dma_wait3A_118 = tpu.memref_squeeze %dma_wait3A_117 : memref<1x128x96xf32, #tpu.memory_space<vmem>> -> memref<128x96xf32, #tpu.memory_space<vmem>>
    tpu.wait_dma2 semaphore(%arg8 : memref<!tpu.dma_semaphore, #tpu.memory_space<semaphore_mem>>) src(%dma_wait3A_118 : memref<128x96xf32, #tpu.memory_space<vmem>>) dst(%dma_wait3A_114 : memref<128x96xf32, #tpu.memory_space<hbm>>)
    %dma_start3A_119 = arith.constant 3 : i32
    %dma_start3A_120 = arith.constant 1 : i32
    %dma_start3A_121 = arith.constant 0 : i32
    %dma_start3A_122 = arith.constant 0 : i32
    %dma_start3A_123 = tpu.memref_slice %arg6[%dma_start3A_120, %dma_start3A_121, %dma_start3A_122] : memref<2x128x96xf32, #tpu.memory_space<vmem>> -> memref<1x128x96xf32, #tpu.memory_space<vmem>>
    %dma_start3A_124 = tpu.memref_squeeze %dma_start3A_123 : memref<1x128x96xf32, #tpu.memory_space<vmem>> -> memref<128x96xf32, #tpu.memory_space<vmem>>
    %dma_start3A_125 = arith.constant 0 : i32
    %dma_start3A_126 = tpu.memref_slice %arg5[%dma_start3A_119, %dma_start3A_125] : memref<18x128xi32, #tpu.memory_space<vmem>> -> memref<1x128xi32, #tpu.memory_space<vmem>>
    %dma_start3A_127 = tpu.memref_squeeze %dma_start3A_126 : memref<1x128xi32, #tpu.memory_space<vmem>> -> memref<128xi32, #tpu.memory_space<vmem>>
    %dma_start3A_128 = arith.constant 0 : i32
    %dma_start3A_129 = arith.constant 0 : i32
    %dma_start3A_130 = tpu.memref_slice %arg2[%dma_start3A_128, %dma_start3A_129] : memref<294912x96xf32, #tpu.memory_space<hbm>> -> memref<294912x96xf32, #tpu.memory_space<hbm>>
    tpu.enqueue_indirect_dma source(%dma_start3A_130 : memref<294912x96xf32, #tpu.memory_space<hbm>>) target(%dma_start3A_124 : memref<128x96xf32, #tpu.memory_space<vmem>>) offsets(%dma_start3A_127 : memref<128xi32, #tpu.memory_space<vmem>>) semaphore(%arg7 : memref<!tpu.dma_semaphore, #tpu.memory_space<semaphore_mem>>)
    %dma_wait3A_131 = arith.constant 2 : i32
    %dma_wait3A_132 = arith.constant 0 : i32
    %dma_wait3A_133 = arith.constant 0 : i32
    %dma_wait3A_134 = arith.constant 0 : i32
    %dma_wait3A_135 = tpu.memref_slice %arg6[%dma_wait3A_132, %dma_wait3A_133, %dma_wait3A_134] : memref<2x128x96xf32, #tpu.memory_space<vmem>> -> memref<1x128x96xf32, #tpu.memory_space<vmem>>
    %dma_wait3A_136 = tpu.memref_squeeze %dma_wait3A_135 : memref<1x128x96xf32, #tpu.memory_space<vmem>> -> memref<128x96xf32, #tpu.memory_space<vmem>>
    %dma_wait3A_137 = arith.constant 0 : i32
    %dma_wait3A_138 = tpu.memref_slice %arg5[%dma_wait3A_131, %dma_wait3A_137] : memref<18x128xi32, #tpu.memory_space<vmem>> -> memref<1x128xi32, #tpu.memory_space<vmem>>
    %dma_wait3A_139 = tpu.memref_squeeze %dma_wait3A_138 : memref<1x128xi32, #tpu.memory_space<vmem>> -> memref<128xi32, #tpu.memory_space<vmem>>
    %dma_wait3A_140 = arith.constant 0 : i32
    %dma_wait3A_141 = arith.constant 0 : i32
    %dma_wait3A_142 = tpu.memref_slice %arg2[%dma_wait3A_140, %dma_wait3A_141] : memref<294912x96xf32, #tpu.memory_space<hbm>> -> memref<294912x96xf32, #tpu.memory_space<hbm>>
    tpu.wait_indirect_dma semaphore(%arg7 : memref<!tpu.dma_semaphore, #tpu.memory_space<semaphore_mem>>) src(%dma_wait3A_142 : memref<294912x96xf32, #tpu.memory_space<hbm>>) dst(%dma_wait3A_136 : memref<128x96xf32, #tpu.memory_space<vmem>>)
    %mul3A_143 = arith.constant 2304 : i32
    %mul3A_144 = arith.muli %add3A, %mul3A_143 : i32
    %add3A_145 = arith.constant 256 : i32
    %add3A_146 = arith.addi %mul3A_144, %add3A_145 : i32
    %dma_start3A_147 = arith.constant 0 : i32
    %dma_start3A_148 = arith.constant 0 : i32
    %dma_start3A_149 = arith.constant 0 : i32
    %dma_start3A_150 = tpu.memref_slice %arg6[%dma_start3A_147, %dma_start3A_148, %dma_start3A_149] : memref<2x128x96xf32, #tpu.memory_space<vmem>> -> memref<1x128x96xf32, #tpu.memory_space<vmem>>
    %dma_start3A_151 = tpu.memref_squeeze %dma_start3A_150 : memref<1x128x96xf32, #tpu.memory_space<vmem>> -> memref<128x96xf32, #tpu.memory_space<vmem>>
    %dma_start3A_152 = arith.constant 0 : i32
    %dma_start3A_153 = tpu.memref_slice %arg4[%add3A_146, %dma_start3A_152] : memref<73728x96xf32, #tpu.memory_space<hbm>> -> memref<128x96xf32, #tpu.memory_space<hbm>>
    %dma_start3A_154 = arith.constant 0 : i32
    %dma_start3A_155 = tpu.memref_slice %arg4[%add3A_146, %dma_start3A_154] : memref<73728x96xf32, #tpu.memory_space<hbm>> -> memref<128x96xf32, #tpu.memory_space<hbm>>
    %dma_start3A_156 = arith.constant 0 : i32
    %dma_start3A_157 = arith.constant 0 : i32
    %dma_start3A_158 = tpu.memref_slice %arg6[%dma_start3A_147, %dma_start3A_156, %dma_start3A_157] : memref<2x128x96xf32, #tpu.memory_space<vmem>> -> memref<1x128x96xf32, #tpu.memory_space<vmem>>
    %dma_start3A_159 = tpu.memref_squeeze %dma_start3A_158 : memref<1x128x96xf32, #tpu.memory_space<vmem>> -> memref<128x96xf32, #tpu.memory_space<vmem>>
    tpu.enqueue_dma source(%dma_start3A_159 : memref<128x96xf32, #tpu.memory_space<vmem>>) target(%dma_start3A_155 : memref<128x96xf32, #tpu.memory_space<hbm>>) target_semaphore(%arg8 : memref<!tpu.dma_semaphore, #tpu.memory_space<semaphore_mem>>)
    %dma_wait3A_160 = arith.constant 0 : i32
    %dma_wait3A_161 = arith.constant 0 : i32
    %dma_wait3A_162 = arith.constant 0 : i32
    %dma_wait3A_163 = tpu.memref_slice %arg6[%dma_wait3A_160, %dma_wait3A_161, %dma_wait3A_162] : memref<2x128x96xf32, #tpu.memory_space<vmem>> -> memref<1x128x96xf32, #tpu.memory_space<vmem>>
    %dma_wait3A_164 = tpu.memref_squeeze %dma_wait3A_163 : memref<1x128x96xf32, #tpu.memory_space<vmem>> -> memref<128x96xf32, #tpu.memory_space<vmem>>
    %dma_wait3A_165 = arith.constant 0 : i32
    %dma_wait3A_166 = tpu.memref_slice %arg4[%add3A_146, %dma_wait3A_165] : memref<73728x96xf32, #tpu.memory_space<hbm>> -> memref<128x96xf32, #tpu.memory_space<hbm>>
    %dma_wait3A_167 = arith.constant 0 : i32
    %dma_wait3A_168 = tpu.memref_slice %arg4[%add3A_146, %dma_wait3A_167] : memref<73728x96xf32, #tpu.memory_space<hbm>> -> memref<128x96xf32, #tpu.memory_space<hbm>>
    %dma_wait3A_169 = arith.constant 0 : i32
    %dma_wait3A_170 = arith.constant 0 : i32
    %dma_wait3A_171 = tpu.memref_slice %arg6[%dma_wait3A_160, %dma_wait3A_169, %dma_wait3A_170] : memref<2x128x96xf32, #tpu.memory_space<vmem>> -> memref<1x128x96xf32, #tpu.memory_space<vmem>>
    %dma_wait3A_172 = tpu.memref_squeeze %dma_wait3A_171 : memref<1x128x96xf32, #tpu.memory_space<vmem>> -> memref<128x96xf32, #tpu.memory_space<vmem>>
    tpu.wait_dma2 semaphore(%arg8 : memref<!tpu.dma_semaphore, #tpu.memory_space<semaphore_mem>>) src(%dma_wait3A_172 : memref<128x96xf32, #tpu.memory_space<vmem>>) dst(%dma_wait3A_168 : memref<128x96xf32, #tpu.memory_space<hbm>>)
    %dma_start3A_173 = arith.constant 4 : i32
    %dma_start3A_174 = arith.constant 0 : i32
    %dma_start3A_175 = arith.constant 0 : i32
    %dma_start3A_176 = arith.constant 0 : i32
    %dma_start3A_177 = tpu.memref_slice %arg6[%dma_start3A_174, %dma_start3A_175, %dma_start3A_176] : memref<2x128x96xf32, #tpu.memory_space<vmem>> -> memref<1x128x96xf32, #tpu.memory_space<vmem>>
    %dma_start3A_178 = tpu.memref_squeeze %dma_start3A_177 : memref<1x128x96xf32, #tpu.memory_space<vmem>> -> memref<128x96xf32, #tpu.memory_space<vmem>>
    %dma_start3A_179 = arith.constant 0 : i32
    %dma_start3A_180 = tpu.memref_slice %arg5[%dma_start3A_173, %dma_start3A_179] : memref<18x128xi32, #tpu.memory_space<vmem>> -> memref<1x128xi32, #tpu.memory_space<vmem>>
    %dma_start3A_181 = tpu.memref_squeeze %dma_start3A_180 : memref<1x128xi32, #tpu.memory_space<vmem>> -> memref<128xi32, #tpu.memory_space<vmem>>
    %dma_start3A_182 = arith.constant 0 : i32
    %dma_start3A_183 = arith.constant 0 : i32
    %dma_start3A_184 = tpu.memref_slice %arg2[%dma_start3A_182, %dma_start3A_183] : memref<294912x96xf32, #tpu.memory_space<hbm>> -> memref<294912x96xf32, #tpu.memory_space<hbm>>
    tpu.enqueue_indirect_dma source(%dma_start3A_184 : memref<294912x96xf32, #tpu.memory_space<hbm>>) target(%dma_start3A_178 : memref<128x96xf32, #tpu.memory_space<vmem>>) offsets(%dma_start3A_181 : memref<128xi32, #tpu.memory_space<vmem>>) semaphore(%arg7 : memref<!tpu.dma_semaphore, #tpu.memory_space<semaphore_mem>>)
    %dma_wait3A_185 = arith.constant 3 : i32
    %dma_wait3A_186 = arith.constant 1 : i32
    %dma_wait3A_187 = arith.constant 0 : i32
    %dma_wait3A_188 = arith.constant 0 : i32
    %dma_wait3A_189 = tpu.memref_slice %arg6[%dma_wait3A_186, %dma_wait3A_187, %dma_wait3A_188] : memref<2x128x96xf32, #tpu.memory_space<vmem>> -> memref<1x128x96xf32, #tpu.memory_space<vmem>>
    %dma_wait3A_190 = tpu.memref_squeeze %dma_wait3A_189 : memref<1x128x96xf32, #tpu.memory_space<vmem>> -> memref<128x96xf32, #tpu.memory_space<vmem>>
    %dma_wait3A_191 = arith.constant 0 : i32
    %dma_wait3A_192 = tpu.memref_slice %arg5[%dma_wait3A_185, %dma_wait3A_191] : memref<18x128xi32, #tpu.memory_space<vmem>> -> memref<1x128xi32, #tpu.memory_space<vmem>>
    %dma_wait3A_193 = tpu.memref_squeeze %dma_wait3A_192 : memref<1x128xi32, #tpu.memory_space<vmem>> -> memref<128xi32, #tpu.memory_space<vmem>>
    %dma_wait3A_194 = arith.constant 0 : i32
    %dma_wait3A_195 = arith.constant 0 : i32
    %dma_wait3A_196 = tpu.memref_slice %arg2[%dma_wait3A_194, %dma_wait3A_195] : memref<294912x96xf32, #tpu.memory_space<hbm>> -> memref<294912x96xf32, #tpu.memory_space<hbm>>
    tpu.wait_indirect_dma semaphore(%arg7 : memref<!tpu.dma_semaphore, #tpu.memory_space<semaphore_mem>>) src(%dma_wait3A_196 : memref<294912x96xf32, #tpu.memory_space<hbm>>) dst(%dma_wait3A_190 : memref<128x96xf32, #tpu.memory_space<vmem>>)
    %mul3A_197 = arith.constant 2304 : i32
    %mul3A_198 = arith.muli %add3A, %mul3A_197 : i32
    %add3A_199 = arith.constant 384 : i32
    %add3A_200 = arith.addi %mul3A_198, %add3A_199 : i32
    %dma_start3A_201 = arith.constant 1 : i32
    %dma_start3A_202 = arith.constant 0 : i32
    %dma_start3A_203 = arith.constant 0 : i32
    %dma_start3A_204 = tpu.memref_slice %arg6[%dma_start3A_201, %dma_start3A_202, %dma_start3A_203] : memref<2x128x96xf32, #tpu.memory_space<vmem>> -> memref<1x128x96xf32, #tpu.memory_space<vmem>>
    %dma_start3A_205 = tpu.memref_squeeze %dma_start3A_204 : memref<1x128x96xf32, #tpu.memory_space<vmem>> -> memref<128x96xf32, #tpu.memory_space<vmem>>
    %dma_start3A_206 = arith.constant 0 : i32
    %dma_start3A_207 = tpu.memref_slice %arg4[%add3A_200, %dma_start3A_206] : memref<73728x96xf32, #tpu.memory_space<hbm>> -> memref<128x96xf32, #tpu.memory_space<hbm>>
    %dma_start3A_208 = arith.constant 0 : i32
    %dma_start3A_209 = tpu.memref_slice %arg4[%add3A_200, %dma_start3A_208] : memref<73728x96xf32, #tpu.memory_space<hbm>> -> memref<128x96xf32, #tpu.memory_space<hbm>>
    %dma_start3A_210 = arith.constant 0 : i32
    %dma_start3A_211 = arith.constant 0 : i32
    %dma_start3A_212 = tpu.memref_slice %arg6[%dma_start3A_201, %dma_start3A_210, %dma_start3A_211] : memref<2x128x96xf32, #tpu.memory_space<vmem>> -> memref<1x128x96xf32, #tpu.memory_space<vmem>>
    %dma_start3A_213 = tpu.memref_squeeze %dma_start3A_212 : memref<1x128x96xf32, #tpu.memory_space<vmem>> -> memref<128x96xf32, #tpu.memory_space<vmem>>
    tpu.enqueue_dma source(%dma_start3A_213 : memref<128x96xf32, #tpu.memory_space<vmem>>) target(%dma_start3A_209 : memref<128x96xf32, #tpu.memory_space<hbm>>) target_semaphore(%arg8 : memref<!tpu.dma_semaphore, #tpu.memory_space<semaphore_mem>>)
    %dma_wait3A_214 = arith.constant 1 : i32
    %dma_wait3A_215 = arith.constant 0 : i32
    %dma_wait3A_216 = arith.constant 0 : i32
    %dma_wait3A_217 = tpu.memref_slice %arg6[%dma_wait3A_214, %dma_wait3A_215, %dma_wait3A_216] : memref<2x128x96xf32, #tpu.memory_space<vmem>> -> memref<1x128x96xf32, #tpu.memory_space<vmem>>
    %dma_wait3A_218 = tpu.memref_squeeze %dma_wait3A_217 : memref<1x128x96xf32, #tpu.memory_space<vmem>> -> memref<128x96xf32, #tpu.memory_space<vmem>>
    %dma_wait3A_219 = arith.constant 0 : i32
    %dma_wait3A_220 = tpu.memref_slice %arg4[%add3A_200, %dma_wait3A_219] : memref<73728x96xf32, #tpu.memory_space<hbm>> -> memref<128x96xf32, #tpu.memory_space<hbm>>
    %dma_wait3A_221 = arith.constant 0 : i32
    %dma_wait3A_222 = tpu.memref_slice %arg4[%add3A_200, %dma_wait3A_221] : memref<73728x96xf32, #tpu.memory_space<hbm>> -> memref<128x96xf32, #tpu.memory_space<hbm>>
    %dma_wait3A_223 = arith.constant 0 : i32
    %dma_wait3A_224 = arith.constant 0 : i32
    %dma_wait3A_225 = tpu.memref_slice %arg6[%dma_wait3A_214, %dma_wait3A_223, %dma_wait3A_224] : memref<2x128x96xf32, #tpu.memory_space<vmem>> -> memref<1x128x96xf32, #tpu.memory_space<vmem>>
    %dma_wait3A_226 = tpu.memref_squeeze %dma_wait3A_225 : memref<1x128x96xf32, #tpu.memory_space<vmem>> -> memref<128x96xf32, #tpu.memory_space<vmem>>
    tpu.wait_dma2 semaphore(%arg8 : memref<!tpu.dma_semaphore, #tpu.memory_space<semaphore_mem>>) src(%dma_wait3A_226 : memref<128x96xf32, #tpu.memory_space<vmem>>) dst(%dma_wait3A_222 : memref<128x96xf32, #tpu.memory_space<hbm>>)
    %dma_start3A_227 = arith.constant 5 : i32
    %dma_start3A_228 = arith.constant 1 : i32
    %dma_start3A_229 = arith.constant 0 : i32
    %dma_start3A_230 = arith.constant 0 : i32
    %dma_start3A_231 = tpu.memref_slice %arg6[%dma_start3A_228, %dma_start3A_229, %dma_start3A_230] : memref<2x128x96xf32, #tpu.memory_space<vmem>> -> memref<1x128x96xf32, #tpu.memory_space<vmem>>
    %dma_start3A_232 = tpu.memref_squeeze %dma_start3A_231 : memref<1x128x96xf32, #tpu.memory_space<vmem>> -> memref<128x96xf32, #tpu.memory_space<vmem>>
    %dma_start3A_233 = arith.constant 0 : i32
    %dma_start3A_234 = tpu.memref_slice %arg5[%dma_start3A_227, %dma_start3A_233] : memref<18x128xi32, #tpu.memory_space<vmem>> -> memref<1x128xi32, #tpu.memory_space<vmem>>
    %dma_start3A_235 = tpu.memref_squeeze %dma_start3A_234 : memref<1x128xi32, #tpu.memory_space<vmem>> -> memref<128xi32, #tpu.memory_space<vmem>>
    %dma_start3A_236 = arith.constant 0 : i32
    %dma_start3A_237 = arith.constant 0 : i32
    %dma_start3A_238 = tpu.memref_slice %arg2[%dma_start3A_236, %dma_start3A_237] : memref<294912x96xf32, #tpu.memory_space<hbm>> -> memref<294912x96xf32, #tpu.memory_space<hbm>>
    tpu.enqueue_indirect_dma source(%dma_start3A_238 : memref<294912x96xf32, #tpu.memory_space<hbm>>) target(%dma_start3A_232 : memref<128x96xf32, #tpu.memory_space<vmem>>) offsets(%dma_start3A_235 : memref<128xi32, #tpu.memory_space<vmem>>) semaphore(%arg7 : memref<!tpu.dma_semaphore, #tpu.memory_space<semaphore_mem>>)
    %dma_wait3A_239 = arith.constant 4 : i32
    %dma_wait3A_240 = arith.constant 0 : i32
    %dma_wait3A_241 = arith.constant 0 : i32
    %dma_wait3A_242 = arith.constant 0 : i32
    %dma_wait3A_243 = tpu.memref_slice %arg6[%dma_wait3A_240, %dma_wait3A_241, %dma_wait3A_242] : memref<2x128x96xf32, #tpu.memory_space<vmem>> -> memref<1x128x96xf32, #tpu.memory_space<vmem>>
    %dma_wait3A_244 = tpu.memref_squeeze %dma_wait3A_243 : memref<1x128x96xf32, #tpu.memory_space<vmem>> -> memref<128x96xf32, #tpu.memory_space<vmem>>
    %dma_wait3A_245 = arith.constant 0 : i32
    %dma_wait3A_246 = tpu.memref_slice %arg5[%dma_wait3A_239, %dma_wait3A_245] : memref<18x128xi32, #tpu.memory_space<vmem>> -> memref<1x128xi32, #tpu.memory_space<vmem>>
    %dma_wait3A_247 = tpu.memref_squeeze %dma_wait3A_246 : memref<1x128xi32, #tpu.memory_space<vmem>> -> memref<128xi32, #tpu.memory_space<vmem>>
    %dma_wait3A_248 = arith.constant 0 : i32
    %dma_wait3A_249 = arith.constant 0 : i32
    %dma_wait3A_250 = tpu.memref_slice %arg2[%dma_wait3A_248, %dma_wait3A_249] : memref<294912x96xf32, #tpu.memory_space<hbm>> -> memref<294912x96xf32, #tpu.memory_space<hbm>>
    tpu.wait_indirect_dma semaphore(%arg7 : memref<!tpu.dma_semaphore, #tpu.memory_space<semaphore_mem>>) src(%dma_wait3A_250 : memref<294912x96xf32, #tpu.memory_space<hbm>>) dst(%dma_wait3A_244 : memref<128x96xf32, #tpu.memory_space<vmem>>)
    %mul3A_251 = arith.constant 2304 : i32
    %mul3A_252 = arith.muli %add3A, %mul3A_251 : i32
    %add3A_253 = arith.constant 512 : i32
    %add3A_254 = arith.addi %mul3A_252, %add3A_253 : i32
    %dma_start3A_255 = arith.constant 0 : i32
    %dma_start3A_256 = arith.constant 0 : i32
    %dma_start3A_257 = arith.constant 0 : i32
    %dma_start3A_258 = tpu.memref_slice %arg6[%dma_start3A_255, %dma_start3A_256, %dma_start3A_257] : memref<2x128x96xf32, #tpu.memory_space<vmem>> -> memref<1x128x96xf32, #tpu.memory_space<vmem>>
    %dma_start3A_259 = tpu.memref_squeeze %dma_start3A_258 : memref<1x128x96xf32, #tpu.memory_space<vmem>> -> memref<128x96xf32, #tpu.memory_space<vmem>>
    %dma_start3A_260 = arith.constant 0 : i32
    %dma_start3A_261 = tpu.memref_slice %arg4[%add3A_254, %dma_start3A_260] : memref<73728x96xf32, #tpu.memory_space<hbm>> -> memref<128x96xf32, #tpu.memory_space<hbm>>
    %dma_start3A_262 = arith.constant 0 : i32
    %dma_start3A_263 = tpu.memref_slice %arg4[%add3A_254, %dma_start3A_262] : memref<73728x96xf32, #tpu.memory_space<hbm>> -> memref<128x96xf32, #tpu.memory_space<hbm>>
    %dma_start3A_264 = arith.constant 0 : i32
    %dma_start3A_265 = arith.constant 0 : i32
    %dma_start3A_266 = tpu.memref_slice %arg6[%dma_start3A_255, %dma_start3A_264, %dma_start3A_265] : memref<2x128x96xf32, #tpu.memory_space<vmem>> -> memref<1x128x96xf32, #tpu.memory_space<vmem>>
    %dma_start3A_267 = tpu.memref_squeeze %dma_start3A_266 : memref<1x128x96xf32, #tpu.memory_space<vmem>> -> memref<128x96xf32, #tpu.memory_space<vmem>>
    tpu.enqueue_dma source(%dma_start3A_267 : memref<128x96xf32, #tpu.memory_space<vmem>>) target(%dma_start3A_263 : memref<128x96xf32, #tpu.memory_space<hbm>>) target_semaphore(%arg8 : memref<!tpu.dma_semaphore, #tpu.memory_space<semaphore_mem>>)
    %dma_wait3A_268 = arith.constant 0 : i32
    %dma_wait3A_269 = arith.constant 0 : i32
    %dma_wait3A_270 = arith.constant 0 : i32
    %dma_wait3A_271 = tpu.memref_slice %arg6[%dma_wait3A_268, %dma_wait3A_269, %dma_wait3A_270] : memref<2x128x96xf32, #tpu.memory_space<vmem>> -> memref<1x128x96xf32, #tpu.memory_space<vmem>>
    %dma_wait3A_272 = tpu.memref_squeeze %dma_wait3A_271 : memref<1x128x96xf32, #tpu.memory_space<vmem>> -> memref<128x96xf32, #tpu.memory_space<vmem>>
    %dma_wait3A_273 = arith.constant 0 : i32
    %dma_wait3A_274 = tpu.memref_slice %arg4[%add3A_254, %dma_wait3A_273] : memref<73728x96xf32, #tpu.memory_space<hbm>> -> memref<128x96xf32, #tpu.memory_space<hbm>>
    %dma_wait3A_275 = arith.constant 0 : i32
    %dma_wait3A_276 = tpu.memref_slice %arg4[%add3A_254, %dma_wait3A_275] : memref<73728x96xf32, #tpu.memory_space<hbm>> -> memref<128x96xf32, #tpu.memory_space<hbm>>
    %dma_wait3A_277 = arith.constant 0 : i32
    %dma_wait3A_278 = arith.constant 0 : i32
    %dma_wait3A_279 = tpu.memref_slice %arg6[%dma_wait3A_268, %dma_wait3A_277, %dma_wait3A_278] : memref<2x128x96xf32, #tpu.memory_space<vmem>> -> memref<1x128x96xf32, #tpu.memory_space<vmem>>
    %dma_wait3A_280 = tpu.memref_squeeze %dma_wait3A_279 : memref<1x128x96xf32, #tpu.memory_space<vmem>> -> memref<128x96xf32, #tpu.memory_space<vmem>>
    tpu.wait_dma2 semaphore(%arg8 : memref<!tpu.dma_semaphore, #tpu.memory_space<semaphore_mem>>) src(%dma_wait3A_280 : memref<128x96xf32, #tpu.memory_space<vmem>>) dst(%dma_wait3A_276 : memref<128x96xf32, #tpu.memory_space<hbm>>)
    %dma_start3A_281 = arith.constant 6 : i32
    %dma_start3A_282 = arith.constant 0 : i32
    %dma_start3A_283 = arith.constant 0 : i32
    %dma_start3A_284 = arith.constant 0 : i32
    %dma_start3A_285 = tpu.memref_slice %arg6[%dma_start3A_282, %dma_start3A_283, %dma_start3A_284] : memref<2x128x96xf32, #tpu.memory_space<vmem>> -> memref<1x128x96xf32, #tpu.memory_space<vmem>>
    %dma_start3A_286 = tpu.memref_squeeze %dma_start3A_285 : memref<1x128x96xf32, #tpu.memory_space<vmem>> -> memref<128x96xf32, #tpu.memory_space<vmem>>
    %dma_start3A_287 = arith.constant 0 : i32
    %dma_start3A_288 = tpu.memref_slice %arg5[%dma_start3A_281, %dma_start3A_287] : memref<18x128xi32, #tpu.memory_space<vmem>> -> memref<1x128xi32, #tpu.memory_space<vmem>>
    %dma_start3A_289 = tpu.memref_squeeze %dma_start3A_288 : memref<1x128xi32, #tpu.memory_space<vmem>> -> memref<128xi32, #tpu.memory_space<vmem>>
    %dma_start3A_290 = arith.constant 0 : i32
    %dma_start3A_291 = arith.constant 0 : i32
    %dma_start3A_292 = tpu.memref_slice %arg2[%dma_start3A_290, %dma_start3A_291] : memref<294912x96xf32, #tpu.memory_space<hbm>> -> memref<294912x96xf32, #tpu.memory_space<hbm>>
    tpu.enqueue_indirect_dma source(%dma_start3A_292 : memref<294912x96xf32, #tpu.memory_space<hbm>>) target(%dma_start3A_286 : memref<128x96xf32, #tpu.memory_space<vmem>>) offsets(%dma_start3A_289 : memref<128xi32, #tpu.memory_space<vmem>>) semaphore(%arg7 : memref<!tpu.dma_semaphore, #tpu.memory_space<semaphore_mem>>)
    %dma_wait3A_293 = arith.constant 5 : i32
    %dma_wait3A_294 = arith.constant 1 : i32
    %dma_wait3A_295 = arith.constant 0 : i32
    %dma_wait3A_296 = arith.constant 0 : i32
    %dma_wait3A_297 = tpu.memref_slice %arg6[%dma_wait3A_294, %dma_wait3A_295, %dma_wait3A_296] : memref<2x128x96xf32, #tpu.memory_space<vmem>> -> memref<1x128x96xf32, #tpu.memory_space<vmem>>
    %dma_wait3A_298 = tpu.memref_squeeze %dma_wait3A_297 : memref<1x128x96xf32, #tpu.memory_space<vmem>> -> memref<128x96xf32, #tpu.memory_space<vmem>>
    %dma_wait3A_299 = arith.constant 0 : i32
    %dma_wait3A_300 = tpu.memref_slice %arg5[%dma_wait3A_293, %dma_wait3A_299] : memref<18x128xi32, #tpu.memory_space<vmem>> -> memref<1x128xi32, #tpu.memory_space<vmem>>
    %dma_wait3A_301 = tpu.memref_squeeze %dma_wait3A_300 : memref<1x128xi32, #tpu.memory_space<vmem>> -> memref<128xi32, #tpu.memory_space<vmem>>
    %dma_wait3A_302 = arith.constant 0 : i32
    %dma_wait3A_303 = arith.constant 0 : i32
    %dma_wait3A_304 = tpu.memref_slice %arg2[%dma_wait3A_302, %dma_wait3A_303] : memref<294912x96xf32, #tpu.memory_space<hbm>> -> memref<294912x96xf32, #tpu.memory_space<hbm>>
    tpu.wait_indirect_dma semaphore(%arg7 : memref<!tpu.dma_semaphore, #tpu.memory_space<semaphore_mem>>) src(%dma_wait3A_304 : memref<294912x96xf32, #tpu.memory_space<hbm>>) dst(%dma_wait3A_298 : memref<128x96xf32, #tpu.memory_space<vmem>>)
    %mul3A_305 = arith.constant 2304 : i32
    %mul3A_306 = arith.muli %add3A, %mul3A_305 : i32
    %add3A_307 = arith.constant 640 : i32
    %add3A_308 = arith.addi %mul3A_306, %add3A_307 : i32
    %dma_start3A_309 = arith.constant 1 : i32
    %dma_start3A_310 = arith.constant 0 : i32
    %dma_start3A_311 = arith.constant 0 : i32
    %dma_start3A_312 = tpu.memref_slice %arg6[%dma_start3A_309, %dma_start3A_310, %dma_start3A_311] : memref<2x128x96xf32, #tpu.memory_space<vmem>> -> memref<1x128x96xf32, #tpu.memory_space<vmem>>
    %dma_start3A_313 = tpu.memref_squeeze %dma_start3A_312 : memref<1x128x96xf32, #tpu.memory_space<vmem>> -> memref<128x96xf32, #tpu.memory_space<vmem>>
    %dma_start3A_314 = arith.constant 0 : i32
    %dma_start3A_315 = tpu.memref_slice %arg4[%add3A_308, %dma_start3A_314] : memref<73728x96xf32, #tpu.memory_space<hbm>> -> memref<128x96xf32, #tpu.memory_space<hbm>>
    %dma_start3A_316 = arith.constant 0 : i32
    %dma_start3A_317 = tpu.memref_slice %arg4[%add3A_308, %dma_start3A_316] : memref<73728x96xf32, #tpu.memory_space<hbm>> -> memref<128x96xf32, #tpu.memory_space<hbm>>
    %dma_start3A_318 = arith.constant 0 : i32
    %dma_start3A_319 = arith.constant 0 : i32
    %dma_start3A_320 = tpu.memref_slice %arg6[%dma_start3A_309, %dma_start3A_318, %dma_start3A_319] : memref<2x128x96xf32, #tpu.memory_space<vmem>> -> memref<1x128x96xf32, #tpu.memory_space<vmem>>
    %dma_start3A_321 = tpu.memref_squeeze %dma_start3A_320 : memref<1x128x96xf32, #tpu.memory_space<vmem>> -> memref<128x96xf32, #tpu.memory_space<vmem>>
    tpu.enqueue_dma source(%dma_start3A_321 : memref<128x96xf32, #tpu.memory_space<vmem>>) target(%dma_start3A_317 : memref<128x96xf32, #tpu.memory_space<hbm>>) target_semaphore(%arg8 : memref<!tpu.dma_semaphore, #tpu.memory_space<semaphore_mem>>)
    %dma_wait3A_322 = arith.constant 1 : i32
    %dma_wait3A_323 = arith.constant 0 : i32
    %dma_wait3A_324 = arith.constant 0 : i32
    %dma_wait3A_325 = tpu.memref_slice %arg6[%dma_wait3A_322, %dma_wait3A_323, %dma_wait3A_324] : memref<2x128x96xf32, #tpu.memory_space<vmem>> -> memref<1x128x96xf32, #tpu.memory_space<vmem>>
    %dma_wait3A_326 = tpu.memref_squeeze %dma_wait3A_325 : memref<1x128x96xf32, #tpu.memory_space<vmem>> -> memref<128x96xf32, #tpu.memory_space<vmem>>
    %dma_wait3A_327 = arith.constant 0 : i32
    %dma_wait3A_328 = tpu.memref_slice %arg4[%add3A_308, %dma_wait3A_327] : memref<73728x96xf32, #tpu.memory_space<hbm>> -> memref<128x96xf32, #tpu.memory_space<hbm>>
    %dma_wait3A_329 = arith.constant 0 : i32
    %dma_wait3A_330 = tpu.memref_slice %arg4[%add3A_308, %dma_wait3A_329] : memref<73728x96xf32, #tpu.memory_space<hbm>> -> memref<128x96xf32, #tpu.memory_space<hbm>>
    %dma_wait3A_331 = arith.constant 0 : i32
    %dma_wait3A_332 = arith.constant 0 : i32
    %dma_wait3A_333 = tpu.memref_slice %arg6[%dma_wait3A_322, %dma_wait3A_331, %dma_wait3A_332] : memref<2x128x96xf32, #tpu.memory_space<vmem>> -> memref<1x128x96xf32, #tpu.memory_space<vmem>>
    %dma_wait3A_334 = tpu.memref_squeeze %dma_wait3A_333 : memref<1x128x96xf32, #tpu.memory_space<vmem>> -> memref<128x96xf32, #tpu.memory_space<vmem>>
    tpu.wait_dma2 semaphore(%arg8 : memref<!tpu.dma_semaphore, #tpu.memory_space<semaphore_mem>>) src(%dma_wait3A_334 : memref<128x96xf32, #tpu.memory_space<vmem>>) dst(%dma_wait3A_330 : memref<128x96xf32, #tpu.memory_space<hbm>>)
    %dma_start3A_335 = arith.constant 7 : i32
    %dma_start3A_336 = arith.constant 1 : i32
    %dma_start3A_337 = arith.constant 0 : i32
    %dma_start3A_338 = arith.constant 0 : i32
    %dma_start3A_339 = tpu.memref_slice %arg6[%dma_start3A_336, %dma_start3A_337, %dma_start3A_338] : memref<2x128x96xf32, #tpu.memory_space<vmem>> -> memref<1x128x96xf32, #tpu.memory_space<vmem>>
    %dma_start3A_340 = tpu.memref_squeeze %dma_start3A_339 : memref<1x128x96xf32, #tpu.memory_space<vmem>> -> memref<128x96xf32, #tpu.memory_space<vmem>>
    %dma_start3A_341 = arith.constant 0 : i32
    %dma_start3A_342 = tpu.memref_slice %arg5[%dma_start3A_335, %dma_start3A_341] : memref<18x128xi32, #tpu.memory_space<vmem>> -> memref<1x128xi32, #tpu.memory_space<vmem>>
    %dma_start3A_343 = tpu.memref_squeeze %dma_start3A_342 : memref<1x128xi32, #tpu.memory_space<vmem>> -> memref<128xi32, #tpu.memory_space<vmem>>
    %dma_start3A_344 = arith.constant 0 : i32
    %dma_start3A_345 = arith.constant 0 : i32
    %dma_start3A_346 = tpu.memref_slice %arg2[%dma_start3A_344, %dma_start3A_345] : memref<294912x96xf32, #tpu.memory_space<hbm>> -> memref<294912x96xf32, #tpu.memory_space<hbm>>
    tpu.enqueue_indirect_dma source(%dma_start3A_346 : memref<294912x96xf32, #tpu.memory_space<hbm>>) target(%dma_start3A_340 : memref<128x96xf32, #tpu.memory_space<vmem>>) offsets(%dma_start3A_343 : memref<128xi32, #tpu.memory_space<vmem>>) semaphore(%arg7 : memref<!tpu.dma_semaphore, #tpu.memory_space<semaphore_mem>>)
    %dma_wait3A_347 = arith.constant 6 : i32
    %dma_wait3A_348 = arith.constant 0 : i32
    %dma_wait3A_349 = arith.constant 0 : i32
    %dma_wait3A_350 = arith.constant 0 : i32
    %dma_wait3A_351 = tpu.memref_slice %arg6[%dma_wait3A_348, %dma_wait3A_349, %dma_wait3A_350] : memref<2x128x96xf32, #tpu.memory_space<vmem>> -> memref<1x128x96xf32, #tpu.memory_space<vmem>>
    %dma_wait3A_352 = tpu.memref_squeeze %dma_wait3A_351 : memref<1x128x96xf32, #tpu.memory_space<vmem>> -> memref<128x96xf32, #tpu.memory_space<vmem>>
    %dma_wait3A_353 = arith.constant 0 : i32
    %dma_wait3A_354 = tpu.memref_slice %arg5[%dma_wait3A_347, %dma_wait3A_353] : memref<18x128xi32, #tpu.memory_space<vmem>> -> memref<1x128xi32, #tpu.memory_space<vmem>>
    %dma_wait3A_355 = tpu.memref_squeeze %dma_wait3A_354 : memref<1x128xi32, #tpu.memory_space<vmem>> -> memref<128xi32, #tpu.memory_space<vmem>>
    %dma_wait3A_356 = arith.constant 0 : i32
    %dma_wait3A_357 = arith.constant 0 : i32
    %dma_wait3A_358 = tpu.memref_slice %arg2[%dma_wait3A_356, %dma_wait3A_357] : memref<294912x96xf32, #tpu.memory_space<hbm>> -> memref<294912x96xf32, #tpu.memory_space<hbm>>
    tpu.wait_indirect_dma semaphore(%arg7 : memref<!tpu.dma_semaphore, #tpu.memory_space<semaphore_mem>>) src(%dma_wait3A_358 : memref<294912x96xf32, #tpu.memory_space<hbm>>) dst(%dma_wait3A_352 : memref<128x96xf32, #tpu.memory_space<vmem>>)
    %mul3A_359 = arith.constant 2304 : i32
    %mul3A_360 = arith.muli %add3A, %mul3A_359 : i32
    %add3A_361 = arith.constant 768 : i32
    %add3A_362 = arith.addi %mul3A_360, %add3A_361 : i32
    %dma_start3A_363 = arith.constant 0 : i32
    %dma_start3A_364 = arith.constant 0 : i32
    %dma_start3A_365 = arith.constant 0 : i32
    %dma_start3A_366 = tpu.memref_slice %arg6[%dma_start3A_363, %dma_start3A_364, %dma_start3A_365] : memref<2x128x96xf32, #tpu.memory_space<vmem>> -> memref<1x128x96xf32, #tpu.memory_space<vmem>>
    %dma_start3A_367 = tpu.memref_squeeze %dma_start3A_366 : memref<1x128x96xf32, #tpu.memory_space<vmem>> -> memref<128x96xf32, #tpu.memory_space<vmem>>
    %dma_start3A_368 = arith.constant 0 : i32
    %dma_start3A_369 = tpu.memref_slice %arg4[%add3A_362, %dma_start3A_368] : memref<73728x96xf32, #tpu.memory_space<hbm>> -> memref<128x96xf32, #tpu.memory_space<hbm>>
    %dma_start3A_370 = arith.constant 0 : i32
    %dma_start3A_371 = tpu.memref_slice %arg4[%add3A_362, %dma_start3A_370] : memref<73728x96xf32, #tpu.memory_space<hbm>> -> memref<128x96xf32, #tpu.memory_space<hbm>>
    %dma_start3A_372 = arith.constant 0 : i32
    %dma_start3A_373 = arith.constant 0 : i32
    %dma_start3A_374 = tpu.memref_slice %arg6[%dma_start3A_363, %dma_start3A_372, %dma_start3A_373] : memref<2x128x96xf32, #tpu.memory_space<vmem>> -> memref<1x128x96xf32, #tpu.memory_space<vmem>>
    %dma_start3A_375 = tpu.memref_squeeze %dma_start3A_374 : memref<1x128x96xf32, #tpu.memory_space<vmem>> -> memref<128x96xf32, #tpu.memory_space<vmem>>
    tpu.enqueue_dma source(%dma_start3A_375 : memref<128x96xf32, #tpu.memory_space<vmem>>) target(%dma_start3A_371 : memref<128x96xf32, #tpu.memory_space<hbm>>) target_semaphore(%arg8 : memref<!tpu.dma_semaphore, #tpu.memory_space<semaphore_mem>>)
    %dma_wait3A_376 = arith.constant 0 : i32
    %dma_wait3A_377 = arith.constant 0 : i32
    %dma_wait3A_378 = arith.constant 0 : i32
    %dma_wait3A_379 = tpu.memref_slice %arg6[%dma_wait3A_376, %dma_wait3A_377, %dma_wait3A_378] : memref<2x128x96xf32, #tpu.memory_space<vmem>> -> memref<1x128x96xf32, #tpu.memory_space<vmem>>
    %dma_wait3A_380 = tpu.memref_squeeze %dma_wait3A_379 : memref<1x128x96xf32, #tpu.memory_space<vmem>> -> memref<128x96xf32, #tpu.memory_space<vmem>>
    %dma_wait3A_381 = arith.constant 0 : i32
    %dma_wait3A_382 = tpu.memref_slice %arg4[%add3A_362, %dma_wait3A_381] : memref<73728x96xf32, #tpu.memory_space<hbm>> -> memref<128x96xf32, #tpu.memory_space<hbm>>
    %dma_wait3A_383 = arith.constant 0 : i32
    %dma_wait3A_384 = tpu.memref_slice %arg4[%add3A_362, %dma_wait3A_383] : memref<73728x96xf32, #tpu.memory_space<hbm>> -> memref<128x96xf32, #tpu.memory_space<hbm>>
    %dma_wait3A_385 = arith.constant 0 : i32
    %dma_wait3A_386 = arith.constant 0 : i32
    %dma_wait3A_387 = tpu.memref_slice %arg6[%dma_wait3A_376, %dma_wait3A_385, %dma_wait3A_386] : memref<2x128x96xf32, #tpu.memory_space<vmem>> -> memref<1x128x96xf32, #tpu.memory_space<vmem>>
    %dma_wait3A_388 = tpu.memref_squeeze %dma_wait3A_387 : memref<1x128x96xf32, #tpu.memory_space<vmem>> -> memref<128x96xf32, #tpu.memory_space<vmem>>
    tpu.wait_dma2 semaphore(%arg8 : memref<!tpu.dma_semaphore, #tpu.memory_space<semaphore_mem>>) src(%dma_wait3A_388 : memref<128x96xf32, #tpu.memory_space<vmem>>) dst(%dma_wait3A_384 : memref<128x96xf32, #tpu.memory_space<hbm>>)
    %dma_start3A_389 = arith.constant 8 : i32
    %dma_start3A_390 = arith.constant 0 : i32
    %dma_start3A_391 = arith.constant 0 : i32
    %dma_start3A_392 = arith.constant 0 : i32
    %dma_start3A_393 = tpu.memref_slice %arg6[%dma_start3A_390, %dma_start3A_391, %dma_start3A_392] : memref<2x128x96xf32, #tpu.memory_space<vmem>> -> memref<1x128x96xf32, #tpu.memory_space<vmem>>
    %dma_start3A_394 = tpu.memref_squeeze %dma_start3A_393 : memref<1x128x96xf32, #tpu.memory_space<vmem>> -> memref<128x96xf32, #tpu.memory_space<vmem>>
    %dma_start3A_395 = arith.constant 0 : i32
    %dma_start3A_396 = tpu.memref_slice %arg5[%dma_start3A_389, %dma_start3A_395] : memref<18x128xi32, #tpu.memory_space<vmem>> -> memref<1x128xi32, #tpu.memory_space<vmem>>
    %dma_start3A_397 = tpu.memref_squeeze %dma_start3A_396 : memref<1x128xi32, #tpu.memory_space<vmem>> -> memref<128xi32, #tpu.memory_space<vmem>>
    %dma_start3A_398 = arith.constant 0 : i32
    %dma_start3A_399 = arith.constant 0 : i32
    %dma_start3A_400 = tpu.memref_slice %arg2[%dma_start3A_398, %dma_start3A_399] : memref<294912x96xf32, #tpu.memory_space<hbm>> -> memref<294912x96xf32, #tpu.memory_space<hbm>>
    tpu.enqueue_indirect_dma source(%dma_start3A_400 : memref<294912x96xf32, #tpu.memory_space<hbm>>) target(%dma_start3A_394 : memref<128x96xf32, #tpu.memory_space<vmem>>) offsets(%dma_start3A_397 : memref<128xi32, #tpu.memory_space<vmem>>) semaphore(%arg7 : memref<!tpu.dma_semaphore, #tpu.memory_space<semaphore_mem>>)
    %dma_wait3A_401 = arith.constant 7 : i32
    %dma_wait3A_402 = arith.constant 1 : i32
    %dma_wait3A_403 = arith.constant 0 : i32
    %dma_wait3A_404 = arith.constant 0 : i32
    %dma_wait3A_405 = tpu.memref_slice %arg6[%dma_wait3A_402, %dma_wait3A_403, %dma_wait3A_404] : memref<2x128x96xf32, #tpu.memory_space<vmem>> -> memref<1x128x96xf32, #tpu.memory_space<vmem>>
    %dma_wait3A_406 = tpu.memref_squeeze %dma_wait3A_405 : memref<1x128x96xf32, #tpu.memory_space<vmem>> -> memref<128x96xf32, #tpu.memory_space<vmem>>
    %dma_wait3A_407 = arith.constant 0 : i32
    %dma_wait3A_408 = tpu.memref_slice %arg5[%dma_wait3A_401, %dma_wait3A_407] : memref<18x128xi32, #tpu.memory_space<vmem>> -> memref<1x128xi32, #tpu.memory_space<vmem>>
    %dma_wait3A_409 = tpu.memref_squeeze %dma_wait3A_408 : memref<1x128xi32, #tpu.memory_space<vmem>> -> memref<128xi32, #tpu.memory_space<vmem>>
    %dma_wait3A_410 = arith.constant 0 : i32
    %dma_wait3A_411 = arith.constant 0 : i32
    %dma_wait3A_412 = tpu.memref_slice %arg2[%dma_wait3A_410, %dma_wait3A_411] : memref<294912x96xf32, #tpu.memory_space<hbm>> -> memref<294912x96xf32, #tpu.memory_space<hbm>>
    tpu.wait_indirect_dma semaphore(%arg7 : memref<!tpu.dma_semaphore, #tpu.memory_space<semaphore_mem>>) src(%dma_wait3A_412 : memref<294912x96xf32, #tpu.memory_space<hbm>>) dst(%dma_wait3A_406 : memref<128x96xf32, #tpu.memory_space<vmem>>)
    %mul3A_413 = arith.constant 2304 : i32
    %mul3A_414 = arith.muli %add3A, %mul3A_413 : i32
    %add3A_415 = arith.constant 896 : i32
    %add3A_416 = arith.addi %mul3A_414, %add3A_415 : i32
    %dma_start3A_417 = arith.constant 1 : i32
    %dma_start3A_418 = arith.constant 0 : i32
    %dma_start3A_419 = arith.constant 0 : i32
    %dma_start3A_420 = tpu.memref_slice %arg6[%dma_start3A_417, %dma_start3A_418, %dma_start3A_419] : memref<2x128x96xf32, #tpu.memory_space<vmem>> -> memref<1x128x96xf32, #tpu.memory_space<vmem>>
    %dma_start3A_421 = tpu.memref_squeeze %dma_start3A_420 : memref<1x128x96xf32, #tpu.memory_space<vmem>> -> memref<128x96xf32, #tpu.memory_space<vmem>>
    %dma_start3A_422 = arith.constant 0 : i32
    %dma_start3A_423 = tpu.memref_slice %arg4[%add3A_416, %dma_start3A_422] : memref<73728x96xf32, #tpu.memory_space<hbm>> -> memref<128x96xf32, #tpu.memory_space<hbm>>
    %dma_start3A_424 = arith.constant 0 : i32
    %dma_start3A_425 = tpu.memref_slice %arg4[%add3A_416, %dma_start3A_424] : memref<73728x96xf32, #tpu.memory_space<hbm>> -> memref<128x96xf32, #tpu.memory_space<hbm>>
    %dma_start3A_426 = arith.constant 0 : i32
    %dma_start3A_427 = arith.constant 0 : i32
    %dma_start3A_428 = tpu.memref_slice %arg6[%dma_start3A_417, %dma_start3A_426, %dma_start3A_427] : memref<2x128x96xf32, #tpu.memory_space<vmem>> -> memref<1x128x96xf32, #tpu.memory_space<vmem>>
    %dma_start3A_429 = tpu.memref_squeeze %dma_start3A_428 : memref<1x128x96xf32, #tpu.memory_space<vmem>> -> memref<128x96xf32, #tpu.memory_space<vmem>>
    tpu.enqueue_dma source(%dma_start3A_429 : memref<128x96xf32, #tpu.memory_space<vmem>>) target(%dma_start3A_425 : memref<128x96xf32, #tpu.memory_space<hbm>>) target_semaphore(%arg8 : memref<!tpu.dma_semaphore, #tpu.memory_space<semaphore_mem>>)
    %dma_wait3A_430 = arith.constant 1 : i32
    %dma_wait3A_431 = arith.constant 0 : i32
    %dma_wait3A_432 = arith.constant 0 : i32
    %dma_wait3A_433 = tpu.memref_slice %arg6[%dma_wait3A_430, %dma_wait3A_431, %dma_wait3A_432] : memref<2x128x96xf32, #tpu.memory_space<vmem>> -> memref<1x128x96xf32, #tpu.memory_space<vmem>>
    %dma_wait3A_434 = tpu.memref_squeeze %dma_wait3A_433 : memref<1x128x96xf32, #tpu.memory_space<vmem>> -> memref<128x96xf32, #tpu.memory_space<vmem>>
    %dma_wait3A_435 = arith.constant 0 : i32
    %dma_wait3A_436 = tpu.memref_slice %arg4[%add3A_416, %dma_wait3A_435] : memref<73728x96xf32, #tpu.memory_space<hbm>> -> memref<128x96xf32, #tpu.memory_space<hbm>>
    %dma_wait3A_437 = arith.constant 0 : i32
    %dma_wait3A_438 = tpu.memref_slice %arg4[%add3A_416, %dma_wait3A_437] : memref<73728x96xf32, #tpu.memory_space<hbm>> -> memref<128x96xf32, #tpu.memory_space<hbm>>
    %dma_wait3A_439 = arith.constant 0 : i32
    %dma_wait3A_440 = arith.constant 0 : i32
    %dma_wait3A_441 = tpu.memref_slice %arg6[%dma_wait3A_430, %dma_wait3A_439, %dma_wait3A_440] : memref<2x128x96xf32, #tpu.memory_space<vmem>> -> memref<1x128x96xf32, #tpu.memory_space<vmem>>
    %dma_wait3A_442 = tpu.memref_squeeze %dma_wait3A_441 : memref<1x128x96xf32, #tpu.memory_space<vmem>> -> memref<128x96xf32, #tpu.memory_space<vmem>>
    tpu.wait_dma2 semaphore(%arg8 : memref<!tpu.dma_semaphore, #tpu.memory_space<semaphore_mem>>) src(%dma_wait3A_442 : memref<128x96xf32, #tpu.memory_space<vmem>>) dst(%dma_wait3A_438 : memref<128x96xf32, #tpu.memory_space<hbm>>)
    %dma_start3A_443 = arith.constant 9 : i32
    %dma_start3A_444 = arith.constant 1 : i32
    %dma_start3A_445 = arith.constant 0 : i32
    %dma_start3A_446 = arith.constant 0 : i32
    %dma_start3A_447 = tpu.memref_slice %arg6[%dma_start3A_444, %dma_start3A_445, %dma_start3A_446] : memref<2x128x96xf32, #tpu.memory_space<vmem>> -> memref<1x128x96xf32, #tpu.memory_space<vmem>>
    %dma_start3A_448 = tpu.memref_squeeze %dma_start3A_447 : memref<1x128x96xf32, #tpu.memory_space<vmem>> -> memref<128x96xf32, #tpu.memory_space<vmem>>
    %dma_start3A_449 = arith.constant 0 : i32
    %dma_start3A_450 = tpu.memref_slice %arg5[%dma_start3A_443, %dma_start3A_449] : memref<18x128xi32, #tpu.memory_space<vmem>> -> memref<1x128xi32, #tpu.memory_space<vmem>>
    %dma_start3A_451 = tpu.memref_squeeze %dma_start3A_450 : memref<1x128xi32, #tpu.memory_space<vmem>> -> memref<128xi32, #tpu.memory_space<vmem>>
    %dma_start3A_452 = arith.constant 0 : i32
    %dma_start3A_453 = arith.constant 0 : i32
    %dma_start3A_454 = tpu.memref_slice %arg2[%dma_start3A_452, %dma_start3A_453] : memref<294912x96xf32, #tpu.memory_space<hbm>> -> memref<294912x96xf32, #tpu.memory_space<hbm>>
    tpu.enqueue_indirect_dma source(%dma_start3A_454 : memref<294912x96xf32, #tpu.memory_space<hbm>>) target(%dma_start3A_448 : memref<128x96xf32, #tpu.memory_space<vmem>>) offsets(%dma_start3A_451 : memref<128xi32, #tpu.memory_space<vmem>>) semaphore(%arg7 : memref<!tpu.dma_semaphore, #tpu.memory_space<semaphore_mem>>)
    %dma_wait3A_455 = arith.constant 8 : i32
    %dma_wait3A_456 = arith.constant 0 : i32
    %dma_wait3A_457 = arith.constant 0 : i32
    %dma_wait3A_458 = arith.constant 0 : i32
    %dma_wait3A_459 = tpu.memref_slice %arg6[%dma_wait3A_456, %dma_wait3A_457, %dma_wait3A_458] : memref<2x128x96xf32, #tpu.memory_space<vmem>> -> memref<1x128x96xf32, #tpu.memory_space<vmem>>
    %dma_wait3A_460 = tpu.memref_squeeze %dma_wait3A_459 : memref<1x128x96xf32, #tpu.memory_space<vmem>> -> memref<128x96xf32, #tpu.memory_space<vmem>>
    %dma_wait3A_461 = arith.constant 0 : i32
    %dma_wait3A_462 = tpu.memref_slice %arg5[%dma_wait3A_455, %dma_wait3A_461] : memref<18x128xi32, #tpu.memory_space<vmem>> -> memref<1x128xi32, #tpu.memory_space<vmem>>
    %dma_wait3A_463 = tpu.memref_squeeze %dma_wait3A_462 : memref<1x128xi32, #tpu.memory_space<vmem>> -> memref<128xi32, #tpu.memory_space<vmem>>
    %dma_wait3A_464 = arith.constant 0 : i32
    %dma_wait3A_465 = arith.constant 0 : i32
    %dma_wait3A_466 = tpu.memref_slice %arg2[%dma_wait3A_464, %dma_wait3A_465] : memref<294912x96xf32, #tpu.memory_space<hbm>> -> memref<294912x96xf32, #tpu.memory_space<hbm>>
    tpu.wait_indirect_dma semaphore(%arg7 : memref<!tpu.dma_semaphore, #tpu.memory_space<semaphore_mem>>) src(%dma_wait3A_466 : memref<294912x96xf32, #tpu.memory_space<hbm>>) dst(%dma_wait3A_460 : memref<128x96xf32, #tpu.memory_space<vmem>>)
    %mul3A_467 = arith.constant 2304 : i32
    %mul3A_468 = arith.muli %add3A, %mul3A_467 : i32
    %add3A_469 = arith.constant 1024 : i32
    %add3A_470 = arith.addi %mul3A_468, %add3A_469 : i32
    %dma_start3A_471 = arith.constant 0 : i32
    %dma_start3A_472 = arith.constant 0 : i32
    %dma_start3A_473 = arith.constant 0 : i32
    %dma_start3A_474 = tpu.memref_slice %arg6[%dma_start3A_471, %dma_start3A_472, %dma_start3A_473] : memref<2x128x96xf32, #tpu.memory_space<vmem>> -> memref<1x128x96xf32, #tpu.memory_space<vmem>>
    %dma_start3A_475 = tpu.memref_squeeze %dma_start3A_474 : memref<1x128x96xf32, #tpu.memory_space<vmem>> -> memref<128x96xf32, #tpu.memory_space<vmem>>
    %dma_start3A_476 = arith.constant 0 : i32
    %dma_start3A_477 = tpu.memref_slice %arg4[%add3A_470, %dma_start3A_476] : memref<73728x96xf32, #tpu.memory_space<hbm>> -> memref<128x96xf32, #tpu.memory_space<hbm>>
    %dma_start3A_478 = arith.constant 0 : i32
    %dma_start3A_479 = tpu.memref_slice %arg4[%add3A_470, %dma_start3A_478] : memref<73728x96xf32, #tpu.memory_space<hbm>> -> memref<128x96xf32, #tpu.memory_space<hbm>>
    %dma_start3A_480 = arith.constant 0 : i32
    %dma_start3A_481 = arith.constant 0 : i32
    %dma_start3A_482 = tpu.memref_slice %arg6[%dma_start3A_471, %dma_start3A_480, %dma_start3A_481] : memref<2x128x96xf32, #tpu.memory_space<vmem>> -> memref<1x128x96xf32, #tpu.memory_space<vmem>>
    %dma_start3A_483 = tpu.memref_squeeze %dma_start3A_482 : memref<1x128x96xf32, #tpu.memory_space<vmem>> -> memref<128x96xf32, #tpu.memory_space<vmem>>
    tpu.enqueue_dma source(%dma_start3A_483 : memref<128x96xf32, #tpu.memory_space<vmem>>) target(%dma_start3A_479 : memref<128x96xf32, #tpu.memory_space<hbm>>) target_semaphore(%arg8 : memref<!tpu.dma_semaphore, #tpu.memory_space<semaphore_mem>>)
    %dma_wait3A_484 = arith.constant 0 : i32
    %dma_wait3A_485 = arith.constant 0 : i32
    %dma_wait3A_486 = arith.constant 0 : i32
    %dma_wait3A_487 = tpu.memref_slice %arg6[%dma_wait3A_484, %dma_wait3A_485, %dma_wait3A_486] : memref<2x128x96xf32, #tpu.memory_space<vmem>> -> memref<1x128x96xf32, #tpu.memory_space<vmem>>
    %dma_wait3A_488 = tpu.memref_squeeze %dma_wait3A_487 : memref<1x128x96xf32, #tpu.memory_space<vmem>> -> memref<128x96xf32, #tpu.memory_space<vmem>>
    %dma_wait3A_489 = arith.constant 0 : i32
    %dma_wait3A_490 = tpu.memref_slice %arg4[%add3A_470, %dma_wait3A_489] : memref<73728x96xf32, #tpu.memory_space<hbm>> -> memref<128x96xf32, #tpu.memory_space<hbm>>
    %dma_wait3A_491 = arith.constant 0 : i32
    %dma_wait3A_492 = tpu.memref_slice %arg4[%add3A_470, %dma_wait3A_491] : memref<73728x96xf32, #tpu.memory_space<hbm>> -> memref<128x96xf32, #tpu.memory_space<hbm>>
    %dma_wait3A_493 = arith.constant 0 : i32
    %dma_wait3A_494 = arith.constant 0 : i32
    %dma_wait3A_495 = tpu.memref_slice %arg6[%dma_wait3A_484, %dma_wait3A_493, %dma_wait3A_494] : memref<2x128x96xf32, #tpu.memory_space<vmem>> -> memref<1x128x96xf32, #tpu.memory_space<vmem>>
    %dma_wait3A_496 = tpu.memref_squeeze %dma_wait3A_495 : memref<1x128x96xf32, #tpu.memory_space<vmem>> -> memref<128x96xf32, #tpu.memory_space<vmem>>
    tpu.wait_dma2 semaphore(%arg8 : memref<!tpu.dma_semaphore, #tpu.memory_space<semaphore_mem>>) src(%dma_wait3A_496 : memref<128x96xf32, #tpu.memory_space<vmem>>) dst(%dma_wait3A_492 : memref<128x96xf32, #tpu.memory_space<hbm>>)
    %dma_start3A_497 = arith.constant 10 : i32
    %dma_start3A_498 = arith.constant 0 : i32
    %dma_start3A_499 = arith.constant 0 : i32
    %dma_start3A_500 = arith.constant 0 : i32
    %dma_start3A_501 = tpu.memref_slice %arg6[%dma_start3A_498, %dma_start3A_499, %dma_start3A_500] : memref<2x128x96xf32, #tpu.memory_space<vmem>> -> memref<1x128x96xf32, #tpu.memory_space<vmem>>
    %dma_start3A_502 = tpu.memref_squeeze %dma_start3A_501 : memref<1x128x96xf32, #tpu.memory_space<vmem>> -> memref<128x96xf32, #tpu.memory_space<vmem>>
    %dma_start3A_503 = arith.constant 0 : i32
    %dma_start3A_504 = tpu.memref_slice %arg5[%dma_start3A_497, %dma_start3A_503] : memref<18x128xi32, #tpu.memory_space<vmem>> -> memref<1x128xi32, #tpu.memory_space<vmem>>
    %dma_start3A_505 = tpu.memref_squeeze %dma_start3A_504 : memref<1x128xi32, #tpu.memory_space<vmem>> -> memref<128xi32, #tpu.memory_space<vmem>>
    %dma_start3A_506 = arith.constant 0 : i32
    %dma_start3A_507 = arith.constant 0 : i32
    %dma_start3A_508 = tpu.memref_slice %arg2[%dma_start3A_506, %dma_start3A_507] : memref<294912x96xf32, #tpu.memory_space<hbm>> -> memref<294912x96xf32, #tpu.memory_space<hbm>>
    tpu.enqueue_indirect_dma source(%dma_start3A_508 : memref<294912x96xf32, #tpu.memory_space<hbm>>) target(%dma_start3A_502 : memref<128x96xf32, #tpu.memory_space<vmem>>) offsets(%dma_start3A_505 : memref<128xi32, #tpu.memory_space<vmem>>) semaphore(%arg7 : memref<!tpu.dma_semaphore, #tpu.memory_space<semaphore_mem>>)
    %dma_wait3A_509 = arith.constant 9 : i32
    %dma_wait3A_510 = arith.constant 1 : i32
    %dma_wait3A_511 = arith.constant 0 : i32
    %dma_wait3A_512 = arith.constant 0 : i32
    %dma_wait3A_513 = tpu.memref_slice %arg6[%dma_wait3A_510, %dma_wait3A_511, %dma_wait3A_512] : memref<2x128x96xf32, #tpu.memory_space<vmem>> -> memref<1x128x96xf32, #tpu.memory_space<vmem>>
    %dma_wait3A_514 = tpu.memref_squeeze %dma_wait3A_513 : memref<1x128x96xf32, #tpu.memory_space<vmem>> -> memref<128x96xf32, #tpu.memory_space<vmem>>
    %dma_wait3A_515 = arith.constant 0 : i32
    %dma_wait3A_516 = tpu.memref_slice %arg5[%dma_wait3A_509, %dma_wait3A_515] : memref<18x128xi32, #tpu.memory_space<vmem>> -> memref<1x128xi32, #tpu.memory_space<vmem>>
    %dma_wait3A_517 = tpu.memref_squeeze %dma_wait3A_516 : memref<1x128xi32, #tpu.memory_space<vmem>> -> memref<128xi32, #tpu.memory_space<vmem>>
    %dma_wait3A_518 = arith.constant 0 : i32
    %dma_wait3A_519 = arith.constant 0 : i32
    %dma_wait3A_520 = tpu.memref_slice %arg2[%dma_wait3A_518, %dma_wait3A_519] : memref<294912x96xf32, #tpu.memory_space<hbm>> -> memref<294912x96xf32, #tpu.memory_space<hbm>>
    tpu.wait_indirect_dma semaphore(%arg7 : memref<!tpu.dma_semaphore, #tpu.memory_space<semaphore_mem>>) src(%dma_wait3A_520 : memref<294912x96xf32, #tpu.memory_space<hbm>>) dst(%dma_wait3A_514 : memref<128x96xf32, #tpu.memory_space<vmem>>)
    %mul3A_521 = arith.constant 2304 : i32
    %mul3A_522 = arith.muli %add3A, %mul3A_521 : i32
    %add3A_523 = arith.constant 1152 : i32
    %add3A_524 = arith.addi %mul3A_522, %add3A_523 : i32
    %dma_start3A_525 = arith.constant 1 : i32
    %dma_start3A_526 = arith.constant 0 : i32
    %dma_start3A_527 = arith.constant 0 : i32
    %dma_start3A_528 = tpu.memref_slice %arg6[%dma_start3A_525, %dma_start3A_526, %dma_start3A_527] : memref<2x128x96xf32, #tpu.memory_space<vmem>> -> memref<1x128x96xf32, #tpu.memory_space<vmem>>
    %dma_start3A_529 = tpu.memref_squeeze %dma_start3A_528 : memref<1x128x96xf32, #tpu.memory_space<vmem>> -> memref<128x96xf32, #tpu.memory_space<vmem>>
    %dma_start3A_530 = arith.constant 0 : i32
    %dma_start3A_531 = tpu.memref_slice %arg4[%add3A_524, %dma_start3A_530] : memref<73728x96xf32, #tpu.memory_space<hbm>> -> memref<128x96xf32, #tpu.memory_space<hbm>>
    %dma_start3A_532 = arith.constant 0 : i32
    %dma_start3A_533 = tpu.memref_slice %arg4[%add3A_524, %dma_start3A_532] : memref<73728x96xf32, #tpu.memory_space<hbm>> -> memref<128x96xf32, #tpu.memory_space<hbm>>
    %dma_start3A_534 = arith.constant 0 : i32
    %dma_start3A_535 = arith.constant 0 : i32
    %dma_start3A_536 = tpu.memref_slice %arg6[%dma_start3A_525, %dma_start3A_534, %dma_start3A_535] : memref<2x128x96xf32, #tpu.memory_space<vmem>> -> memref<1x128x96xf32, #tpu.memory_space<vmem>>
    %dma_start3A_537 = tpu.memref_squeeze %dma_start3A_536 : memref<1x128x96xf32, #tpu.memory_space<vmem>> -> memref<128x96xf32, #tpu.memory_space<vmem>>
    tpu.enqueue_dma source(%dma_start3A_537 : memref<128x96xf32, #tpu.memory_space<vmem>>) target(%dma_start3A_533 : memref<128x96xf32, #tpu.memory_space<hbm>>) target_semaphore(%arg8 : memref<!tpu.dma_semaphore, #tpu.memory_space<semaphore_mem>>)
    %dma_wait3A_538 = arith.constant 1 : i32
    %dma_wait3A_539 = arith.constant 0 : i32
    %dma_wait3A_540 = arith.constant 0 : i32
    %dma_wait3A_541 = tpu.memref_slice %arg6[%dma_wait3A_538, %dma_wait3A_539, %dma_wait3A_540] : memref<2x128x96xf32, #tpu.memory_space<vmem>> -> memref<1x128x96xf32, #tpu.memory_space<vmem>>
    %dma_wait3A_542 = tpu.memref_squeeze %dma_wait3A_541 : memref<1x128x96xf32, #tpu.memory_space<vmem>> -> memref<128x96xf32, #tpu.memory_space<vmem>>
    %dma_wait3A_543 = arith.constant 0 : i32
    %dma_wait3A_544 = tpu.memref_slice %arg4[%add3A_524, %dma_wait3A_543] : memref<73728x96xf32, #tpu.memory_space<hbm>> -> memref<128x96xf32, #tpu.memory_space<hbm>>
    %dma_wait3A_545 = arith.constant 0 : i32
    %dma_wait3A_546 = tpu.memref_slice %arg4[%add3A_524, %dma_wait3A_545] : memref<73728x96xf32, #tpu.memory_space<hbm>> -> memref<128x96xf32, #tpu.memory_space<hbm>>
    %dma_wait3A_547 = arith.constant 0 : i32
    %dma_wait3A_548 = arith.constant 0 : i32
    %dma_wait3A_549 = tpu.memref_slice %arg6[%dma_wait3A_538, %dma_wait3A_547, %dma_wait3A_548] : memref<2x128x96xf32, #tpu.memory_space<vmem>> -> memref<1x128x96xf32, #tpu.memory_space<vmem>>
    %dma_wait3A_550 = tpu.memref_squeeze %dma_wait3A_549 : memref<1x128x96xf32, #tpu.memory_space<vmem>> -> memref<128x96xf32, #tpu.memory_space<vmem>>
    tpu.wait_dma2 semaphore(%arg8 : memref<!tpu.dma_semaphore, #tpu.memory_space<semaphore_mem>>) src(%dma_wait3A_550 : memref<128x96xf32, #tpu.memory_space<vmem>>) dst(%dma_wait3A_546 : memref<128x96xf32, #tpu.memory_space<hbm>>)
    %dma_start3A_551 = arith.constant 11 : i32
    %dma_start3A_552 = arith.constant 1 : i32
    %dma_start3A_553 = arith.constant 0 : i32
    %dma_start3A_554 = arith.constant 0 : i32
    %dma_start3A_555 = tpu.memref_slice %arg6[%dma_start3A_552, %dma_start3A_553, %dma_start3A_554] : memref<2x128x96xf32, #tpu.memory_space<vmem>> -> memref<1x128x96xf32, #tpu.memory_space<vmem>>
    %dma_start3A_556 = tpu.memref_squeeze %dma_start3A_555 : memref<1x128x96xf32, #tpu.memory_space<vmem>> -> memref<128x96xf32, #tpu.memory_space<vmem>>
    %dma_start3A_557 = arith.constant 0 : i32
    %dma_start3A_558 = tpu.memref_slice %arg5[%dma_start3A_551, %dma_start3A_557] : memref<18x128xi32, #tpu.memory_space<vmem>> -> memref<1x128xi32, #tpu.memory_space<vmem>>
    %dma_start3A_559 = tpu.memref_squeeze %dma_start3A_558 : memref<1x128xi32, #tpu.memory_space<vmem>> -> memref<128xi32, #tpu.memory_space<vmem>>
    %dma_start3A_560 = arith.constant 0 : i32
    %dma_start3A_561 = arith.constant 0 : i32
    %dma_start3A_562 = tpu.memref_slice %arg2[%dma_start3A_560, %dma_start3A_561] : memref<294912x96xf32, #tpu.memory_space<hbm>> -> memref<294912x96xf32, #tpu.memory_space<hbm>>
    tpu.enqueue_indirect_dma source(%dma_start3A_562 : memref<294912x96xf32, #tpu.memory_space<hbm>>) target(%dma_start3A_556 : memref<128x96xf32, #tpu.memory_space<vmem>>) offsets(%dma_start3A_559 : memref<128xi32, #tpu.memory_space<vmem>>) semaphore(%arg7 : memref<!tpu.dma_semaphore, #tpu.memory_space<semaphore_mem>>)
    %dma_wait3A_563 = arith.constant 10 : i32
    %dma_wait3A_564 = arith.constant 0 : i32
    %dma_wait3A_565 = arith.constant 0 : i32
    %dma_wait3A_566 = arith.constant 0 : i32
    %dma_wait3A_567 = tpu.memref_slice %arg6[%dma_wait3A_564, %dma_wait3A_565, %dma_wait3A_566] : memref<2x128x96xf32, #tpu.memory_space<vmem>> -> memref<1x128x96xf32, #tpu.memory_space<vmem>>
    %dma_wait3A_568 = tpu.memref_squeeze %dma_wait3A_567 : memref<1x128x96xf32, #tpu.memory_space<vmem>> -> memref<128x96xf32, #tpu.memory_space<vmem>>
    %dma_wait3A_569 = arith.constant 0 : i32
    %dma_wait3A_570 = tpu.memref_slice %arg5[%dma_wait3A_563, %dma_wait3A_569] : memref<18x128xi32, #tpu.memory_space<vmem>> -> memref<1x128xi32, #tpu.memory_space<vmem>>
    %dma_wait3A_571 = tpu.memref_squeeze %dma_wait3A_570 : memref<1x128xi32, #tpu.memory_space<vmem>> -> memref<128xi32, #tpu.memory_space<vmem>>
    %dma_wait3A_572 = arith.constant 0 : i32
    %dma_wait3A_573 = arith.constant 0 : i32
    %dma_wait3A_574 = tpu.memref_slice %arg2[%dma_wait3A_572, %dma_wait3A_573] : memref<294912x96xf32, #tpu.memory_space<hbm>> -> memref<294912x96xf32, #tpu.memory_space<hbm>>
    tpu.wait_indirect_dma semaphore(%arg7 : memref<!tpu.dma_semaphore, #tpu.memory_space<semaphore_mem>>) src(%dma_wait3A_574 : memref<294912x96xf32, #tpu.memory_space<hbm>>) dst(%dma_wait3A_568 : memref<128x96xf32, #tpu.memory_space<vmem>>)
    %mul3A_575 = arith.constant 2304 : i32
    %mul3A_576 = arith.muli %add3A, %mul3A_575 : i32
    %add3A_577 = arith.constant 1280 : i32
    %add3A_578 = arith.addi %mul3A_576, %add3A_577 : i32
    %dma_start3A_579 = arith.constant 0 : i32
    %dma_start3A_580 = arith.constant 0 : i32
    %dma_start3A_581 = arith.constant 0 : i32
    %dma_start3A_582 = tpu.memref_slice %arg6[%dma_start3A_579, %dma_start3A_580, %dma_start3A_581] : memref<2x128x96xf32, #tpu.memory_space<vmem>> -> memref<1x128x96xf32, #tpu.memory_space<vmem>>
    %dma_start3A_583 = tpu.memref_squeeze %dma_start3A_582 : memref<1x128x96xf32, #tpu.memory_space<vmem>> -> memref<128x96xf32, #tpu.memory_space<vmem>>
    %dma_start3A_584 = arith.constant 0 : i32
    %dma_start3A_585 = tpu.memref_slice %arg4[%add3A_578, %dma_start3A_584] : memref<73728x96xf32, #tpu.memory_space<hbm>> -> memref<128x96xf32, #tpu.memory_space<hbm>>
    %dma_start3A_586 = arith.constant 0 : i32
    %dma_start3A_587 = tpu.memref_slice %arg4[%add3A_578, %dma_start3A_586] : memref<73728x96xf32, #tpu.memory_space<hbm>> -> memref<128x96xf32, #tpu.memory_space<hbm>>
    %dma_start3A_588 = arith.constant 0 : i32
    %dma_start3A_589 = arith.constant 0 : i32
    %dma_start3A_590 = tpu.memref_slice %arg6[%dma_start3A_579, %dma_start3A_588, %dma_start3A_589] : memref<2x128x96xf32, #tpu.memory_space<vmem>> -> memref<1x128x96xf32, #tpu.memory_space<vmem>>
    %dma_start3A_591 = tpu.memref_squeeze %dma_start3A_590 : memref<1x128x96xf32, #tpu.memory_space<vmem>> -> memref<128x96xf32, #tpu.memory_space<vmem>>
    tpu.enqueue_dma source(%dma_start3A_591 : memref<128x96xf32, #tpu.memory_space<vmem>>) target(%dma_start3A_587 : memref<128x96xf32, #tpu.memory_space<hbm>>) target_semaphore(%arg8 : memref<!tpu.dma_semaphore, #tpu.memory_space<semaphore_mem>>)
    %dma_wait3A_592 = arith.constant 0 : i32
    %dma_wait3A_593 = arith.constant 0 : i32
    %dma_wait3A_594 = arith.constant 0 : i32
    %dma_wait3A_595 = tpu.memref_slice %arg6[%dma_wait3A_592, %dma_wait3A_593, %dma_wait3A_594] : memref<2x128x96xf32, #tpu.memory_space<vmem>> -> memref<1x128x96xf32, #tpu.memory_space<vmem>>
    %dma_wait3A_596 = tpu.memref_squeeze %dma_wait3A_595 : memref<1x128x96xf32, #tpu.memory_space<vmem>> -> memref<128x96xf32, #tpu.memory_space<vmem>>
    %dma_wait3A_597 = arith.constant 0 : i32
    %dma_wait3A_598 = tpu.memref_slice %arg4[%add3A_578, %dma_wait3A_597] : memref<73728x96xf32, #tpu.memory_space<hbm>> -> memref<128x96xf32, #tpu.memory_space<hbm>>
    %dma_wait3A_599 = arith.constant 0 : i32
    %dma_wait3A_600 = tpu.memref_slice %arg4[%add3A_578, %dma_wait3A_599] : memref<73728x96xf32, #tpu.memory_space<hbm>> -> memref<128x96xf32, #tpu.memory_space<hbm>>
    %dma_wait3A_601 = arith.constant 0 : i32
    %dma_wait3A_602 = arith.constant 0 : i32
    %dma_wait3A_603 = tpu.memref_slice %arg6[%dma_wait3A_592, %dma_wait3A_601, %dma_wait3A_602] : memref<2x128x96xf32, #tpu.memory_space<vmem>> -> memref<1x128x96xf32, #tpu.memory_space<vmem>>
    %dma_wait3A_604 = tpu.memref_squeeze %dma_wait3A_603 : memref<1x128x96xf32, #tpu.memory_space<vmem>> -> memref<128x96xf32, #tpu.memory_space<vmem>>
    tpu.wait_dma2 semaphore(%arg8 : memref<!tpu.dma_semaphore, #tpu.memory_space<semaphore_mem>>) src(%dma_wait3A_604 : memref<128x96xf32, #tpu.memory_space<vmem>>) dst(%dma_wait3A_600 : memref<128x96xf32, #tpu.memory_space<hbm>>)
    %dma_start3A_605 = arith.constant 12 : i32
    %dma_start3A_606 = arith.constant 0 : i32
    %dma_start3A_607 = arith.constant 0 : i32
    %dma_start3A_608 = arith.constant 0 : i32
    %dma_start3A_609 = tpu.memref_slice %arg6[%dma_start3A_606, %dma_start3A_607, %dma_start3A_608] : memref<2x128x96xf32, #tpu.memory_space<vmem>> -> memref<1x128x96xf32, #tpu.memory_space<vmem>>
    %dma_start3A_610 = tpu.memref_squeeze %dma_start3A_609 : memref<1x128x96xf32, #tpu.memory_space<vmem>> -> memref<128x96xf32, #tpu.memory_space<vmem>>
    %dma_start3A_611 = arith.constant 0 : i32
    %dma_start3A_612 = tpu.memref_slice %arg5[%dma_start3A_605, %dma_start3A_611] : memref<18x128xi32, #tpu.memory_space<vmem>> -> memref<1x128xi32, #tpu.memory_space<vmem>>
    %dma_start3A_613 = tpu.memref_squeeze %dma_start3A_612 : memref<1x128xi32, #tpu.memory_space<vmem>> -> memref<128xi32, #tpu.memory_space<vmem>>
    %dma_start3A_614 = arith.constant 0 : i32
    %dma_start3A_615 = arith.constant 0 : i32
    %dma_start3A_616 = tpu.memref_slice %arg2[%dma_start3A_614, %dma_start3A_615] : memref<294912x96xf32, #tpu.memory_space<hbm>> -> memref<294912x96xf32, #tpu.memory_space<hbm>>
    tpu.enqueue_indirect_dma source(%dma_start3A_616 : memref<294912x96xf32, #tpu.memory_space<hbm>>) target(%dma_start3A_610 : memref<128x96xf32, #tpu.memory_space<vmem>>) offsets(%dma_start3A_613 : memref<128xi32, #tpu.memory_space<vmem>>) semaphore(%arg7 : memref<!tpu.dma_semaphore, #tpu.memory_space<semaphore_mem>>)
    %dma_wait3A_617 = arith.constant 11 : i32
    %dma_wait3A_618 = arith.constant 1 : i32
    %dma_wait3A_619 = arith.constant 0 : i32
    %dma_wait3A_620 = arith.constant 0 : i32
    %dma_wait3A_621 = tpu.memref_slice %arg6[%dma_wait3A_618, %dma_wait3A_619, %dma_wait3A_620] : memref<2x128x96xf32, #tpu.memory_space<vmem>> -> memref<1x128x96xf32, #tpu.memory_space<vmem>>
    %dma_wait3A_622 = tpu.memref_squeeze %dma_wait3A_621 : memref<1x128x96xf32, #tpu.memory_space<vmem>> -> memref<128x96xf32, #tpu.memory_space<vmem>>
    %dma_wait3A_623 = arith.constant 0 : i32
    %dma_wait3A_624 = tpu.memref_slice %arg5[%dma_wait3A_617, %dma_wait3A_623] : memref<18x128xi32, #tpu.memory_space<vmem>> -> memref<1x128xi32, #tpu.memory_space<vmem>>
    %dma_wait3A_625 = tpu.memref_squeeze %dma_wait3A_624 : memref<1x128xi32, #tpu.memory_space<vmem>> -> memref<128xi32, #tpu.memory_space<vmem>>
    %dma_wait3A_626 = arith.constant 0 : i32
    %dma_wait3A_627 = arith.constant 0 : i32
    %dma_wait3A_628 = tpu.memref_slice %arg2[%dma_wait3A_626, %dma_wait3A_627] : memref<294912x96xf32, #tpu.memory_space<hbm>> -> memref<294912x96xf32, #tpu.memory_space<hbm>>
    tpu.wait_indirect_dma semaphore(%arg7 : memref<!tpu.dma_semaphore, #tpu.memory_space<semaphore_mem>>) src(%dma_wait3A_628 : memref<294912x96xf32, #tpu.memory_space<hbm>>) dst(%dma_wait3A_622 : memref<128x96xf32, #tpu.memory_space<vmem>>)
    %mul3A_629 = arith.constant 2304 : i32
    %mul3A_630 = arith.muli %add3A, %mul3A_629 : i32
    %add3A_631 = arith.constant 1408 : i32
    %add3A_632 = arith.addi %mul3A_630, %add3A_631 : i32
    %dma_start3A_633 = arith.constant 1 : i32
    %dma_start3A_634 = arith.constant 0 : i32
    %dma_start3A_635 = arith.constant 0 : i32
    %dma_start3A_636 = tpu.memref_slice %arg6[%dma_start3A_633, %dma_start3A_634, %dma_start3A_635] : memref<2x128x96xf32, #tpu.memory_space<vmem>> -> memref<1x128x96xf32, #tpu.memory_space<vmem>>
    %dma_start3A_637 = tpu.memref_squeeze %dma_start3A_636 : memref<1x128x96xf32, #tpu.memory_space<vmem>> -> memref<128x96xf32, #tpu.memory_space<vmem>>
    %dma_start3A_638 = arith.constant 0 : i32
    %dma_start3A_639 = tpu.memref_slice %arg4[%add3A_632, %dma_start3A_638] : memref<73728x96xf32, #tpu.memory_space<hbm>> -> memref<128x96xf32, #tpu.memory_space<hbm>>
    %dma_start3A_640 = arith.constant 0 : i32
    %dma_start3A_641 = tpu.memref_slice %arg4[%add3A_632, %dma_start3A_640] : memref<73728x96xf32, #tpu.memory_space<hbm>> -> memref<128x96xf32, #tpu.memory_space<hbm>>
    %dma_start3A_642 = arith.constant 0 : i32
    %dma_start3A_643 = arith.constant 0 : i32
    %dma_start3A_644 = tpu.memref_slice %arg6[%dma_start3A_633, %dma_start3A_642, %dma_start3A_643] : memref<2x128x96xf32, #tpu.memory_space<vmem>> -> memref<1x128x96xf32, #tpu.memory_space<vmem>>
    %dma_start3A_645 = tpu.memref_squeeze %dma_start3A_644 : memref<1x128x96xf32, #tpu.memory_space<vmem>> -> memref<128x96xf32, #tpu.memory_space<vmem>>
    tpu.enqueue_dma source(%dma_start3A_645 : memref<128x96xf32, #tpu.memory_space<vmem>>) target(%dma_start3A_641 : memref<128x96xf32, #tpu.memory_space<hbm>>) target_semaphore(%arg8 : memref<!tpu.dma_semaphore, #tpu.memory_space<semaphore_mem>>)
    %dma_wait3A_646 = arith.constant 1 : i32
    %dma_wait3A_647 = arith.constant 0 : i32
    %dma_wait3A_648 = arith.constant 0 : i32
    %dma_wait3A_649 = tpu.memref_slice %arg6[%dma_wait3A_646, %dma_wait3A_647, %dma_wait3A_648] : memref<2x128x96xf32, #tpu.memory_space<vmem>> -> memref<1x128x96xf32, #tpu.memory_space<vmem>>
    %dma_wait3A_650 = tpu.memref_squeeze %dma_wait3A_649 : memref<1x128x96xf32, #tpu.memory_space<vmem>> -> memref<128x96xf32, #tpu.memory_space<vmem>>
    %dma_wait3A_651 = arith.constant 0 : i32
    %dma_wait3A_652 = tpu.memref_slice %arg4[%add3A_632, %dma_wait3A_651] : memref<73728x96xf32, #tpu.memory_space<hbm>> -> memref<128x96xf32, #tpu.memory_space<hbm>>
    %dma_wait3A_653 = arith.constant 0 : i32
    %dma_wait3A_654 = tpu.memref_slice %arg4[%add3A_632, %dma_wait3A_653] : memref<73728x96xf32, #tpu.memory_space<hbm>> -> memref<128x96xf32, #tpu.memory_space<hbm>>
    %dma_wait3A_655 = arith.constant 0 : i32
    %dma_wait3A_656 = arith.constant 0 : i32
    %dma_wait3A_657 = tpu.memref_slice %arg6[%dma_wait3A_646, %dma_wait3A_655, %dma_wait3A_656] : memref<2x128x96xf32, #tpu.memory_space<vmem>> -> memref<1x128x96xf32, #tpu.memory_space<vmem>>
    %dma_wait3A_658 = tpu.memref_squeeze %dma_wait3A_657 : memref<1x128x96xf32, #tpu.memory_space<vmem>> -> memref<128x96xf32, #tpu.memory_space<vmem>>
    tpu.wait_dma2 semaphore(%arg8 : memref<!tpu.dma_semaphore, #tpu.memory_space<semaphore_mem>>) src(%dma_wait3A_658 : memref<128x96xf32, #tpu.memory_space<vmem>>) dst(%dma_wait3A_654 : memref<128x96xf32, #tpu.memory_space<hbm>>)
    %dma_start3A_659 = arith.constant 13 : i32
    %dma_start3A_660 = arith.constant 1 : i32
    %dma_start3A_661 = arith.constant 0 : i32
    %dma_start3A_662 = arith.constant 0 : i32
    %dma_start3A_663 = tpu.memref_slice %arg6[%dma_start3A_660, %dma_start3A_661, %dma_start3A_662] : memref<2x128x96xf32, #tpu.memory_space<vmem>> -> memref<1x128x96xf32, #tpu.memory_space<vmem>>
    %dma_start3A_664 = tpu.memref_squeeze %dma_start3A_663 : memref<1x128x96xf32, #tpu.memory_space<vmem>> -> memref<128x96xf32, #tpu.memory_space<vmem>>
    %dma_start3A_665 = arith.constant 0 : i32
    %dma_start3A_666 = tpu.memref_slice %arg5[%dma_start3A_659, %dma_start3A_665] : memref<18x128xi32, #tpu.memory_space<vmem>> -> memref<1x128xi32, #tpu.memory_space<vmem>>
    %dma_start3A_667 = tpu.memref_squeeze %dma_start3A_666 : memref<1x128xi32, #tpu.memory_space<vmem>> -> memref<128xi32, #tpu.memory_space<vmem>>
    %dma_start3A_668 = arith.constant 0 : i32
    %dma_start3A_669 = arith.constant 0 : i32
    %dma_start3A_670 = tpu.memref_slice %arg2[%dma_start3A_668, %dma_start3A_669] : memref<294912x96xf32, #tpu.memory_space<hbm>> -> memref<294912x96xf32, #tpu.memory_space<hbm>>
    tpu.enqueue_indirect_dma source(%dma_start3A_670 : memref<294912x96xf32, #tpu.memory_space<hbm>>) target(%dma_start3A_664 : memref<128x96xf32, #tpu.memory_space<vmem>>) offsets(%dma_start3A_667 : memref<128xi32, #tpu.memory_space<vmem>>) semaphore(%arg7 : memref<!tpu.dma_semaphore, #tpu.memory_space<semaphore_mem>>)
    %dma_wait3A_671 = arith.constant 12 : i32
    %dma_wait3A_672 = arith.constant 0 : i32
    %dma_wait3A_673 = arith.constant 0 : i32
    %dma_wait3A_674 = arith.constant 0 : i32
    %dma_wait3A_675 = tpu.memref_slice %arg6[%dma_wait3A_672, %dma_wait3A_673, %dma_wait3A_674] : memref<2x128x96xf32, #tpu.memory_space<vmem>> -> memref<1x128x96xf32, #tpu.memory_space<vmem>>
    %dma_wait3A_676 = tpu.memref_squeeze %dma_wait3A_675 : memref<1x128x96xf32, #tpu.memory_space<vmem>> -> memref<128x96xf32, #tpu.memory_space<vmem>>
    %dma_wait3A_677 = arith.constant 0 : i32
    %dma_wait3A_678 = tpu.memref_slice %arg5[%dma_wait3A_671, %dma_wait3A_677] : memref<18x128xi32, #tpu.memory_space<vmem>> -> memref<1x128xi32, #tpu.memory_space<vmem>>
    %dma_wait3A_679 = tpu.memref_squeeze %dma_wait3A_678 : memref<1x128xi32, #tpu.memory_space<vmem>> -> memref<128xi32, #tpu.memory_space<vmem>>
    %dma_wait3A_680 = arith.constant 0 : i32
    %dma_wait3A_681 = arith.constant 0 : i32
    %dma_wait3A_682 = tpu.memref_slice %arg2[%dma_wait3A_680, %dma_wait3A_681] : memref<294912x96xf32, #tpu.memory_space<hbm>> -> memref<294912x96xf32, #tpu.memory_space<hbm>>
    tpu.wait_indirect_dma semaphore(%arg7 : memref<!tpu.dma_semaphore, #tpu.memory_space<semaphore_mem>>) src(%dma_wait3A_682 : memref<294912x96xf32, #tpu.memory_space<hbm>>) dst(%dma_wait3A_676 : memref<128x96xf32, #tpu.memory_space<vmem>>)
    %mul3A_683 = arith.constant 2304 : i32
    %mul3A_684 = arith.muli %add3A, %mul3A_683 : i32
    %add3A_685 = arith.constant 1536 : i32
    %add3A_686 = arith.addi %mul3A_684, %add3A_685 : i32
    %dma_start3A_687 = arith.constant 0 : i32
    %dma_start3A_688 = arith.constant 0 : i32
    %dma_start3A_689 = arith.constant 0 : i32
    %dma_start3A_690 = tpu.memref_slice %arg6[%dma_start3A_687, %dma_start3A_688, %dma_start3A_689] : memref<2x128x96xf32, #tpu.memory_space<vmem>> -> memref<1x128x96xf32, #tpu.memory_space<vmem>>
    %dma_start3A_691 = tpu.memref_squeeze %dma_start3A_690 : memref<1x128x96xf32, #tpu.memory_space<vmem>> -> memref<128x96xf32, #tpu.memory_space<vmem>>
    %dma_start3A_692 = arith.constant 0 : i32
    %dma_start3A_693 = tpu.memref_slice %arg4[%add3A_686, %dma_start3A_692] : memref<73728x96xf32, #tpu.memory_space<hbm>> -> memref<128x96xf32, #tpu.memory_space<hbm>>
    %dma_start3A_694 = arith.constant 0 : i32
    %dma_start3A_695 = tpu.memref_slice %arg4[%add3A_686, %dma_start3A_694] : memref<73728x96xf32, #tpu.memory_space<hbm>> -> memref<128x96xf32, #tpu.memory_space<hbm>>
    %dma_start3A_696 = arith.constant 0 : i32
    %dma_start3A_697 = arith.constant 0 : i32
    %dma_start3A_698 = tpu.memref_slice %arg6[%dma_start3A_687, %dma_start3A_696, %dma_start3A_697] : memref<2x128x96xf32, #tpu.memory_space<vmem>> -> memref<1x128x96xf32, #tpu.memory_space<vmem>>
    %dma_start3A_699 = tpu.memref_squeeze %dma_start3A_698 : memref<1x128x96xf32, #tpu.memory_space<vmem>> -> memref<128x96xf32, #tpu.memory_space<vmem>>
    tpu.enqueue_dma source(%dma_start3A_699 : memref<128x96xf32, #tpu.memory_space<vmem>>) target(%dma_start3A_695 : memref<128x96xf32, #tpu.memory_space<hbm>>) target_semaphore(%arg8 : memref<!tpu.dma_semaphore, #tpu.memory_space<semaphore_mem>>)
    %dma_wait3A_700 = arith.constant 0 : i32
    %dma_wait3A_701 = arith.constant 0 : i32
    %dma_wait3A_702 = arith.constant 0 : i32
    %dma_wait3A_703 = tpu.memref_slice %arg6[%dma_wait3A_700, %dma_wait3A_701, %dma_wait3A_702] : memref<2x128x96xf32, #tpu.memory_space<vmem>> -> memref<1x128x96xf32, #tpu.memory_space<vmem>>
    %dma_wait3A_704 = tpu.memref_squeeze %dma_wait3A_703 : memref<1x128x96xf32, #tpu.memory_space<vmem>> -> memref<128x96xf32, #tpu.memory_space<vmem>>
    %dma_wait3A_705 = arith.constant 0 : i32
    %dma_wait3A_706 = tpu.memref_slice %arg4[%add3A_686, %dma_wait3A_705] : memref<73728x96xf32, #tpu.memory_space<hbm>> -> memref<128x96xf32, #tpu.memory_space<hbm>>
    %dma_wait3A_707 = arith.constant 0 : i32
    %dma_wait3A_708 = tpu.memref_slice %arg4[%add3A_686, %dma_wait3A_707] : memref<73728x96xf32, #tpu.memory_space<hbm>> -> memref<128x96xf32, #tpu.memory_space<hbm>>
    %dma_wait3A_709 = arith.constant 0 : i32
    %dma_wait3A_710 = arith.constant 0 : i32
    %dma_wait3A_711 = tpu.memref_slice %arg6[%dma_wait3A_700, %dma_wait3A_709, %dma_wait3A_710] : memref<2x128x96xf32, #tpu.memory_space<vmem>> -> memref<1x128x96xf32, #tpu.memory_space<vmem>>
    %dma_wait3A_712 = tpu.memref_squeeze %dma_wait3A_711 : memref<1x128x96xf32, #tpu.memory_space<vmem>> -> memref<128x96xf32, #tpu.memory_space<vmem>>
    tpu.wait_dma2 semaphore(%arg8 : memref<!tpu.dma_semaphore, #tpu.memory_space<semaphore_mem>>) src(%dma_wait3A_712 : memref<128x96xf32, #tpu.memory_space<vmem>>) dst(%dma_wait3A_708 : memref<128x96xf32, #tpu.memory_space<hbm>>)
    %dma_start3A_713 = arith.constant 14 : i32
    %dma_start3A_714 = arith.constant 0 : i32
    %dma_start3A_715 = arith.constant 0 : i32
    %dma_start3A_716 = arith.constant 0 : i32
    %dma_start3A_717 = tpu.memref_slice %arg6[%dma_start3A_714, %dma_start3A_715, %dma_start3A_716] : memref<2x128x96xf32, #tpu.memory_space<vmem>> -> memref<1x128x96xf32, #tpu.memory_space<vmem>>
    %dma_start3A_718 = tpu.memref_squeeze %dma_start3A_717 : memref<1x128x96xf32, #tpu.memory_space<vmem>> -> memref<128x96xf32, #tpu.memory_space<vmem>>
    %dma_start3A_719 = arith.constant 0 : i32
    %dma_start3A_720 = tpu.memref_slice %arg5[%dma_start3A_713, %dma_start3A_719] : memref<18x128xi32, #tpu.memory_space<vmem>> -> memref<1x128xi32, #tpu.memory_space<vmem>>
    %dma_start3A_721 = tpu.memref_squeeze %dma_start3A_720 : memref<1x128xi32, #tpu.memory_space<vmem>> -> memref<128xi32, #tpu.memory_space<vmem>>
    %dma_start3A_722 = arith.constant 0 : i32
    %dma_start3A_723 = arith.constant 0 : i32
    %dma_start3A_724 = tpu.memref_slice %arg2[%dma_start3A_722, %dma_start3A_723] : memref<294912x96xf32, #tpu.memory_space<hbm>> -> memref<294912x96xf32, #tpu.memory_space<hbm>>
    tpu.enqueue_indirect_dma source(%dma_start3A_724 : memref<294912x96xf32, #tpu.memory_space<hbm>>) target(%dma_start3A_718 : memref<128x96xf32, #tpu.memory_space<vmem>>) offsets(%dma_start3A_721 : memref<128xi32, #tpu.memory_space<vmem>>) semaphore(%arg7 : memref<!tpu.dma_semaphore, #tpu.memory_space<semaphore_mem>>)
    %dma_wait3A_725 = arith.constant 13 : i32
    %dma_wait3A_726 = arith.constant 1 : i32
    %dma_wait3A_727 = arith.constant 0 : i32
    %dma_wait3A_728 = arith.constant 0 : i32
    %dma_wait3A_729 = tpu.memref_slice %arg6[%dma_wait3A_726, %dma_wait3A_727, %dma_wait3A_728] : memref<2x128x96xf32, #tpu.memory_space<vmem>> -> memref<1x128x96xf32, #tpu.memory_space<vmem>>
    %dma_wait3A_730 = tpu.memref_squeeze %dma_wait3A_729 : memref<1x128x96xf32, #tpu.memory_space<vmem>> -> memref<128x96xf32, #tpu.memory_space<vmem>>
    %dma_wait3A_731 = arith.constant 0 : i32
    %dma_wait3A_732 = tpu.memref_slice %arg5[%dma_wait3A_725, %dma_wait3A_731] : memref<18x128xi32, #tpu.memory_space<vmem>> -> memref<1x128xi32, #tpu.memory_space<vmem>>
    %dma_wait3A_733 = tpu.memref_squeeze %dma_wait3A_732 : memref<1x128xi32, #tpu.memory_space<vmem>> -> memref<128xi32, #tpu.memory_space<vmem>>
    %dma_wait3A_734 = arith.constant 0 : i32
    %dma_wait3A_735 = arith.constant 0 : i32
    %dma_wait3A_736 = tpu.memref_slice %arg2[%dma_wait3A_734, %dma_wait3A_735] : memref<294912x96xf32, #tpu.memory_space<hbm>> -> memref<294912x96xf32, #tpu.memory_space<hbm>>
    tpu.wait_indirect_dma semaphore(%arg7 : memref<!tpu.dma_semaphore, #tpu.memory_space<semaphore_mem>>) src(%dma_wait3A_736 : memref<294912x96xf32, #tpu.memory_space<hbm>>) dst(%dma_wait3A_730 : memref<128x96xf32, #tpu.memory_space<vmem>>)
    %mul3A_737 = arith.constant 2304 : i32
    %mul3A_738 = arith.muli %add3A, %mul3A_737 : i32
    %add3A_739 = arith.constant 1664 : i32
    %add3A_740 = arith.addi %mul3A_738, %add3A_739 : i32
    %dma_start3A_741 = arith.constant 1 : i32
    %dma_start3A_742 = arith.constant 0 : i32
    %dma_start3A_743 = arith.constant 0 : i32
    %dma_start3A_744 = tpu.memref_slice %arg6[%dma_start3A_741, %dma_start3A_742, %dma_start3A_743] : memref<2x128x96xf32, #tpu.memory_space<vmem>> -> memref<1x128x96xf32, #tpu.memory_space<vmem>>
    %dma_start3A_745 = tpu.memref_squeeze %dma_start3A_744 : memref<1x128x96xf32, #tpu.memory_space<vmem>> -> memref<128x96xf32, #tpu.memory_space<vmem>>
    %dma_start3A_746 = arith.constant 0 : i32
    %dma_start3A_747 = tpu.memref_slice %arg4[%add3A_740, %dma_start3A_746] : memref<73728x96xf32, #tpu.memory_space<hbm>> -> memref<128x96xf32, #tpu.memory_space<hbm>>
    %dma_start3A_748 = arith.constant 0 : i32
    %dma_start3A_749 = tpu.memref_slice %arg4[%add3A_740, %dma_start3A_748] : memref<73728x96xf32, #tpu.memory_space<hbm>> -> memref<128x96xf32, #tpu.memory_space<hbm>>
    %dma_start3A_750 = arith.constant 0 : i32
    %dma_start3A_751 = arith.constant 0 : i32
    %dma_start3A_752 = tpu.memref_slice %arg6[%dma_start3A_741, %dma_start3A_750, %dma_start3A_751] : memref<2x128x96xf32, #tpu.memory_space<vmem>> -> memref<1x128x96xf32, #tpu.memory_space<vmem>>
    %dma_start3A_753 = tpu.memref_squeeze %dma_start3A_752 : memref<1x128x96xf32, #tpu.memory_space<vmem>> -> memref<128x96xf32, #tpu.memory_space<vmem>>
    tpu.enqueue_dma source(%dma_start3A_753 : memref<128x96xf32, #tpu.memory_space<vmem>>) target(%dma_start3A_749 : memref<128x96xf32, #tpu.memory_space<hbm>>) target_semaphore(%arg8 : memref<!tpu.dma_semaphore, #tpu.memory_space<semaphore_mem>>)
    %dma_wait3A_754 = arith.constant 1 : i32
    %dma_wait3A_755 = arith.constant 0 : i32
    %dma_wait3A_756 = arith.constant 0 : i32
    %dma_wait3A_757 = tpu.memref_slice %arg6[%dma_wait3A_754, %dma_wait3A_755, %dma_wait3A_756] : memref<2x128x96xf32, #tpu.memory_space<vmem>> -> memref<1x128x96xf32, #tpu.memory_space<vmem>>
    %dma_wait3A_758 = tpu.memref_squeeze %dma_wait3A_757 : memref<1x128x96xf32, #tpu.memory_space<vmem>> -> memref<128x96xf32, #tpu.memory_space<vmem>>
    %dma_wait3A_759 = arith.constant 0 : i32
    %dma_wait3A_760 = tpu.memref_slice %arg4[%add3A_740, %dma_wait3A_759] : memref<73728x96xf32, #tpu.memory_space<hbm>> -> memref<128x96xf32, #tpu.memory_space<hbm>>
    %dma_wait3A_761 = arith.constant 0 : i32
    %dma_wait3A_762 = tpu.memref_slice %arg4[%add3A_740, %dma_wait3A_761] : memref<73728x96xf32, #tpu.memory_space<hbm>> -> memref<128x96xf32, #tpu.memory_space<hbm>>
    %dma_wait3A_763 = arith.constant 0 : i32
    %dma_wait3A_764 = arith.constant 0 : i32
    %dma_wait3A_765 = tpu.memref_slice %arg6[%dma_wait3A_754, %dma_wait3A_763, %dma_wait3A_764] : memref<2x128x96xf32, #tpu.memory_space<vmem>> -> memref<1x128x96xf32, #tpu.memory_space<vmem>>
    %dma_wait3A_766 = tpu.memref_squeeze %dma_wait3A_765 : memref<1x128x96xf32, #tpu.memory_space<vmem>> -> memref<128x96xf32, #tpu.memory_space<vmem>>
    tpu.wait_dma2 semaphore(%arg8 : memref<!tpu.dma_semaphore, #tpu.memory_space<semaphore_mem>>) src(%dma_wait3A_766 : memref<128x96xf32, #tpu.memory_space<vmem>>) dst(%dma_wait3A_762 : memref<128x96xf32, #tpu.memory_space<hbm>>)
    %dma_start3A_767 = arith.constant 15 : i32
    %dma_start3A_768 = arith.constant 1 : i32
    %dma_start3A_769 = arith.constant 0 : i32
    %dma_start3A_770 = arith.constant 0 : i32
    %dma_start3A_771 = tpu.memref_slice %arg6[%dma_start3A_768, %dma_start3A_769, %dma_start3A_770] : memref<2x128x96xf32, #tpu.memory_space<vmem>> -> memref<1x128x96xf32, #tpu.memory_space<vmem>>
    %dma_start3A_772 = tpu.memref_squeeze %dma_start3A_771 : memref<1x128x96xf32, #tpu.memory_space<vmem>> -> memref<128x96xf32, #tpu.memory_space<vmem>>
    %dma_start3A_773 = arith.constant 0 : i32
    %dma_start3A_774 = tpu.memref_slice %arg5[%dma_start3A_767, %dma_start3A_773] : memref<18x128xi32, #tpu.memory_space<vmem>> -> memref<1x128xi32, #tpu.memory_space<vmem>>
    %dma_start3A_775 = tpu.memref_squeeze %dma_start3A_774 : memref<1x128xi32, #tpu.memory_space<vmem>> -> memref<128xi32, #tpu.memory_space<vmem>>
    %dma_start3A_776 = arith.constant 0 : i32
    %dma_start3A_777 = arith.constant 0 : i32
    %dma_start3A_778 = tpu.memref_slice %arg2[%dma_start3A_776, %dma_start3A_777] : memref<294912x96xf32, #tpu.memory_space<hbm>> -> memref<294912x96xf32, #tpu.memory_space<hbm>>
    tpu.enqueue_indirect_dma source(%dma_start3A_778 : memref<294912x96xf32, #tpu.memory_space<hbm>>) target(%dma_start3A_772 : memref<128x96xf32, #tpu.memory_space<vmem>>) offsets(%dma_start3A_775 : memref<128xi32, #tpu.memory_space<vmem>>) semaphore(%arg7 : memref<!tpu.dma_semaphore, #tpu.memory_space<semaphore_mem>>)
    %dma_wait3A_779 = arith.constant 14 : i32
    %dma_wait3A_780 = arith.constant 0 : i32
    %dma_wait3A_781 = arith.constant 0 : i32
    %dma_wait3A_782 = arith.constant 0 : i32
    %dma_wait3A_783 = tpu.memref_slice %arg6[%dma_wait3A_780, %dma_wait3A_781, %dma_wait3A_782] : memref<2x128x96xf32, #tpu.memory_space<vmem>> -> memref<1x128x96xf32, #tpu.memory_space<vmem>>
    %dma_wait3A_784 = tpu.memref_squeeze %dma_wait3A_783 : memref<1x128x96xf32, #tpu.memory_space<vmem>> -> memref<128x96xf32, #tpu.memory_space<vmem>>
    %dma_wait3A_785 = arith.constant 0 : i32
    %dma_wait3A_786 = tpu.memref_slice %arg5[%dma_wait3A_779, %dma_wait3A_785] : memref<18x128xi32, #tpu.memory_space<vmem>> -> memref<1x128xi32, #tpu.memory_space<vmem>>
    %dma_wait3A_787 = tpu.memref_squeeze %dma_wait3A_786 : memref<1x128xi32, #tpu.memory_space<vmem>> -> memref<128xi32, #tpu.memory_space<vmem>>
    %dma_wait3A_788 = arith.constant 0 : i32
    %dma_wait3A_789 = arith.constant 0 : i32
    %dma_wait3A_790 = tpu.memref_slice %arg2[%dma_wait3A_788, %dma_wait3A_789] : memref<294912x96xf32, #tpu.memory_space<hbm>> -> memref<294912x96xf32, #tpu.memory_space<hbm>>
    tpu.wait_indirect_dma semaphore(%arg7 : memref<!tpu.dma_semaphore, #tpu.memory_space<semaphore_mem>>) src(%dma_wait3A_790 : memref<294912x96xf32, #tpu.memory_space<hbm>>) dst(%dma_wait3A_784 : memref<128x96xf32, #tpu.memory_space<vmem>>)
    %mul3A_791 = arith.constant 2304 : i32
    %mul3A_792 = arith.muli %add3A, %mul3A_791 : i32
    %add3A_793 = arith.constant 1792 : i32
    %add3A_794 = arith.addi %mul3A_792, %add3A_793 : i32
    %dma_start3A_795 = arith.constant 0 : i32
    %dma_start3A_796 = arith.constant 0 : i32
    %dma_start3A_797 = arith.constant 0 : i32
    %dma_start3A_798 = tpu.memref_slice %arg6[%dma_start3A_795, %dma_start3A_796, %dma_start3A_797] : memref<2x128x96xf32, #tpu.memory_space<vmem>> -> memref<1x128x96xf32, #tpu.memory_space<vmem>>
    %dma_start3A_799 = tpu.memref_squeeze %dma_start3A_798 : memref<1x128x96xf32, #tpu.memory_space<vmem>> -> memref<128x96xf32, #tpu.memory_space<vmem>>
    %dma_start3A_800 = arith.constant 0 : i32
    %dma_start3A_801 = tpu.memref_slice %arg4[%add3A_794, %dma_start3A_800] : memref<73728x96xf32, #tpu.memory_space<hbm>> -> memref<128x96xf32, #tpu.memory_space<hbm>>
    %dma_start3A_802 = arith.constant 0 : i32
    %dma_start3A_803 = tpu.memref_slice %arg4[%add3A_794, %dma_start3A_802] : memref<73728x96xf32, #tpu.memory_space<hbm>> -> memref<128x96xf32, #tpu.memory_space<hbm>>
    %dma_start3A_804 = arith.constant 0 : i32
    %dma_start3A_805 = arith.constant 0 : i32
    %dma_start3A_806 = tpu.memref_slice %arg6[%dma_start3A_795, %dma_start3A_804, %dma_start3A_805] : memref<2x128x96xf32, #tpu.memory_space<vmem>> -> memref<1x128x96xf32, #tpu.memory_space<vmem>>
    %dma_start3A_807 = tpu.memref_squeeze %dma_start3A_806 : memref<1x128x96xf32, #tpu.memory_space<vmem>> -> memref<128x96xf32, #tpu.memory_space<vmem>>
    tpu.enqueue_dma source(%dma_start3A_807 : memref<128x96xf32, #tpu.memory_space<vmem>>) target(%dma_start3A_803 : memref<128x96xf32, #tpu.memory_space<hbm>>) target_semaphore(%arg8 : memref<!tpu.dma_semaphore, #tpu.memory_space<semaphore_mem>>)
    %dma_wait3A_808 = arith.constant 0 : i32
    %dma_wait3A_809 = arith.constant 0 : i32
    %dma_wait3A_810 = arith.constant 0 : i32
    %dma_wait3A_811 = tpu.memref_slice %arg6[%dma_wait3A_808, %dma_wait3A_809, %dma_wait3A_810] : memref<2x128x96xf32, #tpu.memory_space<vmem>> -> memref<1x128x96xf32, #tpu.memory_space<vmem>>
    %dma_wait3A_812 = tpu.memref_squeeze %dma_wait3A_811 : memref<1x128x96xf32, #tpu.memory_space<vmem>> -> memref<128x96xf32, #tpu.memory_space<vmem>>
    %dma_wait3A_813 = arith.constant 0 : i32
    %dma_wait3A_814 = tpu.memref_slice %arg4[%add3A_794, %dma_wait3A_813] : memref<73728x96xf32, #tpu.memory_space<hbm>> -> memref<128x96xf32, #tpu.memory_space<hbm>>
    %dma_wait3A_815 = arith.constant 0 : i32
    %dma_wait3A_816 = tpu.memref_slice %arg4[%add3A_794, %dma_wait3A_815] : memref<73728x96xf32, #tpu.memory_space<hbm>> -> memref<128x96xf32, #tpu.memory_space<hbm>>
    %dma_wait3A_817 = arith.constant 0 : i32
    %dma_wait3A_818 = arith.constant 0 : i32
    %dma_wait3A_819 = tpu.memref_slice %arg6[%dma_wait3A_808, %dma_wait3A_817, %dma_wait3A_818] : memref<2x128x96xf32, #tpu.memory_space<vmem>> -> memref<1x128x96xf32, #tpu.memory_space<vmem>>
    %dma_wait3A_820 = tpu.memref_squeeze %dma_wait3A_819 : memref<1x128x96xf32, #tpu.memory_space<vmem>> -> memref<128x96xf32, #tpu.memory_space<vmem>>
    tpu.wait_dma2 semaphore(%arg8 : memref<!tpu.dma_semaphore, #tpu.memory_space<semaphore_mem>>) src(%dma_wait3A_820 : memref<128x96xf32, #tpu.memory_space<vmem>>) dst(%dma_wait3A_816 : memref<128x96xf32, #tpu.memory_space<hbm>>)
    %dma_start3A_821 = arith.constant 16 : i32
    %dma_start3A_822 = arith.constant 0 : i32
    %dma_start3A_823 = arith.constant 0 : i32
    %dma_start3A_824 = arith.constant 0 : i32
    %dma_start3A_825 = tpu.memref_slice %arg6[%dma_start3A_822, %dma_start3A_823, %dma_start3A_824] : memref<2x128x96xf32, #tpu.memory_space<vmem>> -> memref<1x128x96xf32, #tpu.memory_space<vmem>>
    %dma_start3A_826 = tpu.memref_squeeze %dma_start3A_825 : memref<1x128x96xf32, #tpu.memory_space<vmem>> -> memref<128x96xf32, #tpu.memory_space<vmem>>
    %dma_start3A_827 = arith.constant 0 : i32
    %dma_start3A_828 = tpu.memref_slice %arg5[%dma_start3A_821, %dma_start3A_827] : memref<18x128xi32, #tpu.memory_space<vmem>> -> memref<1x128xi32, #tpu.memory_space<vmem>>
    %dma_start3A_829 = tpu.memref_squeeze %dma_start3A_828 : memref<1x128xi32, #tpu.memory_space<vmem>> -> memref<128xi32, #tpu.memory_space<vmem>>
    %dma_start3A_830 = arith.constant 0 : i32
    %dma_start3A_831 = arith.constant 0 : i32
    %dma_start3A_832 = tpu.memref_slice %arg2[%dma_start3A_830, %dma_start3A_831] : memref<294912x96xf32, #tpu.memory_space<hbm>> -> memref<294912x96xf32, #tpu.memory_space<hbm>>
    tpu.enqueue_indirect_dma source(%dma_start3A_832 : memref<294912x96xf32, #tpu.memory_space<hbm>>) target(%dma_start3A_826 : memref<128x96xf32, #tpu.memory_space<vmem>>) offsets(%dma_start3A_829 : memref<128xi32, #tpu.memory_space<vmem>>) semaphore(%arg7 : memref<!tpu.dma_semaphore, #tpu.memory_space<semaphore_mem>>)
    %dma_wait3A_833 = arith.constant 15 : i32
    %dma_wait3A_834 = arith.constant 1 : i32
    %dma_wait3A_835 = arith.constant 0 : i32
    %dma_wait3A_836 = arith.constant 0 : i32
    %dma_wait3A_837 = tpu.memref_slice %arg6[%dma_wait3A_834, %dma_wait3A_835, %dma_wait3A_836] : memref<2x128x96xf32, #tpu.memory_space<vmem>> -> memref<1x128x96xf32, #tpu.memory_space<vmem>>
    %dma_wait3A_838 = tpu.memref_squeeze %dma_wait3A_837 : memref<1x128x96xf32, #tpu.memory_space<vmem>> -> memref<128x96xf32, #tpu.memory_space<vmem>>
    %dma_wait3A_839 = arith.constant 0 : i32
    %dma_wait3A_840 = tpu.memref_slice %arg5[%dma_wait3A_833, %dma_wait3A_839] : memref<18x128xi32, #tpu.memory_space<vmem>> -> memref<1x128xi32, #tpu.memory_space<vmem>>
    %dma_wait3A_841 = tpu.memref_squeeze %dma_wait3A_840 : memref<1x128xi32, #tpu.memory_space<vmem>> -> memref<128xi32, #tpu.memory_space<vmem>>
    %dma_wait3A_842 = arith.constant 0 : i32
    %dma_wait3A_843 = arith.constant 0 : i32
    %dma_wait3A_844 = tpu.memref_slice %arg2[%dma_wait3A_842, %dma_wait3A_843] : memref<294912x96xf32, #tpu.memory_space<hbm>> -> memref<294912x96xf32, #tpu.memory_space<hbm>>
    tpu.wait_indirect_dma semaphore(%arg7 : memref<!tpu.dma_semaphore, #tpu.memory_space<semaphore_mem>>) src(%dma_wait3A_844 : memref<294912x96xf32, #tpu.memory_space<hbm>>) dst(%dma_wait3A_838 : memref<128x96xf32, #tpu.memory_space<vmem>>)
    %mul3A_845 = arith.constant 2304 : i32
    %mul3A_846 = arith.muli %add3A, %mul3A_845 : i32
    %add3A_847 = arith.constant 1920 : i32
    %add3A_848 = arith.addi %mul3A_846, %add3A_847 : i32
    %dma_start3A_849 = arith.constant 1 : i32
    %dma_start3A_850 = arith.constant 0 : i32
    %dma_start3A_851 = arith.constant 0 : i32
    %dma_start3A_852 = tpu.memref_slice %arg6[%dma_start3A_849, %dma_start3A_850, %dma_start3A_851] : memref<2x128x96xf32, #tpu.memory_space<vmem>> -> memref<1x128x96xf32, #tpu.memory_space<vmem>>
    %dma_start3A_853 = tpu.memref_squeeze %dma_start3A_852 : memref<1x128x96xf32, #tpu.memory_space<vmem>> -> memref<128x96xf32, #tpu.memory_space<vmem>>
    %dma_start3A_854 = arith.constant 0 : i32
    %dma_start3A_855 = tpu.memref_slice %arg4[%add3A_848, %dma_start3A_854] : memref<73728x96xf32, #tpu.memory_space<hbm>> -> memref<128x96xf32, #tpu.memory_space<hbm>>
    %dma_start3A_856 = arith.constant 0 : i32
    %dma_start3A_857 = tpu.memref_slice %arg4[%add3A_848, %dma_start3A_856] : memref<73728x96xf32, #tpu.memory_space<hbm>> -> memref<128x96xf32, #tpu.memory_space<hbm>>
    %dma_start3A_858 = arith.constant 0 : i32
    %dma_start3A_859 = arith.constant 0 : i32
    %dma_start3A_860 = tpu.memref_slice %arg6[%dma_start3A_849, %dma_start3A_858, %dma_start3A_859] : memref<2x128x96xf32, #tpu.memory_space<vmem>> -> memref<1x128x96xf32, #tpu.memory_space<vmem>>
    %dma_start3A_861 = tpu.memref_squeeze %dma_start3A_860 : memref<1x128x96xf32, #tpu.memory_space<vmem>> -> memref<128x96xf32, #tpu.memory_space<vmem>>
    tpu.enqueue_dma source(%dma_start3A_861 : memref<128x96xf32, #tpu.memory_space<vmem>>) target(%dma_start3A_857 : memref<128x96xf32, #tpu.memory_space<hbm>>) target_semaphore(%arg8 : memref<!tpu.dma_semaphore, #tpu.memory_space<semaphore_mem>>)
    %dma_wait3A_862 = arith.constant 1 : i32
    %dma_wait3A_863 = arith.constant 0 : i32
    %dma_wait3A_864 = arith.constant 0 : i32
    %dma_wait3A_865 = tpu.memref_slice %arg6[%dma_wait3A_862, %dma_wait3A_863, %dma_wait3A_864] : memref<2x128x96xf32, #tpu.memory_space<vmem>> -> memref<1x128x96xf32, #tpu.memory_space<vmem>>
    %dma_wait3A_866 = tpu.memref_squeeze %dma_wait3A_865 : memref<1x128x96xf32, #tpu.memory_space<vmem>> -> memref<128x96xf32, #tpu.memory_space<vmem>>
    %dma_wait3A_867 = arith.constant 0 : i32
    %dma_wait3A_868 = tpu.memref_slice %arg4[%add3A_848, %dma_wait3A_867] : memref<73728x96xf32, #tpu.memory_space<hbm>> -> memref<128x96xf32, #tpu.memory_space<hbm>>
    %dma_wait3A_869 = arith.constant 0 : i32
    %dma_wait3A_870 = tpu.memref_slice %arg4[%add3A_848, %dma_wait3A_869] : memref<73728x96xf32, #tpu.memory_space<hbm>> -> memref<128x96xf32, #tpu.memory_space<hbm>>
    %dma_wait3A_871 = arith.constant 0 : i32
    %dma_wait3A_872 = arith.constant 0 : i32
    %dma_wait3A_873 = tpu.memref_slice %arg6[%dma_wait3A_862, %dma_wait3A_871, %dma_wait3A_872] : memref<2x128x96xf32, #tpu.memory_space<vmem>> -> memref<1x128x96xf32, #tpu.memory_space<vmem>>
    %dma_wait3A_874 = tpu.memref_squeeze %dma_wait3A_873 : memref<1x128x96xf32, #tpu.memory_space<vmem>> -> memref<128x96xf32, #tpu.memory_space<vmem>>
    tpu.wait_dma2 semaphore(%arg8 : memref<!tpu.dma_semaphore, #tpu.memory_space<semaphore_mem>>) src(%dma_wait3A_874 : memref<128x96xf32, #tpu.memory_space<vmem>>) dst(%dma_wait3A_870 : memref<128x96xf32, #tpu.memory_space<hbm>>)
    %dma_start3A_875 = arith.constant 17 : i32
    %dma_start3A_876 = arith.constant 1 : i32
    %dma_start3A_877 = arith.constant 0 : i32
    %dma_start3A_878 = arith.constant 0 : i32
    %dma_start3A_879 = tpu.memref_slice %arg6[%dma_start3A_876, %dma_start3A_877, %dma_start3A_878] : memref<2x128x96xf32, #tpu.memory_space<vmem>> -> memref<1x128x96xf32, #tpu.memory_space<vmem>>
    %dma_start3A_880 = tpu.memref_squeeze %dma_start3A_879 : memref<1x128x96xf32, #tpu.memory_space<vmem>> -> memref<128x96xf32, #tpu.memory_space<vmem>>
    %dma_start3A_881 = arith.constant 0 : i32
    %dma_start3A_882 = tpu.memref_slice %arg5[%dma_start3A_875, %dma_start3A_881] : memref<18x128xi32, #tpu.memory_space<vmem>> -> memref<1x128xi32, #tpu.memory_space<vmem>>
    %dma_start3A_883 = tpu.memref_squeeze %dma_start3A_882 : memref<1x128xi32, #tpu.memory_space<vmem>> -> memref<128xi32, #tpu.memory_space<vmem>>
    %dma_start3A_884 = arith.constant 0 : i32
    %dma_start3A_885 = arith.constant 0 : i32
    %dma_start3A_886 = tpu.memref_slice %arg2[%dma_start3A_884, %dma_start3A_885] : memref<294912x96xf32, #tpu.memory_space<hbm>> -> memref<294912x96xf32, #tpu.memory_space<hbm>>
    tpu.enqueue_indirect_dma source(%dma_start3A_886 : memref<294912x96xf32, #tpu.memory_space<hbm>>) target(%dma_start3A_880 : memref<128x96xf32, #tpu.memory_space<vmem>>) offsets(%dma_start3A_883 : memref<128xi32, #tpu.memory_space<vmem>>) semaphore(%arg7 : memref<!tpu.dma_semaphore, #tpu.memory_space<semaphore_mem>>)
    %dma_wait3A_887 = arith.constant 16 : i32
    %dma_wait3A_888 = arith.constant 0 : i32
    %dma_wait3A_889 = arith.constant 0 : i32
    %dma_wait3A_890 = arith.constant 0 : i32
    %dma_wait3A_891 = tpu.memref_slice %arg6[%dma_wait3A_888, %dma_wait3A_889, %dma_wait3A_890] : memref<2x128x96xf32, #tpu.memory_space<vmem>> -> memref<1x128x96xf32, #tpu.memory_space<vmem>>
    %dma_wait3A_892 = tpu.memref_squeeze %dma_wait3A_891 : memref<1x128x96xf32, #tpu.memory_space<vmem>> -> memref<128x96xf32, #tpu.memory_space<vmem>>
    %dma_wait3A_893 = arith.constant 0 : i32
    %dma_wait3A_894 = tpu.memref_slice %arg5[%dma_wait3A_887, %dma_wait3A_893] : memref<18x128xi32, #tpu.memory_space<vmem>> -> memref<1x128xi32, #tpu.memory_space<vmem>>
    %dma_wait3A_895 = tpu.memref_squeeze %dma_wait3A_894 : memref<1x128xi32, #tpu.memory_space<vmem>> -> memref<128xi32, #tpu.memory_space<vmem>>
    %dma_wait3A_896 = arith.constant 0 : i32
    %dma_wait3A_897 = arith.constant 0 : i32
    %dma_wait3A_898 = tpu.memref_slice %arg2[%dma_wait3A_896, %dma_wait3A_897] : memref<294912x96xf32, #tpu.memory_space<hbm>> -> memref<294912x96xf32, #tpu.memory_space<hbm>>
    tpu.wait_indirect_dma semaphore(%arg7 : memref<!tpu.dma_semaphore, #tpu.memory_space<semaphore_mem>>) src(%dma_wait3A_898 : memref<294912x96xf32, #tpu.memory_space<hbm>>) dst(%dma_wait3A_892 : memref<128x96xf32, #tpu.memory_space<vmem>>)
    %mul3A_899 = arith.constant 2304 : i32
    %mul3A_900 = arith.muli %add3A, %mul3A_899 : i32
    %add3A_901 = arith.constant 2048 : i32
    %add3A_902 = arith.addi %mul3A_900, %add3A_901 : i32
    %dma_start3A_903 = arith.constant 0 : i32
    %dma_start3A_904 = arith.constant 0 : i32
    %dma_start3A_905 = arith.constant 0 : i32
    %dma_start3A_906 = tpu.memref_slice %arg6[%dma_start3A_903, %dma_start3A_904, %dma_start3A_905] : memref<2x128x96xf32, #tpu.memory_space<vmem>> -> memref<1x128x96xf32, #tpu.memory_space<vmem>>
    %dma_start3A_907 = tpu.memref_squeeze %dma_start3A_906 : memref<1x128x96xf32, #tpu.memory_space<vmem>> -> memref<128x96xf32, #tpu.memory_space<vmem>>
    %dma_start3A_908 = arith.constant 0 : i32
    %dma_start3A_909 = tpu.memref_slice %arg4[%add3A_902, %dma_start3A_908] : memref<73728x96xf32, #tpu.memory_space<hbm>> -> memref<128x96xf32, #tpu.memory_space<hbm>>
    %dma_start3A_910 = arith.constant 0 : i32
    %dma_start3A_911 = tpu.memref_slice %arg4[%add3A_902, %dma_start3A_910] : memref<73728x96xf32, #tpu.memory_space<hbm>> -> memref<128x96xf32, #tpu.memory_space<hbm>>
    %dma_start3A_912 = arith.constant 0 : i32
    %dma_start3A_913 = arith.constant 0 : i32
    %dma_start3A_914 = tpu.memref_slice %arg6[%dma_start3A_903, %dma_start3A_912, %dma_start3A_913] : memref<2x128x96xf32, #tpu.memory_space<vmem>> -> memref<1x128x96xf32, #tpu.memory_space<vmem>>
    %dma_start3A_915 = tpu.memref_squeeze %dma_start3A_914 : memref<1x128x96xf32, #tpu.memory_space<vmem>> -> memref<128x96xf32, #tpu.memory_space<vmem>>
    tpu.enqueue_dma source(%dma_start3A_915 : memref<128x96xf32, #tpu.memory_space<vmem>>) target(%dma_start3A_911 : memref<128x96xf32, #tpu.memory_space<hbm>>) target_semaphore(%arg8 : memref<!tpu.dma_semaphore, #tpu.memory_space<semaphore_mem>>)
    %dma_wait3A_916 = arith.constant 17 : i32
    %dma_wait3A_917 = arith.constant 1 : i32
    %dma_wait3A_918 = arith.constant 0 : i32
    %dma_wait3A_919 = arith.constant 0 : i32
    %dma_wait3A_920 = tpu.memref_slice %arg6[%dma_wait3A_917, %dma_wait3A_918, %dma_wait3A_919] : memref<2x128x96xf32, #tpu.memory_space<vmem>> -> memref<1x128x96xf32, #tpu.memory_space<vmem>>
    %dma_wait3A_921 = tpu.memref_squeeze %dma_wait3A_920 : memref<1x128x96xf32, #tpu.memory_space<vmem>> -> memref<128x96xf32, #tpu.memory_space<vmem>>
    %dma_wait3A_922 = arith.constant 0 : i32
    %dma_wait3A_923 = tpu.memref_slice %arg5[%dma_wait3A_916, %dma_wait3A_922] : memref<18x128xi32, #tpu.memory_space<vmem>> -> memref<1x128xi32, #tpu.memory_space<vmem>>
    %dma_wait3A_924 = tpu.memref_squeeze %dma_wait3A_923 : memref<1x128xi32, #tpu.memory_space<vmem>> -> memref<128xi32, #tpu.memory_space<vmem>>
    %dma_wait3A_925 = arith.constant 0 : i32
    %dma_wait3A_926 = arith.constant 0 : i32
    %dma_wait3A_927 = tpu.memref_slice %arg2[%dma_wait3A_925, %dma_wait3A_926] : memref<294912x96xf32, #tpu.memory_space<hbm>> -> memref<294912x96xf32, #tpu.memory_space<hbm>>
    tpu.wait_indirect_dma semaphore(%arg7 : memref<!tpu.dma_semaphore, #tpu.memory_space<semaphore_mem>>) src(%dma_wait3A_927 : memref<294912x96xf32, #tpu.memory_space<hbm>>) dst(%dma_wait3A_921 : memref<128x96xf32, #tpu.memory_space<vmem>>)
    %mul3A_928 = arith.constant 2304 : i32
    %mul3A_929 = arith.muli %add3A, %mul3A_928 : i32
    %add3A_930 = arith.constant 2176 : i32
    %add3A_931 = arith.addi %mul3A_929, %add3A_930 : i32
    %dma_start3A_932 = arith.constant 1 : i32
    %dma_start3A_933 = arith.constant 0 : i32
    %dma_start3A_934 = arith.constant 0 : i32
    %dma_start3A_935 = tpu.memref_slice %arg6[%dma_start3A_932, %dma_start3A_933, %dma_start3A_934] : memref<2x128x96xf32, #tpu.memory_space<vmem>> -> memref<1x128x96xf32, #tpu.memory_space<vmem>>
    %dma_start3A_936 = tpu.memref_squeeze %dma_start3A_935 : memref<1x128x96xf32, #tpu.memory_space<vmem>> -> memref<128x96xf32, #tpu.memory_space<vmem>>
    %dma_start3A_937 = arith.constant 0 : i32
    %dma_start3A_938 = tpu.memref_slice %arg4[%add3A_931, %dma_start3A_937] : memref<73728x96xf32, #tpu.memory_space<hbm>> -> memref<128x96xf32, #tpu.memory_space<hbm>>
    %dma_start3A_939 = arith.constant 0 : i32
    %dma_start3A_940 = tpu.memref_slice %arg4[%add3A_931, %dma_start3A_939] : memref<73728x96xf32, #tpu.memory_space<hbm>> -> memref<128x96xf32, #tpu.memory_space<hbm>>
    %dma_start3A_941 = arith.constant 0 : i32
    %dma_start3A_942 = arith.constant 0 : i32
    %dma_start3A_943 = tpu.memref_slice %arg6[%dma_start3A_932, %dma_start3A_941, %dma_start3A_942] : memref<2x128x96xf32, #tpu.memory_space<vmem>> -> memref<1x128x96xf32, #tpu.memory_space<vmem>>
    %dma_start3A_944 = tpu.memref_squeeze %dma_start3A_943 : memref<1x128x96xf32, #tpu.memory_space<vmem>> -> memref<128x96xf32, #tpu.memory_space<vmem>>
    tpu.enqueue_dma source(%dma_start3A_944 : memref<128x96xf32, #tpu.memory_space<vmem>>) target(%dma_start3A_940 : memref<128x96xf32, #tpu.memory_space<hbm>>) target_semaphore(%arg8 : memref<!tpu.dma_semaphore, #tpu.memory_space<semaphore_mem>>)
    %dma_wait3A_945 = arith.constant 0 : i32
    %dma_wait3A_946 = arith.constant 0 : i32
    %dma_wait3A_947 = arith.constant 0 : i32
    %dma_wait3A_948 = tpu.memref_slice %arg6[%dma_wait3A_945, %dma_wait3A_946, %dma_wait3A_947] : memref<2x128x96xf32, #tpu.memory_space<vmem>> -> memref<1x128x96xf32, #tpu.memory_space<vmem>>
    %dma_wait3A_949 = tpu.memref_squeeze %dma_wait3A_948 : memref<1x128x96xf32, #tpu.memory_space<vmem>> -> memref<128x96xf32, #tpu.memory_space<vmem>>
    %dma_wait3A_950 = arith.constant 0 : i32
    %dma_wait3A_951 = tpu.memref_slice %arg4[%add3A_902, %dma_wait3A_950] : memref<73728x96xf32, #tpu.memory_space<hbm>> -> memref<128x96xf32, #tpu.memory_space<hbm>>
    %dma_wait3A_952 = arith.constant 0 : i32
    %dma_wait3A_953 = tpu.memref_slice %arg4[%add3A_902, %dma_wait3A_952] : memref<73728x96xf32, #tpu.memory_space<hbm>> -> memref<128x96xf32, #tpu.memory_space<hbm>>
    %dma_wait3A_954 = arith.constant 0 : i32
    %dma_wait3A_955 = arith.constant 0 : i32
    %dma_wait3A_956 = tpu.memref_slice %arg6[%dma_wait3A_945, %dma_wait3A_954, %dma_wait3A_955] : memref<2x128x96xf32, #tpu.memory_space<vmem>> -> memref<1x128x96xf32, #tpu.memory_space<vmem>>
    %dma_wait3A_957 = tpu.memref_squeeze %dma_wait3A_956 : memref<1x128x96xf32, #tpu.memory_space<vmem>> -> memref<128x96xf32, #tpu.memory_space<vmem>>
    tpu.wait_dma2 semaphore(%arg8 : memref<!tpu.dma_semaphore, #tpu.memory_space<semaphore_mem>>) src(%dma_wait3A_957 : memref<128x96xf32, #tpu.memory_space<vmem>>) dst(%dma_wait3A_953 : memref<128x96xf32, #tpu.memory_space<hbm>>)
    %dma_wait3A_958 = arith.constant 1 : i32
    %dma_wait3A_959 = arith.constant 0 : i32
    %dma_wait3A_960 = arith.constant 0 : i32
    %dma_wait3A_961 = tpu.memref_slice %arg6[%dma_wait3A_958, %dma_wait3A_959, %dma_wait3A_960] : memref<2x128x96xf32, #tpu.memory_space<vmem>> -> memref<1x128x96xf32, #tpu.memory_space<vmem>>
    %dma_wait3A_962 = tpu.memref_squeeze %dma_wait3A_961 : memref<1x128x96xf32, #tpu.memory_space<vmem>> -> memref<128x96xf32, #tpu.memory_space<vmem>>
    %dma_wait3A_963 = arith.constant 0 : i32
    %dma_wait3A_964 = tpu.memref_slice %arg4[%add3A_931, %dma_wait3A_963] : memref<73728x96xf32, #tpu.memory_space<hbm>> -> memref<128x96xf32, #tpu.memory_space<hbm>>
    %dma_wait3A_965 = arith.constant 0 : i32
    %dma_wait3A_966 = tpu.memref_slice %arg4[%add3A_931, %dma_wait3A_965] : memref<73728x96xf32, #tpu.memory_space<hbm>> -> memref<128x96xf32, #tpu.memory_space<hbm>>
    %dma_wait3A_967 = arith.constant 0 : i32
    %dma_wait3A_968 = arith.constant 0 : i32
    %dma_wait3A_969 = tpu.memref_slice %arg6[%dma_wait3A_958, %dma_wait3A_967, %dma_wait3A_968] : memref<2x128x96xf32, #tpu.memory_space<vmem>> -> memref<1x128x96xf32, #tpu.memory_space<vmem>>
    %dma_wait3A_970 = tpu.memref_squeeze %dma_wait3A_969 : memref<1x128x96xf32, #tpu.memory_space<vmem>> -> memref<128x96xf32, #tpu.memory_space<vmem>>
    tpu.wait_dma2 semaphore(%arg8 : memref<!tpu.dma_semaphore, #tpu.memory_space<semaphore_mem>>) src(%dma_wait3A_970 : memref<128x96xf32, #tpu.memory_space<vmem>>) dst(%dma_wait3A_966 : memref<128x96xf32, #tpu.memory_space<hbm>>)
    return
  }
}

module attributes {stable_mosaic.version = 14 : i64} {
  func.func @_ln_body(%arg0: i32, %arg1: i32, %arg2: memref<1x96x2048xf32, #tpu.memory_space<vmem>>, %arg3: memref<1x2048x96xf32, #tpu.memory_space<vmem>>) attributes {dimension_semantics = [#tpu.dimension_semantics<arbitrary>, #tpu.dimension_semantics<arbitrary>], iteration_bounds = array<i64: 2, 72>, scalar_prefetch = 0 : i64, scratch_operands = 0 : i64, tpu.core_type = #tpu.core_type<tc>, window_params = [{transform_indices = @transform_0, window_bounds = array<i64: 1, 96, 2048>}, {transform_indices = @transform_1, window_bounds = array<i64: 1, 2048, 96>}]} {
    %get3A = arith.constant 0 : index
    %get3A_0 = arith.constant 0 : index
    %get3A_1 = arith.constant 0 : index
    %get3A_2 = vector.load %arg2[%get3A, %get3A_0, %get3A_1] : memref<1x96x2048xf32, #tpu.memory_space<vmem>>, vector<1x96x2048xf32>
    %get3A_3 = vector.shape_cast %get3A_2 : vector<1x96x2048xf32> to vector<96x2048xf32>
    %reduce_sum3A = arith.constant dense<0.000000e+00> : vector<2048xf32>
    %reduce_sum3A_4 = vector.multi_reduction <add>, %get3A_3, %reduce_sum3A [0] : vector<96x2048xf32> to vector<2048xf32>
    %broadcast_in_dim3A = vector.shape_cast %reduce_sum3A_4 : vector<2048xf32> to vector<1x2048xf32>
    %div3A = arith.constant 9.600000e+01 : f32
    %div3A_5 = vector.broadcast %div3A : f32 to vector<1x2048xf32>
    %div3A_6 = arith.divf %broadcast_in_dim3A, %div3A_5 : vector<1x2048xf32>
    %sub3A = vector.broadcast %div3A_6 : vector<1x2048xf32> to vector<96x2048xf32>
    %sub3A_7 = arith.subf %get3A_3, %sub3A : vector<96x2048xf32>
    %mul3A = arith.mulf %sub3A_7, %sub3A_7 : vector<96x2048xf32>
    %reduce_sum3A_8 = arith.constant dense<0.000000e+00> : vector<2048xf32>
    %reduce_sum3A_9 = vector.multi_reduction <add>, %mul3A, %reduce_sum3A_8 [0] : vector<96x2048xf32> to vector<2048xf32>
    %broadcast_in_dim3A_10 = vector.shape_cast %reduce_sum3A_9 : vector<2048xf32> to vector<1x2048xf32>
    %div3A_11 = arith.constant 9.600000e+01 : f32
    %div3A_12 = vector.broadcast %div3A_11 : f32 to vector<1x2048xf32>
    %div3A_13 = arith.divf %broadcast_in_dim3A_10, %div3A_12 : vector<1x2048xf32>
    %add3A = arith.constant 9.99999997E-7 : f32
    %add3A_14 = vector.broadcast %add3A : f32 to vector<1x2048xf32>
    %add3A_15 = arith.addf %div3A_13, %add3A_14 : vector<1x2048xf32>
    %rsqrt3A = math.rsqrt %add3A_15 : vector<1x2048xf32>
    %mul3A_16 = vector.broadcast %rsqrt3A : vector<1x2048xf32> to vector<96x2048xf32>
    %mul3A_17 = arith.mulf %sub3A_7, %mul3A_16 : vector<96x2048xf32>
    %transpose3A = tpu.transpose %mul3A_17, [1, 0] : vector<96x2048xf32> -> vector<2048x96xf32>
    %swap3A = arith.constant 0 : index
    %swap3A_18 = arith.constant 0 : index
    %swap3A_19 = arith.constant 0 : index
    %swap3A_20 = vector.load %arg3[%swap3A, %swap3A_18, %swap3A_19] : memref<1x2048x96xf32, #tpu.memory_space<vmem>>, vector<1x2048x96xf32>
    %swap3A_21 = vector.shape_cast %swap3A_20 : vector<1x2048x96xf32> to vector<2048x96xf32>
    %swap3A_22 = vector.shape_cast %transpose3A : vector<2048x96xf32> to vector<1x2048x96xf32>
    tpu.vector_store %arg3[%swap3A, %swap3A_18, %swap3A_19], %swap3A_22 {strides = array<i32>} : memref<1x2048x96xf32, #tpu.memory_space<vmem>>, vector<1x2048x96xf32>,
    return
  }
  func.func @transform_0(%arg0: i32, %arg1: i32) -> (i32, i32, i32) {
    %c0_i32 = arith.constant 0 : i32
    %c0_i32_0 = arith.constant 0 : i32
    return %arg0, %c0_i32, %arg1 : i32, i32, i32
  }
  func.func @transform_1(%arg0: i32, %arg1: i32) -> (i32, i32, i32) {
    %c0_i32 = arith.constant 0 : i32
    %c0_i32_0 = arith.constant 0 : i32
    return %arg0, %arg1, %c0_i32 : i32, i32, i32
  }
}

module attributes {stable_mosaic.version = 14 : i64} {
  func.func @_attn_body(%arg0: i32, %arg1: memref<256x96xf32, #tpu.memory_space<vmem>>, %arg2: memref<1x1x256xf32, #tpu.memory_space<vmem>>, %arg3: memref<1x1x256xf32, #tpu.memory_space<vmem>>, %arg4: memref<96x96xf32, #tpu.memory_space<vmem>>, %arg5: memref<96x96xf32, #tpu.memory_space<vmem>>, %arg6: memref<96x96xf32, #tpu.memory_space<vmem>>, %arg7: memref<8x96xf32, #tpu.memory_space<vmem>>, %arg8: memref<256x96xf32, #tpu.memory_space<vmem>>) attributes {dimension_semantics = [#tpu.dimension_semantics<arbitrary>], iteration_bounds = array<i64: 288>, scalar_prefetch = 0 : i64, scratch_operands = 0 : i64, tpu.core_type = #tpu.core_type<tc>, window_params = [{transform_indices = @transform_0, window_bounds = array<i64: 256, 96>}, {transform_indices = @transform_1, window_bounds = array<i64: 1, 1, 256>}, {transform_indices = @transform_2, window_bounds = array<i64: 1, 1, 256>}, {pipeline_mode = #tpu.pipeline_mode<synchronous>, transform_indices = @transform_3, window_bounds = array<i64: 96, 96>}, {pipeline_mode = #tpu.pipeline_mode<synchronous>, transform_indices = @transform_4, window_bounds = array<i64: 96, 96>}, {pipeline_mode = #tpu.pipeline_mode<synchronous>, transform_indices = @transform_5, window_bounds = array<i64: 96, 96>}, {pipeline_mode = #tpu.pipeline_mode<synchronous>, transform_indices = @transform_6, window_bounds = array<i64: 8, 96>}, {transform_indices = @transform_7, window_bounds = array<i64: 256, 96>}]} {
    %get3A = arith.constant 0 : index
    %get3A_0 = arith.constant 0 : index
    %get3A_1 = vector.load %arg1[%get3A, %get3A_0] : memref<256x96xf32, #tpu.memory_space<vmem>>, vector<256x96xf32>
    %transpose3A = tpu.transpose %get3A_1, [1, 0] : vector<256x96xf32> -> vector<96x256xf32>
    %get3A_2 = arith.constant 0 : index
    %get3A_3 = arith.constant 0 : index
    %get3A_4 = vector.load %arg4[%get3A_2, %get3A_3] : memref<96x96xf32, #tpu.memory_space<vmem>>, vector<96x96xf32>
    %dot_general3A = arith.constant dense<0.000000e+00> : vector<256x96xf32>
    %dot_general3A_5 = tpu.matmul %get3A_1, %get3A_4, %dot_general3A {dimension_numbers = #tpu.dot_dimension_numbers<[1], [0], [0], [1], [0, 0, 1, 1], [], []>, transpose_lhs_hint = false} : vector<256x96xf32>, vector<96x96xf32>, vector<256x96xf32> -> vector<256x96xf32>
    %get3A_6 = arith.constant 0 : index
    %get3A_7 = arith.constant 0 : index
    %get3A_8 = vector.load %arg7[%get3A_6, %get3A_7] : memref<8x96xf32, #tpu.memory_space<vmem>>, vector<1x96xf32>
    %get3A_9 = vector.shape_cast %get3A_8 : vector<1x96xf32> to vector<96xf32>
    %broadcast_in_dim3A = vector.shape_cast %get3A_9 : vector<96xf32> to vector<1x96xf32>
    %add3A = vector.broadcast %broadcast_in_dim3A : vector<1x96xf32> to vector<256x96xf32>
    %add3A_10 = arith.addf %dot_general3A_5, %add3A : vector<256x96xf32>
    %get3A_11 = arith.constant 0 : index
    %get3A_12 = arith.constant 0 : index
    %get3A_13 = vector.load %arg5[%get3A_11, %get3A_12] : memref<96x96xf32, #tpu.memory_space<vmem>>, vector<96x96xf32>
    %dot_general3A_14 = arith.constant dense<0.000000e+00> : vector<96x256xf32>
    %dot_general3A_15 = tpu.matmul %get3A_13, %transpose3A, %dot_general3A_14 {dimension_numbers = #tpu.dot_dimension_numbers<[1], [0], [0], [1], [0, 0, 1, 1], [], []>, transpose_lhs_hint = false} : vector<96x96xf32>, vector<96x256xf32>, vector<96x256xf32> -> vector<96x256xf32>
    %get3A_16 = arith.constant 1 : index
    %get3A_17 = arith.constant 0 : index
    %get3A_18 = vector.load %arg7[%get3A_16, %get3A_17] : memref<8x96xf32, #tpu.memory_space<vmem>>, vector<1x96xf32>
    %get3A_19 = vector.shape_cast %get3A_18 : vector<1x96xf32> to vector<96xf32>
    %broadcast_in_dim3A_20 = vector.shape_cast %get3A_19 : vector<96xf32> to vector<96x1xf32>
    %add3A_21 = vector.broadcast %broadcast_in_dim3A_20 : vector<96x1xf32> to vector<96x256xf32>
    %add3A_22 = arith.addf %dot_general3A_15, %add3A_21 : vector<96x256xf32>
    %get3A_23 = arith.constant 0 : index
    %get3A_24 = arith.constant 0 : index
    %get3A_25 = vector.load %arg6[%get3A_23, %get3A_24] : memref<96x96xf32, #tpu.memory_space<vmem>>, vector<96x96xf32>
    %dot_general3A_26 = arith.constant dense<0.000000e+00> : vector<256x96xf32>
    %dot_general3A_27 = tpu.matmul %get3A_1, %get3A_25, %dot_general3A_26 {dimension_numbers = #tpu.dot_dimension_numbers<[1], [0], [0], [1], [0, 0, 1, 1], [], []>, transpose_lhs_hint = false} : vector<256x96xf32>, vector<96x96xf32>, vector<256x96xf32> -> vector<256x96xf32>
    %get3A_28 = arith.constant 2 : index
    %get3A_29 = arith.constant 0 : index
    %get3A_30 = vector.load %arg7[%get3A_28, %get3A_29] : memref<8x96xf32, #tpu.memory_space<vmem>>, vector<1x96xf32>
    %get3A_31 = vector.shape_cast %get3A_30 : vector<1x96xf32> to vector<96xf32>
    %broadcast_in_dim3A_32 = vector.shape_cast %get3A_31 : vector<96xf32> to vector<1x96xf32>
    %add3A_33 = vector.broadcast %broadcast_in_dim3A_32 : vector<1x96xf32> to vector<256x96xf32>
    %add3A_34 = arith.addf %dot_general3A_27, %add3A_33 : vector<256x96xf32>
    %get3A_35 = arith.constant 0 : index
    %get3A_36 = arith.constant 0 : index
    %get3A_37 = arith.constant 0 : index
    %get3A_38 = vector.load %arg2[%get3A_35, %get3A_36, %get3A_37] : memref<1x1x256xf32, #tpu.memory_space<vmem>>, vector<1x1x256xf32>
    %get3A_39 = vector.shape_cast %get3A_38 : vector<1x1x256xf32> to vector<256xf32>
    %broadcast_in_dim3A_40 = vector.shape_cast %get3A_39 : vector<256xf32> to vector<256x1xf32>
    %get3A_41 = arith.constant 0 : index
    %get3A_42 = arith.constant 0 : index
    %get3A_43 = arith.constant 0 : index
    %get3A_44 = vector.load %arg3[%get3A_41, %get3A_42, %get3A_43] : memref<1x1x256xf32, #tpu.memory_space<vmem>>, vector<1x1x256xf32>
    %get3A_45 = vector.shape_cast %get3A_44 : vector<1x1x256xf32> to vector<256xf32>
    %broadcast_in_dim3A_46 = vector.shape_cast %get3A_45 : vector<256xf32> to vector<1x256xf32>
    %iota3A = tpu.iota {dimensions = array<i32: 0>} : vector<256x256xi32>
    %jit3A = arith.constant 64 : i32
    %div3A = vector.broadcast %jit3A : i32 to vector<256x256xi32>
    %div3A_47 = arith.divsi %iota3A, %div3A : vector<256x256xi32>
    %sign3A = arith.constant 0 : i32
    %sign3A_48 = vector.broadcast %sign3A : i32 to vector<256x256xi32>
    %sign3A_49 = arith.cmpi sgt, %iota3A, %sign3A_48 : vector<256x256xi32>
    %sign3A_50 = arith.extui %sign3A_49 : vector<256x256xi1> to vector<256x256xi32>
    %sign3A_51 = arith.constant 0 : i32
    %sign3A_52 = vector.broadcast %sign3A_51 : i32 to vector<256x256xi32>
    %sign3A_53 = arith.cmpi slt, %iota3A, %sign3A_52 : vector<256x256xi32>
    %sign3A_54 = arith.extui %sign3A_53 : vector<256x256xi1> to vector<256x256xi32>
    %sign3A_55 = arith.subi %sign3A_50, %sign3A_54 : vector<256x256xi32>
    %sign3A_56 = arith.constant 0 : i32
    %sign3A_57 = arith.cmpi sgt, %jit3A, %sign3A_56 : i32
    %sign3A_58 = arith.extui %sign3A_57 : i1 to i32
    %sign3A_59 = arith.constant 0 : i32
    %sign3A_60 = arith.cmpi slt, %jit3A, %sign3A_59 : i32
    %sign3A_61 = arith.extui %sign3A_60 : i1 to i32
    %sign3A_62 = arith.subi %sign3A_58, %sign3A_61 : i32
    %ne3A = vector.broadcast %sign3A_62 : i32 to vector<256x256xi32>
    %ne3A_63 = arith.cmpi ne, %sign3A_55, %ne3A : vector<256x256xi32>
    %rem3A = vector.broadcast %jit3A : i32 to vector<256x256xi32>
    %rem3A_64 = arith.remsi %iota3A, %rem3A : vector<256x256xi32>
    %ne3A_65 = arith.constant 0 : i32
    %ne3A_66 = vector.broadcast %ne3A_65 : i32 to vector<256x256xi32>
    %ne3A_67 = arith.cmpi ne, %rem3A_64, %ne3A_66 : vector<256x256xi32>
    %and3A = arith.andi %ne3A_63, %ne3A_67 : vector<256x256xi1>
    %sub3A = arith.constant 1 : i32
    %sub3A_68 = vector.broadcast %sub3A : i32 to vector<256x256xi32>
    %sub3A_69 = arith.subi %div3A_47, %sub3A_68 : vector<256x256xi32>
    %select_n3A = arith.select %and3A, %sub3A_69, %div3A_47 : vector<256x256xi1>, vector<256x256xi32>
    %iota3A_70 = tpu.iota {dimensions = array<i32: 1>} : vector<256x256xi32>
    %jit3A_71 = arith.constant 64 : i32
    %div3A_72 = vector.broadcast %jit3A_71 : i32 to vector<256x256xi32>
    %div3A_73 = arith.divsi %iota3A_70, %div3A_72 : vector<256x256xi32>
    %sign3A_74 = arith.constant 0 : i32
    %sign3A_75 = vector.broadcast %sign3A_74 : i32 to vector<256x256xi32>
    %sign3A_76 = arith.cmpi sgt, %iota3A_70, %sign3A_75 : vector<256x256xi32>
    %sign3A_77 = arith.extui %sign3A_76 : vector<256x256xi1> to vector<256x256xi32>
    %sign3A_78 = arith.constant 0 : i32
    %sign3A_79 = vector.broadcast %sign3A_78 : i32 to vector<256x256xi32>
    %sign3A_80 = arith.cmpi slt, %iota3A_70, %sign3A_79 : vector<256x256xi32>
    %sign3A_81 = arith.extui %sign3A_80 : vector<256x256xi1> to vector<256x256xi32>
    %sign3A_82 = arith.subi %sign3A_77, %sign3A_81 : vector<256x256xi32>
    %sign3A_83 = arith.constant 0 : i32
    %sign3A_84 = arith.cmpi sgt, %jit3A_71, %sign3A_83 : i32
    %sign3A_85 = arith.extui %sign3A_84 : i1 to i32
    %sign3A_86 = arith.constant 0 : i32
    %sign3A_87 = arith.cmpi slt, %jit3A_71, %sign3A_86 : i32
    %sign3A_88 = arith.extui %sign3A_87 : i1 to i32
    %sign3A_89 = arith.subi %sign3A_85, %sign3A_88 : i32
    %ne3A_90 = vector.broadcast %sign3A_89 : i32 to vector<256x256xi32>
    %ne3A_91 = arith.cmpi ne, %sign3A_82, %ne3A_90 : vector<256x256xi32>
    %rem3A_92 = vector.broadcast %jit3A_71 : i32 to vector<256x256xi32>
    %rem3A_93 = arith.remsi %iota3A_70, %rem3A_92 : vector<256x256xi32>
    %ne3A_94 = arith.constant 0 : i32
    %ne3A_95 = vector.broadcast %ne3A_94 : i32 to vector<256x256xi32>
    %ne3A_96 = arith.cmpi ne, %rem3A_93, %ne3A_95 : vector<256x256xi32>
    %and3A_97 = arith.andi %ne3A_91, %ne3A_96 : vector<256x256xi1>
    %sub3A_98 = arith.constant 1 : i32
    %sub3A_99 = vector.broadcast %sub3A_98 : i32 to vector<256x256xi32>
    %sub3A_100 = arith.subi %div3A_73, %sub3A_99 : vector<256x256xi32>
    %select_n3A_101 = arith.select %and3A_97, %sub3A_100, %div3A_73 : vector<256x256xi1>, vector<256x256xi32>
    %eq3A = arith.cmpi eq, %select_n3A, %select_n3A_101 : vector<256x256xi32>
    %gt3A = arith.constant 0.000000e+00 : f32
    %gt3A_102 = vector.broadcast %gt3A : f32 to vector<1x256xf32>
    %gt3A_103 = arith.cmpf ogt, %broadcast_in_dim3A_46, %gt3A_102 : vector<1x256xf32>
    %and3A_104 = vector.broadcast %gt3A_103 : vector<1x256xi1> to vector<256x256xi1>
    %and3A_105 = arith.andi %eq3A, %and3A_104 : vector<256x256xi1>
    %mul3A = vector.broadcast %broadcast_in_dim3A_40 : vector<256x1xf32> to vector<256x96xf32>
    %mul3A_106 = arith.mulf %mul3A, %add3A_34 : vector<256x96xf32>
    %slice3A = vector.extract_strided_slice %add3A_10 {offsets = [0, 0], sizes = [256, 32], strides = [1, 1]} : vector<256x96xf32> to vector<256x32xf32>
    %slice3A_107 = vector.extract_strided_slice %add3A_22 {offsets = [0, 0], sizes = [32, 256], strides = [1, 1]} : vector<96x256xf32> to vector<32x256xf32>
    %mul3A_108 = arith.mulf %slice3A, %slice3A : vector<256x32xf32>
    %reduce_sum3A = arith.constant dense<0.000000e+00> : vector<256xf32>
    %reduce_sum3A_109 = vector.multi_reduction <add>, %mul3A_108, %reduce_sum3A [1] : vector<256x32xf32> to vector<256xf32>
    %broadcast_in_dim3A_110 = vector.shape_cast %reduce_sum3A_109 : vector<256xf32> to vector<256x1xf32>
    %mul3A_111 = arith.mulf %slice3A_107, %slice3A_107 : vector<32x256xf32>
    %reduce_sum3A_112 = arith.constant dense<0.000000e+00> : vector<256xf32>
    %reduce_sum3A_113 = vector.multi_reduction <add>, %mul3A_111, %reduce_sum3A_112 [0] : vector<32x256xf32> to vector<256xf32>
    %broadcast_in_dim3A_114 = vector.shape_cast %reduce_sum3A_113 : vector<256xf32> to vector<1x256xf32>
    %dot_general3A_115 = arith.constant dense<0.000000e+00> : vector<256x256xf32>
    %dot_general3A_116 = tpu.matmul %slice3A, %slice3A_107, %dot_general3A_115 {dimension_numbers = #tpu.dot_dimension_numbers<[1], [0], [0], [1], [0, 0, 1, 1], [], []>, transpose_lhs_hint = false} : vector<256x32xf32>, vector<32x256xf32>, vector<256x256xf32> -> vector<256x256xf32>
    %add3A_117 = vector.broadcast %broadcast_in_dim3A_110 : vector<256x1xf32> to vector<256x256xf32>
    %add3A_118 = vector.broadcast %broadcast_in_dim3A_114 : vector<1x256xf32> to vector<256x256xf32>
    %add3A_119 = arith.addf %add3A_117, %add3A_118 : vector<256x256xf32>
    %mul3A_120 = arith.constant 2.000000e+00 : f32
    %mul3A_121 = vector.broadcast %mul3A_120 : f32 to vector<256x256xf32>
    %mul3A_122 = arith.mulf %mul3A_121, %dot_general3A_116 : vector<256x256xf32>
    %sub3A_123 = arith.subf %add3A_119, %mul3A_122 : vector<256x256xf32>
    %max3A = arith.constant 9.99999996E-13 : f32
    %max3A_124 = vector.broadcast %max3A : f32 to vector<256x256xf32>
    %max3A_125 = arith.maximumf %sub3A_123, %max3A_124 : vector<256x256xf32>
    %sqrt3A = math.sqrt %max3A_125 : vector<256x256xf32>
    %mul3A_126 = arith.constant -0.176776692 : f32
    %mul3A_127 = vector.broadcast %mul3A_126 : f32 to vector<256x256xf32>
    %mul3A_128 = arith.mulf %mul3A_127, %sqrt3A : vector<256x256xf32>
    %jit3A_129 = arith.constant -1.000000e+09 : f32
    %broadcast_in_dim3A_130 = vector.broadcast %jit3A_129 : f32 to vector<256x256xf32>
    %select_n3A_131 = arith.select %and3A_105, %mul3A_128, %broadcast_in_dim3A_130 : vector<256x256xi1>, vector<256x256xf32>
    %reduce_max3A = arith.constant dense<0xFF800000> : vector<256xf32>
    %reduce_max3A_132 = vector.multi_reduction <maximumf>, %select_n3A_131, %reduce_max3A [1] : vector<256x256xf32> to vector<256xf32>
    %broadcast_in_dim3A_133 = vector.shape_cast %reduce_max3A_132 : vector<256xf32> to vector<256x1xf32>
    %sub3A_134 = vector.broadcast %broadcast_in_dim3A_133 : vector<256x1xf32> to vector<256x256xf32>
    %sub3A_135 = arith.subf %select_n3A_131, %sub3A_134 : vector<256x256xf32>
    %exp3A = math.exp %sub3A_135 : vector<256x256xf32>
    %reduce_sum3A_136 = arith.constant dense<0.000000e+00> : vector<256xf32>
    %reduce_sum3A_137 = vector.multi_reduction <add>, %exp3A, %reduce_sum3A_136 [1] : vector<256x256xf32> to vector<256xf32>
    %broadcast_in_dim3A_138 = vector.shape_cast %reduce_sum3A_137 : vector<256xf32> to vector<256x1xf32>
    %div3A_139 = vector.broadcast %broadcast_in_dim3A_138 : vector<256x1xf32> to vector<256x256xf32>
    %div3A_140 = arith.divf %exp3A, %div3A_139 : vector<256x256xf32>
    %slice3A_141 = vector.extract_strided_slice %mul3A_106 {offsets = [0, 0], sizes = [256, 32], strides = [1, 1]} : vector<256x96xf32> to vector<256x32xf32>
    %dot_general3A_142 = arith.constant dense<0.000000e+00> : vector<256x32xf32>
    %dot_general3A_143 = tpu.matmul %div3A_140, %slice3A_141, %dot_general3A_142 {dimension_numbers = #tpu.dot_dimension_numbers<[1], [0], [0], [1], [0, 0, 1, 1], [], []>, transpose_lhs_hint = false} : vector<256x256xf32>, vector<256x32xf32>, vector<256x32xf32> -> vector<256x32xf32>
    %slice3A_144 = vector.extract_strided_slice %add3A_10 {offsets = [0, 32], sizes = [256, 32], strides = [1, 1]} : vector<256x96xf32> to vector<256x32xf32>
    %slice3A_145 = vector.extract_strided_slice %add3A_22 {offsets = [32, 0], sizes = [32, 256], strides = [1, 1]} : vector<96x256xf32> to vector<32x256xf32>
    %mul3A_146 = arith.mulf %slice3A_144, %slice3A_144 : vector<256x32xf32>
    %reduce_sum3A_147 = arith.constant dense<0.000000e+00> : vector<256xf32>
    %reduce_sum3A_148 = vector.multi_reduction <add>, %mul3A_146, %reduce_sum3A_147 [1] : vector<256x32xf32> to vector<256xf32>
    %broadcast_in_dim3A_149 = vector.shape_cast %reduce_sum3A_148 : vector<256xf32> to vector<256x1xf32>
    %mul3A_150 = arith.mulf %slice3A_145, %slice3A_145 : vector<32x256xf32>
    %reduce_sum3A_151 = arith.constant dense<0.000000e+00> : vector<256xf32>
    %reduce_sum3A_152 = vector.multi_reduction <add>, %mul3A_150, %reduce_sum3A_151 [0] : vector<32x256xf32> to vector<256xf32>
    %broadcast_in_dim3A_153 = vector.shape_cast %reduce_sum3A_152 : vector<256xf32> to vector<1x256xf32>
    %dot_general3A_154 = arith.constant dense<0.000000e+00> : vector<256x256xf32>
    %dot_general3A_155 = tpu.matmul %slice3A_144, %slice3A_145, %dot_general3A_154 {dimension_numbers = #tpu.dot_dimension_numbers<[1], [0], [0], [1], [0, 0, 1, 1], [], []>, transpose_lhs_hint = false} : vector<256x32xf32>, vector<32x256xf32>, vector<256x256xf32> -> vector<256x256xf32>
    %add3A_156 = vector.broadcast %broadcast_in_dim3A_149 : vector<256x1xf32> to vector<256x256xf32>
    %add3A_157 = vector.broadcast %broadcast_in_dim3A_153 : vector<1x256xf32> to vector<256x256xf32>
    %add3A_158 = arith.addf %add3A_156, %add3A_157 : vector<256x256xf32>
    %mul3A_159 = arith.constant 2.000000e+00 : f32
    %mul3A_160 = vector.broadcast %mul3A_159 : f32 to vector<256x256xf32>
    %mul3A_161 = arith.mulf %mul3A_160, %dot_general3A_155 : vector<256x256xf32>
    %sub3A_162 = arith.subf %add3A_158, %mul3A_161 : vector<256x256xf32>
    %max3A_163 = arith.constant 9.99999996E-13 : f32
    %max3A_164 = vector.broadcast %max3A_163 : f32 to vector<256x256xf32>
    %max3A_165 = arith.maximumf %sub3A_162, %max3A_164 : vector<256x256xf32>
    %sqrt3A_166 = math.sqrt %max3A_165 : vector<256x256xf32>
    %mul3A_167 = arith.constant -0.176776692 : f32
    %mul3A_168 = vector.broadcast %mul3A_167 : f32 to vector<256x256xf32>
    %mul3A_169 = arith.mulf %mul3A_168, %sqrt3A_166 : vector<256x256xf32>
    %jit3A_170 = arith.constant -1.000000e+09 : f32
    %broadcast_in_dim3A_171 = vector.broadcast %jit3A_170 : f32 to vector<256x256xf32>
    %select_n3A_172 = arith.select %and3A_105, %mul3A_169, %broadcast_in_dim3A_171 : vector<256x256xi1>, vector<256x256xf32>
    %reduce_max3A_173 = arith.constant dense<0xFF800000> : vector<256xf32>
    %reduce_max3A_174 = vector.multi_reduction <maximumf>, %select_n3A_172, %reduce_max3A_173 [1] : vector<256x256xf32> to vector<256xf32>
    %broadcast_in_dim3A_175 = vector.shape_cast %reduce_max3A_174 : vector<256xf32> to vector<256x1xf32>
    %sub3A_176 = vector.broadcast %broadcast_in_dim3A_175 : vector<256x1xf32> to vector<256x256xf32>
    %sub3A_177 = arith.subf %select_n3A_172, %sub3A_176 : vector<256x256xf32>
    %exp3A_178 = math.exp %sub3A_177 : vector<256x256xf32>
    %reduce_sum3A_179 = arith.constant dense<0.000000e+00> : vector<256xf32>
    %reduce_sum3A_180 = vector.multi_reduction <add>, %exp3A_178, %reduce_sum3A_179 [1] : vector<256x256xf32> to vector<256xf32>
    %broadcast_in_dim3A_181 = vector.shape_cast %reduce_sum3A_180 : vector<256xf32> to vector<256x1xf32>
    %div3A_182 = vector.broadcast %broadcast_in_dim3A_181 : vector<256x1xf32> to vector<256x256xf32>
    %div3A_183 = arith.divf %exp3A_178, %div3A_182 : vector<256x256xf32>
    %slice3A_184 = vector.extract_strided_slice %mul3A_106 {offsets = [0, 32], sizes = [256, 32], strides = [1, 1]} : vector<256x96xf32> to vector<256x32xf32>
    %dot_general3A_185 = arith.constant dense<0.000000e+00> : vector<256x32xf32>
    %dot_general3A_186 = tpu.matmul %div3A_183, %slice3A_184, %dot_general3A_185 {dimension_numbers = #tpu.dot_dimension_numbers<[1], [0], [0], [1], [0, 0, 1, 1], [], []>, transpose_lhs_hint = false} : vector<256x256xf32>, vector<256x32xf32>, vector<256x32xf32> -> vector<256x32xf32>
    %slice3A_187 = vector.extract_strided_slice %add3A_10 {offsets = [0, 64], sizes = [256, 32], strides = [1, 1]} : vector<256x96xf32> to vector<256x32xf32>
    %slice3A_188 = vector.extract_strided_slice %add3A_22 {offsets = [64, 0], sizes = [32, 256], strides = [1, 1]} : vector<96x256xf32> to vector<32x256xf32>
    %mul3A_189 = arith.mulf %slice3A_187, %slice3A_187 : vector<256x32xf32>
    %reduce_sum3A_190 = arith.constant dense<0.000000e+00> : vector<256xf32>
    %reduce_sum3A_191 = vector.multi_reduction <add>, %mul3A_189, %reduce_sum3A_190 [1] : vector<256x32xf32> to vector<256xf32>
    %broadcast_in_dim3A_192 = vector.shape_cast %reduce_sum3A_191 : vector<256xf32> to vector<256x1xf32>
    %mul3A_193 = arith.mulf %slice3A_188, %slice3A_188 : vector<32x256xf32>
    %reduce_sum3A_194 = arith.constant dense<0.000000e+00> : vector<256xf32>
    %reduce_sum3A_195 = vector.multi_reduction <add>, %mul3A_193, %reduce_sum3A_194 [0] : vector<32x256xf32> to vector<256xf32>
    %broadcast_in_dim3A_196 = vector.shape_cast %reduce_sum3A_195 : vector<256xf32> to vector<1x256xf32>
    %dot_general3A_197 = arith.constant dense<0.000000e+00> : vector<256x256xf32>
    %dot_general3A_198 = tpu.matmul %slice3A_187, %slice3A_188, %dot_general3A_197 {dimension_numbers = #tpu.dot_dimension_numbers<[1], [0], [0], [1], [0, 0, 1, 1], [], []>, transpose_lhs_hint = false} : vector<256x32xf32>, vector<32x256xf32>, vector<256x256xf32> -> vector<256x256xf32>
    %add3A_199 = vector.broadcast %broadcast_in_dim3A_192 : vector<256x1xf32> to vector<256x256xf32>
    %add3A_200 = vector.broadcast %broadcast_in_dim3A_196 : vector<1x256xf32> to vector<256x256xf32>
    %add3A_201 = arith.addf %add3A_199, %add3A_200 : vector<256x256xf32>
    %mul3A_202 = arith.constant 2.000000e+00 : f32
    %mul3A_203 = vector.broadcast %mul3A_202 : f32 to vector<256x256xf32>
    %mul3A_204 = arith.mulf %mul3A_203, %dot_general3A_198 : vector<256x256xf32>
    %sub3A_205 = arith.subf %add3A_201, %mul3A_204 : vector<256x256xf32>
    %max3A_206 = arith.constant 9.99999996E-13 : f32
    %max3A_207 = vector.broadcast %max3A_206 : f32 to vector<256x256xf32>
    %max3A_208 = arith.maximumf %sub3A_205, %max3A_207 : vector<256x256xf32>
    %sqrt3A_209 = math.sqrt %max3A_208 : vector<256x256xf32>
    %mul3A_210 = arith.constant -0.176776692 : f32
    %mul3A_211 = vector.broadcast %mul3A_210 : f32 to vector<256x256xf32>
    %mul3A_212 = arith.mulf %mul3A_211, %sqrt3A_209 : vector<256x256xf32>
    %jit3A_213 = arith.constant -1.000000e+09 : f32
    %broadcast_in_dim3A_214 = vector.broadcast %jit3A_213 : f32 to vector<256x256xf32>
    %select_n3A_215 = arith.select %and3A_105, %mul3A_212, %broadcast_in_dim3A_214 : vector<256x256xi1>, vector<256x256xf32>
    %reduce_max3A_216 = arith.constant dense<0xFF800000> : vector<256xf32>
    %reduce_max3A_217 = vector.multi_reduction <maximumf>, %select_n3A_215, %reduce_max3A_216 [1] : vector<256x256xf32> to vector<256xf32>
    %broadcast_in_dim3A_218 = vector.shape_cast %reduce_max3A_217 : vector<256xf32> to vector<256x1xf32>
    %sub3A_219 = vector.broadcast %broadcast_in_dim3A_218 : vector<256x1xf32> to vector<256x256xf32>
    %sub3A_220 = arith.subf %select_n3A_215, %sub3A_219 : vector<256x256xf32>
    %exp3A_221 = math.exp %sub3A_220 : vector<256x256xf32>
    %reduce_sum3A_222 = arith.constant dense<0.000000e+00> : vector<256xf32>
    %reduce_sum3A_223 = vector.multi_reduction <add>, %exp3A_221, %reduce_sum3A_222 [1] : vector<256x256xf32> to vector<256xf32>
    %broadcast_in_dim3A_224 = vector.shape_cast %reduce_sum3A_223 : vector<256xf32> to vector<256x1xf32>
    %div3A_225 = vector.broadcast %broadcast_in_dim3A_224 : vector<256x1xf32> to vector<256x256xf32>
    %div3A_226 = arith.divf %exp3A_221, %div3A_225 : vector<256x256xf32>
    %slice3A_227 = vector.extract_strided_slice %mul3A_106 {offsets = [0, 64], sizes = [256, 32], strides = [1, 1]} : vector<256x96xf32> to vector<256x32xf32>
    %dot_general3A_228 = arith.constant dense<0.000000e+00> : vector<256x32xf32>
    %dot_general3A_229 = tpu.matmul %div3A_226, %slice3A_227, %dot_general3A_228 {dimension_numbers = #tpu.dot_dimension_numbers<[1], [0], [0], [1], [0, 0, 1, 1], [], []>, transpose_lhs_hint = false} : vector<256x256xf32>, vector<256x32xf32>, vector<256x32xf32> -> vector<256x32xf32>
    %concatenate3A = tpu.concatenate %dot_general3A_143, %dot_general3A_186, %dot_general3A_229 in 1 : vector<256x32xf32>, vector<256x32xf32>, vector<256x32xf32> -> vector<256x96xf32>
    %mul3A_230 = vector.broadcast %broadcast_in_dim3A_40 : vector<256x1xf32> to vector<256x96xf32>
    %mul3A_231 = arith.mulf %mul3A_230, %concatenate3A : vector<256x96xf32>
    %swap3A = arith.constant 0 : index
    %swap3A_232 = arith.constant 0 : index
    %swap3A_233 = vector.load %arg8[%swap3A, %swap3A_232] : memref<256x96xf32, #tpu.memory_space<vmem>>, vector<256x96xf32>
    tpu.vector_store %arg8[%swap3A, %swap3A_232], %mul3A_231 {strides = array<i32>} : memref<256x96xf32, #tpu.memory_space<vmem>>, vector<256x96xf32>,
    return
  }
  func.func @transform_0(%arg0: i32) -> (i32, i32) {
    %c0_i32 = arith.constant 0 : i32
    %c0_i32_0 = arith.constant 0 : i32
    return %arg0, %c0_i32 : i32, i32
  }
  func.func @transform_1(%arg0: i32) -> (i32, i32, i32) {
    %c0_i32 = arith.constant 0 : i32
    %c0_i32_0 = arith.constant 0 : i32
    %c0_i32_1 = arith.constant 0 : i32
    return %arg0, %c0_i32, %c0_i32_0 : i32, i32, i32
  }
  func.func @transform_2(%arg0: i32) -> (i32, i32, i32) {
    %c0_i32 = arith.constant 0 : i32
    %c0_i32_0 = arith.constant 0 : i32
    %c0_i32_1 = arith.constant 0 : i32
    return %arg0, %c0_i32, %c0_i32_0 : i32, i32, i32
  }
  func.func @transform_3(%arg0: i32) -> (i32, i32) {
    %c0_i32 = arith.constant 0 : i32
    %c0_i32_0 = arith.constant 0 : i32
    %c0_i32_1 = arith.constant 0 : i32
    return %c0_i32, %c0_i32_0 : i32, i32
  }
  func.func @transform_4(%arg0: i32) -> (i32, i32) {
    %c0_i32 = arith.constant 0 : i32
    %c0_i32_0 = arith.constant 0 : i32
    %c0_i32_1 = arith.constant 0 : i32
    return %c0_i32, %c0_i32_0 : i32, i32
  }
  func.func @transform_5(%arg0: i32) -> (i32, i32) {
    %c0_i32 = arith.constant 0 : i32
    %c0_i32_0 = arith.constant 0 : i32
    %c0_i32_1 = arith.constant 0 : i32
    return %c0_i32, %c0_i32_0 : i32, i32
  }
  func.func @transform_6(%arg0: i32) -> (i32, i32) {
    %c0_i32 = arith.constant 0 : i32
    %c0_i32_0 = arith.constant 0 : i32
    %c0_i32_1 = arith.constant 0 : i32
    return %c0_i32, %c0_i32_0 : i32, i32
  }
  func.func @transform_7(%arg0: i32) -> (i32, i32) {
    %c0_i32 = arith.constant 0 : i32
    %c0_i32_0 = arith.constant 0 : i32
    return %arg0, %c0_i32 : i32, i32
  }
}

module attributes {stable_mosaic.version = 14 : i64} {
  func.func @_merge_body(%arg0: i32, %arg1: i32, %arg2: memref<1x2048x96xf32, #tpu.memory_space<vmem>>, %arg3: memref<1x2048x96xf32, #tpu.memory_space<vmem>>, %arg4: memref<1x2048x16xf32, #tpu.memory_space<vmem>>, %arg5: memref<96x96xf32, #tpu.memory_space<vmem>>, %arg6: memref<1x96xf32, #tpu.memory_space<vmem>>, %arg7: memref<1x96x2048xf32, #tpu.memory_space<vmem>>) attributes {dimension_semantics = [#tpu.dimension_semantics<arbitrary>, #tpu.dimension_semantics<arbitrary>], iteration_bounds = array<i64: 2, 72>, scalar_prefetch = 0 : i64, scratch_operands = 0 : i64, tpu.core_type = #tpu.core_type<tc>, window_params = [{transform_indices = @transform_0, window_bounds = array<i64: 1, 2048, 96>}, {transform_indices = @transform_1, window_bounds = array<i64: 1, 2048, 96>}, {transform_indices = @transform_2, window_bounds = array<i64: 1, 2048, 16>}, {pipeline_mode = #tpu.pipeline_mode<synchronous>, transform_indices = @transform_3, window_bounds = array<i64: 96, 96>}, {pipeline_mode = #tpu.pipeline_mode<synchronous>, transform_indices = @transform_4, window_bounds = array<i64: 1, 96>}, {transform_indices = @transform_5, window_bounds = array<i64: 1, 96, 2048>}]} {
    %get3A = arith.constant 0 : index
    %get3A_0 = arith.constant 0 : index
    %get3A_1 = arith.constant 0 : index
    %get3A_2 = vector.load %arg2[%get3A, %get3A_0, %get3A_1] : memref<1x2048x96xf32, #tpu.memory_space<vmem>>, vector<1x2048x96xf32>
    %get3A_3 = vector.shape_cast %get3A_2 : vector<1x2048x96xf32> to vector<2048x96xf32>
    %get3A_4 = arith.constant 0 : index
    %get3A_5 = arith.constant 0 : index
    %get3A_6 = vector.load %arg5[%get3A_4, %get3A_5] : memref<96x96xf32, #tpu.memory_space<vmem>>, vector<96x96xf32>
    %dot_general3A = arith.constant dense<0.000000e+00> : vector<2048x96xf32>
    %dot_general3A_7 = tpu.matmul %get3A_3, %get3A_6, %dot_general3A {dimension_numbers = #tpu.dot_dimension_numbers<[1], [0], [0], [1], [0, 0, 1, 1], [], []>, transpose_lhs_hint = false} : vector<2048x96xf32>, vector<96x96xf32>, vector<2048x96xf32> -> vector<2048x96xf32>
    %get3A_8 = arith.constant 0 : index
    %get3A_9 = arith.constant 0 : index
    %get3A_10 = vector.load %arg6[%get3A_8, %get3A_9] : memref<1x96xf32, #tpu.memory_space<vmem>>, vector<1x96xf32>
    %get3A_11 = vector.shape_cast %get3A_10 : vector<1x96xf32> to vector<96xf32>
    %broadcast_in_dim3A = vector.shape_cast %get3A_11 : vector<96xf32> to vector<1x96xf32>
    %add3A = vector.broadcast %broadcast_in_dim3A : vector<1x96xf32> to vector<2048x96xf32>
    %add3A_12 = arith.addf %dot_general3A_7, %add3A : vector<2048x96xf32>
    %get3A_13 = arith.constant 0 : index
    %get3A_14 = arith.constant 0 : index
    %get3A_15 = arith.constant 0 : index
    %get3A_16 = vector.load %arg4[%get3A_13, %get3A_14, %get3A_15] : memref<1x2048x16xf32, #tpu.memory_space<vmem>>, vector<1x2048x16xf32>
    %get3A_17 = vector.shape_cast %get3A_16 : vector<1x2048x16xf32> to vector<2048x16xf32>
    %slice3A = vector.extract_strided_slice %get3A_17 {offsets = [0, 0], sizes = [2048, 1], strides = [1, 1]} : vector<2048x16xf32> to vector<2048x1xf32>
    %get3A_18 = arith.constant 0 : index
    %get3A_19 = arith.constant 0 : index
    %get3A_20 = arith.constant 0 : index
    %get3A_21 = vector.load %arg3[%get3A_18, %get3A_19, %get3A_20] : memref<1x2048x96xf32, #tpu.memory_space<vmem>>, vector<1x2048x96xf32>
    %get3A_22 = vector.shape_cast %get3A_21 : vector<1x2048x96xf32> to vector<2048x96xf32>
    %max3A = arith.constant 1.000000e+00 : f32
    %max3A_23 = vector.broadcast %max3A : f32 to vector<2048x1xf32>
    %max3A_24 = arith.maximumf %slice3A, %max3A_23 : vector<2048x1xf32>
    %div3A = vector.broadcast %max3A_24 : vector<2048x1xf32> to vector<2048x96xf32>
    %div3A_25 = arith.divf %get3A_22, %div3A : vector<2048x96xf32>
    %ge3A = arith.constant 5.000000e-01 : f32
    %ge3A_26 = vector.broadcast %ge3A : f32 to vector<2048x1xf32>
    %ge3A_27 = arith.cmpf oge, %slice3A, %ge3A_26 : vector<2048x1xf32>
    %broadcast_in_dim3A_28 = vector.shape_cast %ge3A_27 : vector<2048x1xi1> to vector<2048x1xi1>
    %broadcast_in_dim3A_29 = vector.broadcast %broadcast_in_dim3A_28 : vector<2048x1xi1> to vector<2048x96xi1>
    %select_n3A = arith.select %broadcast_in_dim3A_29, %div3A_25, %add3A_12 : vector<2048x96xi1>, vector<2048x96xf32>
    %transpose3A = tpu.transpose %select_n3A, [1, 0] : vector<2048x96xf32> -> vector<96x2048xf32>
    %swap3A = arith.constant 0 : index
    %swap3A_30 = arith.constant 0 : index
    %swap3A_31 = arith.constant 0 : index
    %swap3A_32 = vector.load %arg7[%swap3A, %swap3A_30, %swap3A_31] : memref<1x96x2048xf32, #tpu.memory_space<vmem>>, vector<1x96x2048xf32>
    %swap3A_33 = vector.shape_cast %swap3A_32 : vector<1x96x2048xf32> to vector<96x2048xf32>
    %swap3A_34 = vector.shape_cast %transpose3A : vector<96x2048xf32> to vector<1x96x2048xf32>
    tpu.vector_store %arg7[%swap3A, %swap3A_30, %swap3A_31], %swap3A_34 {strides = array<i32>} : memref<1x96x2048xf32, #tpu.memory_space<vmem>>, vector<1x96x2048xf32>,
    return
  }
  func.func @transform_0(%arg0: i32, %arg1: i32) -> (i32, i32, i32) {
    %c0_i32 = arith.constant 0 : i32
    %c0_i32_0 = arith.constant 0 : i32
    return %arg0, %arg1, %c0_i32 : i32, i32, i32
  }
  func.func @transform_1(%arg0: i32, %arg1: i32) -> (i32, i32, i32) {
    %c0_i32 = arith.constant 0 : i32
    %c0_i32_0 = arith.constant 0 : i32
    return %arg0, %arg1, %c0_i32 : i32, i32, i32
  }
  func.func @transform_2(%arg0: i32, %arg1: i32) -> (i32, i32, i32) {
    %c0_i32 = arith.constant 0 : i32
    %c0_i32_0 = arith.constant 0 : i32
    return %arg0, %arg1, %c0_i32 : i32, i32, i32
  }
  func.func @transform_3(%arg0: i32, %arg1: i32) -> (i32, i32) {
    %c0_i32 = arith.constant 0 : i32
    %c0_i32_0 = arith.constant 0 : i32
    %c0_i32_1 = arith.constant 0 : i32
    return %c0_i32, %c0_i32_0 : i32, i32
  }
  func.func @transform_4(%arg0: i32, %arg1: i32) -> (i32, i32) {
    %c0_i32 = arith.constant 0 : i32
    %c0_i32_0 = arith.constant 0 : i32
    %c0_i32_1 = arith.constant 0 : i32
    return %c0_i32, %c0_i32_0 : i32, i32
  }
  func.func @transform_5(%arg0: i32, %arg1: i32) -> (i32, i32, i32) {
    %c0_i32 = arith.constant 0 : i32
    %c0_i32_0 = arith.constant 0 : i32
    return %arg0, %c0_i32, %arg1 : i32, i32, i32
  }
}

</mosaic_0001>

<sc_bundles>
// kernel: kernel.10.cloned.1.call-start
scs
__scs_entry_jumppad:
0x0: {  	(pc) =	sbr.rel $0x88, $3  }
0x1: {  	(tag) =	ssettag $0x0;
	lr =	simm.s32 $0x1  }
0x2: {  	[smem:$0x3F98] =	sst lr;
	_ =	strace $0xD0000000  }
0x3: {  	_ = 	snop  }
0x4: {  	_ = 	snop  }
0x5: {  	_ = 	snop  }
0x6: {  	_ = 	snop  }
0x7: {  	_ = 	snop  }
__scs_overlays_trampoline_lowered:
0x8: {  	[smem:$0x3FA7] =	sst s0  }
0x9: {  	[smem:$0x3FA8] =	sst s1  }
0xa: {  	[smem:$0x3FA9] =	sst s2  }
0xb: {  	[smem:$0x3FAA] =	sst s3  }
0xc: {  	[smem:$0x3FAB] =	sst s4  }
0xd: {  	[smem:$0x3FAC] =	sst s5  }
0xe: {  	[smem:$0x3FAD] =	sst s6  }
0xf: {  	[smem:$0x3FAE] =	sst s7  }
0x10: {  	[smem:$0x3FAF] =	sst s8  }
0x11: {  	[smem:$0x3FB0] =	sst s9;
	s0 =	simm.s32 @!p0 $0x0  }
0x12: {  	s1 =	sld [smem:$0x3F96];
	s0 =	simm.s32 @p0 $0x1  }
0x13: {  	[smem:$0x3FB1] =	sst s0;
	s0 =	simm.s32 @!p1 $0x0  }
0x14: {  	s2 =	sld [smem:$0x3F95];
	s0 =	simm.s32 @p1 $0x1  }
0x15: {  	[smem:$0x3FB2] =	sst s0;
	s0 =	simm.s32 @!p2 $0x0  }
0x16: {  	s3 =	sld [smem:$0x3FDB];
	s0 =	simm.s32 @p2 $0x1  }
0x17: {  	s4 =	simm.s32 $0x1BF5;
	[smem:$0x3FB4] =	sst s0  }
0x18: {  	s0 =	sld [smem:$0x3F97];
	_ =	swait.ge [sflag:s4], $0x0  }
0x19: {  	s7 =	sld [smem:$0x3F98]  }
0x1a: {  	s8 =	sadd.s32 $0xFFFFE003, lr  }
0x1b: {  	s9 =	sadd.s32 $0xFFFFFEF7, lr;
	s5 =	simm.s32 $0xFFFFFFFF;
	p2 =	slt.u32 s8, $0xFFFFF086  }
0x1c: {  	p1 =	slt.u32 s9, $0xF7A;
	s5 =	simm.s32 @!p2 $0x0  }
0x1d: {  	s5 =	simm.s32 @p1 $0x1;
	p0 =	seq.s32 s7, s2  }
0x1e: {  	s7 =	smul.u32 @!p0 $0xF7A, s2;
	p2 =	seq.s32 @!p0 s5, $0x0  }
0x1f: {  	s9 =	smul.u32 $0xF7A, s1;
	s8 =	simm.s32 @!p0 $0x1BF5;
	p2 =	por !p2, p0  }
0x20: {  	[sflag:s8] =	ssyncset.s32 @!p0 $0xFFFFF086;
	s6 =	sadd.s32 @!p0 s3, s7;
	s7 =	simm.s32 @!p0 $0x108  }
0x21: {  	s3 =	sadd.s32 s3, s9;
	s6 =	sadd.s32 @!p0 $0x88, s6;
	s7 =	simm.s32 @p2 $0x1082  }
0x22: {  	[simem:s7], [sflag:s8] =	dma.local @!p0 [hbm:s6], $0xF7A  }
0x23: {  	s9 =	sor.u32 $0xD0000000, s2;
	s6 =	simm.s32 $0x108;
	_ =	swait.ge @!p0 [sflag:s8], $0x0  }
0x24: {  	s3 =	sadd.s32 $0x88, s3;
	s6 =	simm.s32 @!p1 $0x1082;
	[sflag:s4] =	ssyncset.s32 $0xFFFFF086  }
0x25: {  	[simem:s6], [sflag:s4] =	dma.local [hbm:s3], $0xF7A  }
0x26: {  	[smem:$0x3F98] =	sst s1;
	(tag) =	ssettag s2;
	_ =	strace s9  }
0x27: {  	s1 =	sld [smem:$0x3FA8]  }
0x28: {  	s2 =	sld [smem:$0x3FA9]  }
0x29: {  	s4 =	sld [smem:$0x3FAB]  }
0x2a: {  	p0 =	seq.s32 s5, $0x0;
	s5 =	sld [smem:$0x3FAC]  }
0x2b: {  	s6 =	sld [smem:$0x3FAD]  }
0x2c: {  	s7 =	sld [smem:$0x3FAE]  }
0x2d: {  	s3 =	simm.s32 $0x108;
	s8 =	sld [smem:$0x3FAF]  }
0x2e: {  	s3 =	simm.s32 @!p0 $0x1082;
	s9 =	sld [smem:$0x3FB0]  }
0x2f: {  	lr =	sadd.s32 s0, s3;
	s0 =	sld [smem:$0x3FA7]  }
0x30: {  	s3 =	sld [smem:$0x3FAA]  }
0x31: {  	[smem:$0x3FB3] =	sst s10  }
0x32: {  	s10 =	sld [smem:$0x3FB1];
	_ =	sdelay $0x3  }
0x33: {  	p0 =	seq.s32 s10, $0x1;
	s10 =	sld [smem:$0x3FB3];
	_ =	sdelay $0x3  }
0x34: {  	[smem:$0x3FB3] =	sst s10  }
0x35: {  	s10 =	sld [smem:$0x3FB2];
	_ =	sdelay $0x3  }
0x36: {  	p1 =	seq.s32 s10, $0x1;
	s10 =	sld [smem:$0x3FB3];
	_ =	sdelay $0x3  }
0x37: {  	[smem:$0x3FB3] =	sst s10  }
0x38: {  	s10 =	sld [smem:$0x3FB4]  }
0x39: {  	_ = 	snop;
	(pc) =	sbr.ind lr, $3  }
0x3a: {  	_ = 	snop  }
0x3b: {  	_ = 	snop  }
0x3c: {  	p2 =	seq.s32 s10, $0x1;
	s10 =	sld [smem:$0x3FB3]  }
0x3d: {  	_ =	shalt  }
0x3e: {  	_ =	shalt  }
0x3f: {  	_ =	shalt  }
0x40: {  	_ =	shalt  }
0x41: {  	_ =	shalt  }
0x42: {  	_ =	shalt  }
0x43: {  	_ =	shalt  }
0x44: {  	_ =	shalt  }
0x45: {  	_ =	shalt  }
0x46: {  	_ =	shalt  }
0x47: {  	_ =	shalt  }
0x48: {  	_ =	shalt  }
0x49: {  	_ =	shalt  }
0x4a: {  	_ =	shalt  }
0x4b: {  	_ =	shalt  }
0x4c: {  	_ =	shalt  }
0x4d: {  	_ =	shalt  }
0x4e: {  	_ =	shalt  }
0x4f: {  	_ =	shalt  }
0x50: {  	_ =	shalt  }
0x51: {  	_ =	shalt  }
0x52: {  	_ =	shalt  }
0x53: {  	_ =	shalt  }
0x54: {  	_ =	shalt  }
0x55: {  	_ =	shalt  }
0x56: {  	_ =	shalt  }
0x57: {  	_ =	shalt  }
0x58: {  	_ =	shalt  }
0x59: {  	_ =	shalt  }
0x5a: {  	_ =	shalt  }
0x5b: {  	_ =	shalt  }
0x5c: {  	_ =	shalt  }
0x5d: {  	_ =	shalt  }
0x5e: {  	_ =	shalt  }
0x5f: {  	_ =	shalt  }
0x60: {  	_ =	shalt  }
0x61: {  	_ =	shalt  }
0x62: {  	_ =	shalt  }
0x63: {  	_ =	shalt  }
0x64: {  	_ =	shalt  }
0x65: {  	_ =	shalt  }
0x66: {  	_ =	shalt  }
0x67: {  	_ =	shalt  }
0x68: {  	_ =	shalt  }
0x69: {  	_ =	shalt  }
0x6a: {  	_ =	shalt  }
0x6b: {  	_ =	shalt  }
0x6c: {  	_ =	shalt  }
0x6d: {  	_ =	shalt  }
0x6e: {  	_ =	shalt  }
0x6f: {  	_ =	shalt  }
0x70: {  	_ =	shalt  }
0x71: {  	_ =	shalt  }
0x72: {  	_ =	shalt  }
0x73: {  	_ =	shalt  }
0x74: {  	_ =	shalt  }
0x75: {  	_ =	shalt  }
0x76: {  	_ =	shalt  }
0x77: {  	_ =	shalt  }
0x78: {  	_ =	shalt  }
0x79: {  	_ =	shalt  }
0x7a: {  	_ =	shalt  }
0x7b: {  	_ =	shalt  }
0x7c: {  	_ =	shalt  }
0x7d: {  	_ =	shalt  }
0x7e: {  	_ =	shalt  }
0x7f: {  	_ =	shalt  }
0x80: {  	_ =	shalt  }
0x81: {  	_ =	shalt  }
0x82: {  	_ =	shalt  }
0x83: {  	_ =	shalt  }
0x84: {  	_ =	shalt  }
0x85: {  	_ =	shalt  }
0x86: {  	_ =	shalt  }
0x87: {  	_ =	shalt  }
.Lfunc_end0:
.L_simem_size_0:
called_computation.2_lowered:
.L_overlay_start_0:
0x88: {  	s2 =	sld [smem:$0x3FD9]  }
0x89: {  	s3 =	sld [smem:$0x3FFE];
	_ =	sdelay $0x1  }
0x8a: {  	s1 =	srdreg.scid  }
0x8b: {  	s0 =	sand.u32 $0x1, s1  }
0x8c: {  	s17 =	sshll.u32 s0, $0xA;
	s2 =	sadd.s32 s3, s2  }
0x8d: {  	s2 =	sadd.s32 s2, s17  }
0x8e: {  	[smem:$0x3FBF] =	sst s2  }
0x8f: {  	_ = 	snop  }
0x90: {  	s2 =	sld [smem:$0x3FD0];
	(tm) =	ssettm $0x1  }
0x91: {  	s18 =	sld [smem:$0x3FFB];
	_ =	sdelay $0x3  }
0x92: {  	_ =	strace s18  }
0x93: {  	s3 =	sld [smem:$0x3FFC];
	_ =	sdelay $0x3  }
0x94: {  	_ =	strace s3  }
0x95: {  	s3 =	sld [smem:$0x3FFD];
	_ =	sdelay $0x3  }
0x96: {  	_ =	strace s3  }
0x97: {  	_ =	strace $0x8FFFFFFF  }
0x98: {  	s19 =	sld [smem:$0x3FDB];
	_ =	sdelay $0x1  }
0x99: {  	s4 =	simm.s32 $_scs_section_size  }
0x9a: {  	s5 =	simm.s32 $_size__tile_overlayer_lowered;
	s6 =	simm.s32 $_tile_overlayer_lowered  }
0x9b: {  	s22 =	simm.s32 $0x1BFF;
	s21 =	sshll.u32 s6, $0x1;
	s3 =	sadd.s32 s4, s19  }
0x9c: {  	s7 =	simm.s32 $0x0;
	s20 =	sshll.u32 s5, $0x1;
	s5 =	sadd.s32 s21, s3  }
0x9d: {  	[timem:s7], [sflag:s22] =	dma.local [hbm:s5], s20  }
0x9e: {  	_ =	swait.ge [sflag:s22], s20  }
0x9f: {  	s4 =	ssub.s32 $0x0, s20;
	[sflag:s22] =	ssyncset.done $0x0  }
0xa0: {  	[sflag:s22] =	ssyncadd.s32 s4;
	_ =	sdelay $0x1  }
0xa1: {  	s23 =	simm.s32 $0x1B8B  }
0xa2: {  	_ =	swait.ge [sflag:s23], $0x1  }
0xa3: {  	[sflag:s23] =	ssyncset.done $0x0  }
0xa4: {  	s25 =	simm.s32 $0x1B8E;
	s24 =	sld [smem:$0x3FFE];
	[sflag:s23] =	ssyncadd.s32 $0xFFFFFFFF  }
0xa5: {  	s26 =	simm.s32 $execute0_lowered;
	[smem:$0x3FD2] =	sst s25  }
0xa6: {  	s5 =	sshll.u32 s26, $0x1;
	_ =	strace $0x80000049;
	[dreg:$0x1] =	wrdreg $0xFFFFFFFF  }
0xa7: {  	s28 =	simm.s32 $_size_execute0_lowered;
	s3 =	sadd.s32 s3, s5;
	[dreg:$0x0] =	wrdreg $0x0  }
0xa8: {  	s5 =	sshll.u32 s28, $0x1;
	[dreg:$0x2] =	wrdreg s3  }
0xa9: {  	[dreg:$0x3] =	wrdreg s5  }
0xaa: {  	[dreg:$0x4] =	wrdreg $0xC0  }
0xab: {  	_ =	task [dreg:s7], $0x5FFFF  }
0xac: {  	[dreg:$0x1] =	wrdreg $0xFFFFFFFF  }
0xad: {  	[dreg:$0x0] =	wrdreg $0x60  }
0xae: {  	[dreg:$0x2] =	wrdreg s24  }
0xaf: {  	[dreg:$0x3] =	wrdreg s2  }
0xb0: {  	[dreg:$0x4] =	wrdreg $0x79800  }
0xb1: {  	[dreg:$0x5] =	wrdreg $0x139E00  }
0xb2: {  	[dreg:$0x6] =	wrdreg $0x9  }
0xb3: {  	_ =	task.clear_ibuf [dreg:s7], $0x7FFFF;
	_ =	strace $0x90000049  }
0xb4: {  	s29 =	simm.s32 $0x9;
	_ =	strace $0x8000004B  }
0xb5: {  	_ =	swait.ge [sflag:s29], $0x1  }
0xb6: {  	[sflag:s29] =	ssyncadd.s32 $0xFFFFFFFF  }
0xb7: {  	_ =	strace $0x9000004B  }
0xb8: {  	_ =	sfence  }
0xb9: {  	s30 =	sld [smem:$0x0];
	_ =	sdelay $0x2  }
0xba: {  	s31 =	sshll.u32 s1, $0xD;
	s1 =	sshrl.u32 s1, $0x2  }
0xbb: {  	s3 =	sand.u32 $0x4000, s31;
	s1 =	sadd.s32 s1, s30  }
0xbc: {  	s0 =	sor.u32 s3, s0;
	s1 =	sshll.u32 s1, $0x11  }
0xbd: {  	s0 =	sor.u32 s1, s0  }
0xbe: {  	s0 =	sadd.s32 $0x8F2B, s0  }
0xbf: {  	[sflag:s0] =	ssyncadd.remote.s32 $0x1  }
0xc0: {  	_ =	sfence.sel $0xFFFF  }
0xc1: {  	[dreg:$0x0] =	wrdreg $0xFFFFFFFF;
	(pc) =	sbr.abs _section_cstart, $3  }
0xc2: {  	[dreg:$0x1] =	wrdreg $0xFFFFFFFF  }
0xc3: {  	_ =	task.clear_ibuf [dreg:s7], $0x2FFFF;
	_ =	strace $0x9FFFFFFF  }
0xc4: {  	(tm) =	ssettm $0x7FFFFFFF  }
0xc5: {  	_ =	shalt  }
tec
execute0_lowered:
.L_overlay_start_1:
0x0: {  	(tag) =	ssettag $0x1  }
0x1: {  	s2 =	rddreg [dreg:$0x0]  }
0x2: {  	s1 =	rddreg [dreg:$0x1]  }
0x3: {  	s3 =	rddreg [dreg:$0x2]  }
0x4: {  	s0 =	srdreg.scid;
	s4 =	rddreg [dreg:$0x3]  }
0x5: {  	s5 =	simm.s32 $0x0;
	s28 =	simm.s32 $0x3980;
	s29 =	simm.s32 $0x980  }
0x6: {  	s30 =	simm.s32 $0x80;
	s6 =	sand.u32 $0x1, s0;
	s0 =	stileid.u32  }
0x7: {  	[smem:$0x7FF] =	sst s5;
	s9 =	sadd.s32 $0x6000, s2;
	s18 =	sadd.s32 $0x5E00, s2  }
0x8: {  	s7 =	smul.u32 $0x9000, s6;
	_ =	strace $0x8000004A;
	[dreg:$0x5] =	wrdreg s9  }
0x9: {  	s19 =	sadd.s32 $0x5C00, s2;
	s8 =	smul.u32 $0x900, s0;
	[dreg:$0x6] =	wrdreg s18  }
0xa: {  	s31 =	simm.s32 $0x900;
	s17 =	smul.u32 $0x6C000, s6;
	[dreg:$0x7] =	wrdreg s19  }
0xb: {  	s10 =	ssub.s32 $0x2, s6;
	s9 =	sadd.s32 $0x489C00, s2;
	s13 =	smul.u32 $0x30000, s0  }
0xc: {  	s11 =	sshll.u32 s0, $0x9;
	s12 =	smul.u32 $0xD80000, s6;
	s23 =	sshll.u32 s0, $0xD  }
0xd: {  	s14 =	smul.u32 $0x240000, s6;
	s20 =	sshrl.u32 s10, $0x1;
	s22 =	sor.u32 $0x80, s11  }
0xe: {  	s15 =	sadd.s32 s23, s4;
	s24 =	sor.u32 $0x100, s11;
	s23 =	smul.u32 $0x6C00, s0  }
0xf: {  	s7 =	sadd.s32 s8, s7;
	s8 =	sadd.s32 s17, s2;
	s16 =	smul.u32 $0x180, s22  }
0x10: {  	s21 =	sshrl.u32 s13, $0x2;
	s26 =	smul.u32 $0x180, s24;
	s7 =	sshrl.u32 s7, $0x3  }
0x11: {  	s13 =	sadd.s32 s21, s3;
	s7 =	sadd.s32 s7, s2;
	s2 =	ssub.s32 s10, s20  }
0x12: {  	s25 =	sshrl.u32 s16, $0x2;
	s10 =	sshll.u32 s22, $0x4;
	s16 =	sor.u32 $0x180, s11  }
0x13: {  	s20 =	sshrl.u32 s26, $0x2;
	s22 =	sshll.u32 s24, $0x4;
	s26 =	sadd.s32 s23, s8  }
0x14: {  	s7 =	sadd.s32 $0x3000, s7;
	s2 =	smax.u32 s2, $0x1;
	s17 =	sadd.s32 s25, s3  }
0x15: {  	s18 =	sadd.s32 s10, s4;
	s21 =	smul.u32 $0x180, s16;
	s19 =	sadd.s32 s20, s3  }
0x16: {  	s20 =	sadd.s32 s22, s4;
	s25 =	sshll.u32 s16, $0x4;
	[dreg:$0x8] =	wrdreg s7  }
0x17: {  	s23 =	sadd.s32 $0x5A9C00, s26;
	s26 =	simm.s32 $0x7180;
	[dreg:$0x9] =	wrdreg s2  }
0x18: {  	s22 =	sadd.s32 s25, s4;
	s25 =	simm.s32 $0x4180;
	s24 =	sshrl.u32 s21, $0x2  }
0x19: {  	s2 =	simm.s32 $0x0;
	s21 =	sadd.s32 s24, s3;
	s24 =	simm.s32 $0x1  }
.LBB2_1:
0x1a: {  	s6 =	rddreg [dreg:$0x8]  }
0x1b: {  	[tilespmem:s5], [sflag:$0x1] =	stream.linear.gather [hbm4b:s6+s5], $0x900, $0x38;
	[tilespmem:$0x159F0] =	vst v63  }
0x1c: {  	_ =	swait.ge [sflag:s24], $0x900  }
0x1d: {  	[sflag:s24] =	ssyncset.done $0x0  }
0x1e: {  	s8 =	rddreg [dreg:$0x5];
	[sflag:s24] =	ssyncadd.s32 $0xFFFFF700  }
0x1f: {  	[tilespmem:s25], [sflag:$0x1] =	stream.linear.gather [hbm4b:s8+s5], $0x3000, $0x38;
	[tilespmem:$0x159F0] =	vst v63  }
0x20: {  	_ =	swait.ge [sflag:s24], $0x3000  }
0x21: {  	[sflag:s24] =	ssyncset.done $0x0  }
0x22: {  	s10 =	rddreg [dreg:$0x6];
	[sflag:s24] =	ssyncadd.s32 $0xFFFFD000  }
0x23: {  	[tilespmem:s26], [sflag:$0x1] =	stream.linear.gather [hbm4b:s10+s5], $0x800, $0x38;
	[tilespmem:$0x159F0] =	vst v63  }
0x24: {  	_ =	swait.ge [sflag:s24], $0x800  }
0x25: {  	[sflag:s24] =	ssyncset.done $0x0  }
0x26: {  	s16 =	rddreg [dreg:$0x7];
	[sflag:s24] =	ssyncadd.s32 $0xFFFFF800  }
0x27: {  	[tilespmem:s28], [sflag:$0x1] =	stream.linear.gather [hbm4b:s16+s5], $0x800, $0x38;
	[tilespmem:$0x159F0] =	vst v63  }
0x28: {  	_ =	swait.ge [sflag:s24], $0x800  }
0x29: {  	[sflag:s24] =	ssyncset.done $0x0  }
0x2a: {  	s6 =	simm.s32 $0x0;
	[sflag:s24] =	ssyncadd.s32 $0xFFFFF800  }
.LBB2_2:
0x2b: {  	[spmem:s13] =	stream.linear.scatter [tilespmem:s25], [sflag:$0x1], $0x3000, $0x38;
	[tilespmem:$0x159F0] =	vst v63  }
0x2c: {  	_ =	swait.ge [sflag:s24], $0x3000  }
0x2d: {  	[sflag:s24] =	ssyncset.done $0x0  }
0x2e: {  	[sflag:s24] =	ssyncadd.s32 $0xFFFFD000  }
0x2f: {  	[spmem:s15] =	stream.linear.scatter [tilespmem:s26], [sflag:$0x1], $0x800, $0x38;
	[tilespmem:$0x159F0] =	vst v63  }
0x30: {  	_ =	swait.ge [sflag:s24], $0x800  }
0x31: {  	[sflag:s24] =	ssyncset.done $0x0  }
0x32: {  	[sflag:s24] =	ssyncadd.s32 $0xFFFFF800  }
0x33: {  	[spmem:s17] =	stream.linear.scatter [tilespmem:s25], [sflag:$0x1], $0x3000, $0x38;
	[tilespmem:$0x159F0] =	vst v63  }
0x34: {  	_ =	swait.ge [sflag:s24], $0x3000  }
0x35: {  	[sflag:s24] =	ssyncset.done $0x0  }
0x36: {  	[sflag:s24] =	ssyncadd.s32 $0xFFFFD000  }
0x37: {  	[spmem:s18] =	stream.linear.scatter [tilespmem:s26], [sflag:$0x1], $0x800, $0x38;
	[tilespmem:$0x159F0] =	vst v63  }
0x38: {  	_ =	swait.ge [sflag:s24], $0x800  }
0x39: {  	[sflag:s24] =	ssyncset.done $0x0  }
0x3a: {  	[sflag:s24] =	ssyncadd.s32 $0xFFFFF800  }
0x3b: {  	[spmem:s19] =	stream.linear.scatter [tilespmem:s25], [sflag:$0x1], $0x3000, $0x38;
	[tilespmem:$0x159F0] =	vst v63  }
0x3c: {  	_ =	swait.ge [sflag:s24], $0x3000  }
0x3d: {  	[sflag:s24] =	ssyncset.done $0x0  }
0x3e: {  	[sflag:s24] =	ssyncadd.s32 $0xFFFFD000  }
0x3f: {  	[spmem:s20] =	stream.linear.scatter [tilespmem:s26], [sflag:$0x1], $0x800, $0x38;
	[tilespmem:$0x159F0] =	vst v63  }
0x40: {  	_ =	swait.ge [sflag:s24], $0x800  }
0x41: {  	[sflag:s24] =	ssyncset.done $0x0  }
0x42: {  	[sflag:s24] =	ssyncadd.s32 $0xFFFFF800  }
0x43: {  	[spmem:s21] =	stream.linear.scatter [tilespmem:s25], [sflag:$0x1], $0x3000, $0x38;
	[tilespmem:$0x159F0] =	vst v63  }
0x44: {  	_ =	swait.ge [sflag:s24], $0x3000  }
0x45: {  	[sflag:s24] =	ssyncset.done $0x0  }
0x46: {  	[sflag:s24] =	ssyncadd.s32 $0xFFFFD000  }
0x47: {  	[spmem:s22] =	stream.linear.scatter [tilespmem:s26], [sflag:$0x1], $0x800, $0x38;
	[tilespmem:$0x159F0] =	vst v63  }
0x48: {  	_ =	swait.ge [sflag:s24], $0x800  }
0x49: {  	[sflag:s24] =	ssyncset.done $0x0  }
0x4a: {  	[sflag:s24] =	ssyncadd.s32 $0xFFFFF800  }
0x4b: {  	s7 =	simm.s32 $0x40;
	[bflag:$0x0] =	sbarrier.arrive $0xFFFF  }
0x4c: {  	v1 =	vld [tilespmem:s7+$0xFFFFFFC0];
	_ =	sdelay $0x2  }
0x4d: {  	s8 =	sshll.u32 s6, $0xD  }
0x4e: {  	v0 =	vmov s8  }
0x4f: {  	v1 =	vsub.s32 v1, v0  }
0x50: {  	v1 =	vmin.u32 v1, $0x2000  }
0x51: {  	[tilespmem:$0x900] =	vst v1  }
0x52: {  	v1 =	vld [tilespmem:s7+$0xFFFFFFD0];
	_ =	sdelay $0x4  }
0x53: {  	v1 =	vsub.s32 v1, v0  }
0x54: {  	v1 =	vmin.u32 v1, $0x2000  }
0x55: {  	[tilespmem:$0x910] =	vst v1  }
0x56: {  	v1 =	vld [tilespmem:s7+$0xFFFFFFE0];
	_ =	sdelay $0x4  }
0x57: {  	v1 =	vsub.s32 v1, v0  }
0x58: {  	v1 =	vmin.u32 v1, $0x2000  }
0x59: {  	[tilespmem:$0x920] =	vst v1  }
0x5a: {  	v1 =	vld [tilespmem:s7+$0xFFFFFFF0];
	_ =	sdelay $0x4  }
0x5b: {  	v1 =	vsub.s32 v1, v0  }
0x5c: {  	v1 =	vmin.u32 v1, $0x2000  }
0x5d: {  	[tilespmem:$0x930] =	vst v1  }
0x5e: {  	v1 =	vld [tilespmem:s7+$0x0];
	_ =	sdelay $0x4  }
0x5f: {  	v1 =	vsub.s32 v1, v0  }
0x60: {  	v1 =	vmin.u32 v1, $0x2000  }
0x61: {  	[tilespmem:$0x940] =	vst v1  }
0x62: {  	v1 =	vld [tilespmem:s7+$0x10];
	_ =	sdelay $0x4  }
0x63: {  	v1 =	vsub.s32 v1, v0  }
0x64: {  	v1 =	vmin.u32 v1, $0x2000  }
0x65: {  	[tilespmem:$0x950] =	vst v1  }
0x66: {  	v1 =	vld [tilespmem:s7+$0x20];
	_ =	sdelay $0x4  }
0x67: {  	v1 =	vsub.s32 v1, v0  }
0x68: {  	v1 =	vmin.u32 v1, $0x2000  }
0x69: {  	[tilespmem:$0x960] =	vst v1  }
0x6a: {  	v1 =	vld [tilespmem:s7+$0x30];
	_ =	sdelay $0x4  }
0x6b: {  	v1 =	vsub.s32 v1, v0  }
0x6c: {  	v1 =	vmin.u32 v1, $0x2000  }
0x6d: {  	s10 =	sadd.s32 $0x0, s23;
	[tilespmem:$0x970] =	vst v1  }
0x6e: {  	[tilespmem:s29], [sflag:$0x1] =	stream.linear.gather [hbm4b:s10+s5], $0x3000, $0x38;
	[tilespmem:$0x159F0] =	vst v63  }
0x6f: {  	_ =	swait.ge [sflag:s24], $0x3000  }
0x70: {  	[sflag:s24] =	ssyncset.done $0x0  }
0x71: {  	[sflag:s24] =	ssyncadd.s32 $0xFFFFD000  }
0x72: {  	[spmem:s3] =	stream.indirect.scatter.add.f32 [tilespmem:s29], [sflag:$0x1], $0x60, s31, s30, $0xb8;
	[tilespmem:$0x159F0] =	vst v63  }
0x73: {  	_ =	swait.ge [sflag:s24], $0x3000  }
0x74: {  	[sflag:s24] =	ssyncset.done $0x0  }
0x75: {  	[sflag:s24] =	ssyncadd.s32 $0xFFFFD000  }
0x76: {  	[spmem:s4] =	stream.indirect.scatter.add.f32 [tilespmem:s28], [sflag:$0x1], $0x10, s31, s30, $0xb8;
	[tilespmem:$0x159F0] =	vst v63  }
0x77: {  	_ =	swait.ge [sflag:s24], $0x800  }
0x78: {  	s10 =	simm.s32 $0x600;
	[sflag:s24] =	ssyncset.done $0x0  }
.LBB2_3:
0x79: {  	p0 =	sne.s32 s10, $0x6600;
	[sflag:s24] =	ssyncadd.s32 $0xFFFFF800;
	s7 =	sadd.s32 $0x80, s7  }
0x7a: {  	s16 =	smov.u32 s10;
	s10 =	sadd.s32 $0x600, s10;
	v1 =	vld [tilespmem:s7+$0xFFFFFFC0];
	_ =	sdelay $0x4  }
0x7b: {  	v1 =	vsub.s32 v1, v0  }
0x7c: {  	v1 =	vmin.u32 v1, $0x2000  }
0x7d: {  	[tilespmem:$0x900] =	vst v1  }
0x7e: {  	v1 =	vld [tilespmem:s7+$0xFFFFFFD0];
	_ =	sdelay $0x4  }
0x7f: {  	v1 =	vsub.s32 v1, v0  }
0x80: {  	v1 =	vmin.u32 v1, $0x2000  }
0x81: {  	[tilespmem:$0x910] =	vst v1  }
0x82: {  	v1 =	vld [tilespmem:s7+$0xFFFFFFE0];
	_ =	sdelay $0x4  }
0x83: {  	v1 =	vsub.s32 v1, v0  }
0x84: {  	v1 =	vmin.u32 v1, $0x2000  }
0x85: {  	[tilespmem:$0x920] =	vst v1  }
0x86: {  	v1 =	vld [tilespmem:s7+$0xFFFFFFF0];
	_ =	sdelay $0x4  }
0x87: {  	v1 =	vsub.s32 v1, v0  }
0x88: {  	v1 =	vmin.u32 v1, $0x2000  }
0x89: {  	[tilespmem:$0x930] =	vst v1  }
0x8a: {  	v1 =	vld [tilespmem:s7+$0x0];
	_ =	sdelay $0x4  }
0x8b: {  	v1 =	vsub.s32 v1, v0  }
0x8c: {  	v1 =	vmin.u32 v1, $0x2000  }
0x8d: {  	[tilespmem:$0x940] =	vst v1  }
0x8e: {  	v1 =	vld [tilespmem:s7+$0x10];
	_ =	sdelay $0x4  }
0x8f: {  	v1 =	vsub.s32 v1, v0  }
0x90: {  	v1 =	vmin.u32 v1, $0x2000  }
0x91: {  	[tilespmem:$0x950] =	vst v1  }
0x92: {  	v1 =	vld [tilespmem:s7+$0x20];
	_ =	sdelay $0x4  }
0x93: {  	v1 =	vsub.s32 v1, v0  }
0x94: {  	v1 =	vmin.u32 v1, $0x2000  }
0x95: {  	[tilespmem:$0x960] =	vst v1  }
0x96: {  	v1 =	vld [tilespmem:s7+$0x30];
	_ =	sdelay $0x4  }
0x97: {  	v1 =	vsub.s32 v1, v0  }
0x98: {  	v1 =	vmin.u32 v1, $0x2000  }
0x99: {  	s16 =	sadd.s32 s16, s23;
	[tilespmem:$0x970] =	vst v1  }
0x9a: {  	[tilespmem:s29], [sflag:$0x1] =	stream.linear.gather [hbm4b:s16+s5], $0x3000, $0x38;
	[tilespmem:$0x159F0] =	vst v63  }
0x9b: {  	_ =	swait.ge [sflag:s24], $0x3000  }
0x9c: {  	[sflag:s24] =	ssyncset.done $0x0  }
0x9d: {  	[sflag:s24] =	ssyncadd.s32 $0xFFFFD000  }
0x9e: {  	[spmem:s3] =	stream.indirect.scatter.add.f32 [tilespmem:s29], [sflag:$0x1], $0x60, s31, s30, $0xb8;
	[tilespmem:$0x159F0] =	vst v63  }
0x9f: {  	_ =	swait.ge [sflag:s24], $0x3000  }
.Ltmp0:
0xa0: {  	[sflag:s24] =	ssyncset.done $0x0;
	(pc) =	sbr.rel @p0 .LBB2_3-.Ltmp0, $4  }
0xa1: {  	[sflag:s24] =	ssyncadd.s32 $0xFFFFD000  }
0xa2: {  	[spmem:s4] =	stream.indirect.scatter.add.f32 [tilespmem:s28], [sflag:$0x1], $0x10, s31, s30, $0xb8;
	[tilespmem:$0x159F0] =	vst v63  }
0xa3: {  	_ =	swait.ge [sflag:s24], $0x800  }
0xa4: {  	[sflag:s24] =	ssyncset.done $0x0  }
0xa5: {  	s7 =	sor.u32 s11, s8  }
0xa6: {  	s8 =	smul.u32 $0x60, s7;
	_ =	sdelay $0x1  }
0xa7: {  	[sflag:s24] =	ssyncadd.s32 $0xFFFFF800;
	s10 =	sshll.u32 s0, $0x6;
	s8 =	sadd.s32 s12, s8  }
0xa8: {  	s16 =	sshrl.u32 s13, $0x3;
	[bflag:$0x0] =	sbarrier.arrive $0xFFFF;
	s8 =	sshrl.u32 s8, $0x3  }
0xa9: {  	s10 =	sor.u32 $0x1C01, s10;
	s7 =	sshll.u32 s7, $0x4;
	s8 =	sadd.s32 s1, s8  }
0xaa: {  	[hbm:s8], [sflag:s10] =	dma.local [spmem:s16], $0x1800  }
0xab: {  	s6 =	sadd.s32 $0x1, s6;
	s7 =	sadd.s32 s14, s7;
	_ =	swait.ge [sflag:s24], $0x1800  }
0xac: {  	p0 =	sne.s32 s6, $0x12;
	s7 =	sshrl.u32 s7, $0x3;
	[sflag:s24] =	ssyncset.done $0x0  }
0xad: {  	s7 =	sadd.s32 s9, s7;
	s16 =	sshrl.u32 s15, $0x3;
	[sflag:s24] =	ssyncadd.s32 $0xFFFFE800  }
0xae: {  	[hbm:s7], [sflag:s10] =	dma.local [spmem:s16], $0x400  }
.Ltmp1:
0xaf: {  	_ =	swait.ge [sflag:s24], $0x400;
	(pc) =	sbr.rel @p0 .LBB2_2-.Ltmp1, $3  }
0xb0: {  	[sflag:s24] =	ssyncset.done $0x0  }
0xb1: {  	[sflag:s24] =	ssyncadd.s32 $0xFFFFFC00  }
0xb2: {  	[bflag:$0x0] =	sbarrier.arrive $0xFFFF;
	_ =	sdelay $0x1  }
0xb3: {  	s2 =	sadd.s32 $0x1, s2;
	s6 =	rddreg [dreg:$0x9]  }
0xb4: {  	p0 =	sne.s32 s2, s6  }
.Ltmp2:
0xb5: {  	_ = 	snop;
	(pc) =	sbr.rel @p0 .LBB2_1-.Ltmp2, $1  }
0xb6: {  	_ =	sdelay $0x3  }
0xb7: {  	_ =	sfence.sel $0x180000  }
0xb8: {  	[bflag:$0x0] =	sbarrier.arrive $0xFFFF  }
0xb9: {  	_ =	strace $0x9000004A  }
0xba: {  	[bflag:$0x2] =	sbarrier.arrive $0xFFFF  }
0xbb: {  	p0 =	sne.s32 s0, $0x0;
	s0 =	rddreg [dreg:$0x4]  }
0xbc: {  	s0 =	sadd.s32 @!p0 $0x100000, s0  }
0xbd: {  	[sflag:s0] =	ssyncadd.tile.s32 @!p0 $0x1;
	_ =	shalt  }
.Lfunc_end2:
_tile_overlayer_lowered:
.L_overlay_start_2:
0xbe: {  	(tag) =	ssettag $0x2  }
0xbf: {  	s0 =	rddreg [dreg:$0x0];
	s2 =	stileid.u32  }
0xc0: {  	s1 =	rddreg [dreg:$0x1];
	p0 =	sne.s32 s2, $0x0  }
0xc1: {  	s3 =	rddreg [dreg:$0x2];
	[bflag:$0x3] =	sbarrier.arrive $0xFFFF;
	s2 =	simm.s32 @!p0 $0x1C01  }
0xc2: {  	[timem:s3], [sflag:s2] =	dma.local @!p0 [hbm:s0], s1  }
0xc3: {  	s0 =	simm.s32 @!p0 $0x1  }
0xc4: {  	_ =	swait.ge @!p0 [sflag:s0], s1  }
0xc5: {  	s1 =	ssub.s32 @!p0 $0x0, s1;
	[sflag:s0] =	ssyncset.done @!p0 $0x0  }
0xc6: {  	[sflag:s0] =	ssyncadd.s32 @!p0 s1  }
0xc7: {  	[bflag:$0x3] =	sbarrier.arrive $0xFFFF  }
0xc8: {  	_ =	shalt  }

// kernel: kernel.7.cloned.1.call-start
scs
__scs_entry_jumppad:
0x0: {  	(pc) =	sbr.rel $0x88, $3  }
0x1: {  	(tag) =	ssettag $0x0;
	lr =	simm.s32 $0x1  }
0x2: {  	[smem:$0x3F98] =	sst lr;
	_ =	strace $0xD0000000  }
0x3: {  	_ = 	snop  }
0x4: {  	_ = 	snop  }
0x5: {  	_ = 	snop  }
0x6: {  	_ = 	snop  }
0x7: {  	_ = 	snop  }
__scs_overlays_trampoline_lowered:
0x8: {  	[smem:$0x3FA7] =	sst s0  }
0x9: {  	[smem:$0x3FA8] =	sst s1  }
0xa: {  	[smem:$0x3FA9] =	sst s2  }
0xb: {  	[smem:$0x3FAA] =	sst s3  }
0xc: {  	[smem:$0x3FAB] =	sst s4  }
0xd: {  	[smem:$0x3FAC] =	sst s5  }
0xe: {  	[smem:$0x3FAD] =	sst s6  }
0xf: {  	[smem:$0x3FAE] =	sst s7  }
0x10: {  	[smem:$0x3FAF] =	sst s8  }
0x11: {  	[smem:$0x3FB0] =	sst s9;
	s0 =	simm.s32 @!p0 $0x0  }
0x12: {  	s1 =	sld [smem:$0x3F96];
	s0 =	simm.s32 @p0 $0x1  }
0x13: {  	[smem:$0x3FB1] =	sst s0;
	s0 =	simm.s32 @!p1 $0x0  }
0x14: {  	s2 =	sld [smem:$0x3F95];
	s0 =	simm.s32 @p1 $0x1  }
0x15: {  	[smem:$0x3FB2] =	sst s0;
	s0 =	simm.s32 @!p2 $0x0  }
0x16: {  	s3 =	sld [smem:$0x3FDB];
	s0 =	simm.s32 @p2 $0x1  }
0x17: {  	s4 =	simm.s32 $0x1BF5;
	[smem:$0x3FB4] =	sst s0  }
0x18: {  	s0 =	sld [smem:$0x3F97];
	_ =	swait.ge [sflag:s4], $0x0  }
0x19: {  	s7 =	sld [smem:$0x3F98]  }
0x1a: {  	s8 =	sadd.s32 $0xFFFFE003, lr  }
0x1b: {  	s9 =	sadd.s32 $0xFFFFFEF7, lr;
	s5 =	simm.s32 $0xFFFFFFFF;
	p2 =	slt.u32 s8, $0xFFFFF086  }
0x1c: {  	p1 =	slt.u32 s9, $0xF7A;
	s5 =	simm.s32 @!p2 $0x0  }
0x1d: {  	s5 =	simm.s32 @p1 $0x1;
	p0 =	seq.s32 s7, s2  }
0x1e: {  	s7 =	smul.u32 @!p0 $0xF7A, s2;
	p2 =	seq.s32 @!p0 s5, $0x0  }
0x1f: {  	s9 =	smul.u32 $0xF7A, s1;
	s8 =	simm.s32 @!p0 $0x1BF5;
	p2 =	por !p2, p0  }
0x20: {  	[sflag:s8] =	ssyncset.s32 @!p0 $0xFFFFF086;
	s6 =	sadd.s32 @!p0 s3, s7;
	s7 =	simm.s32 @!p0 $0x108  }
0x21: {  	s3 =	sadd.s32 s3, s9;
	s6 =	sadd.s32 @!p0 $0x88, s6;
	s7 =	simm.s32 @p2 $0x1082  }
0x22: {  	[simem:s7], [sflag:s8] =	dma.local @!p0 [hbm:s6], $0xF7A  }
0x23: {  	s9 =	sor.u32 $0xD0000000, s2;
	s6 =	simm.s32 $0x108;
	_ =	swait.ge @!p0 [sflag:s8], $0x0  }
0x24: {  	s3 =	sadd.s32 $0x88, s3;
	s6 =	simm.s32 @!p1 $0x1082;
	[sflag:s4] =	ssyncset.s32 $0xFFFFF086  }
0x25: {  	[simem:s6], [sflag:s4] =	dma.local [hbm:s3], $0xF7A  }
0x26: {  	[smem:$0x3F98] =	sst s1;
	(tag) =	ssettag s2;
	_ =	strace s9  }
0x27: {  	s1 =	sld [smem:$0x3FA8]  }
0x28: {  	s2 =	sld [smem:$0x3FA9]  }
0x29: {  	s4 =	sld [smem:$0x3FAB]  }
0x2a: {  	p0 =	seq.s32 s5, $0x0;
	s5 =	sld [smem:$0x3FAC]  }
0x2b: {  	s6 =	sld [smem:$0x3FAD]  }
0x2c: {  	s7 =	sld [smem:$0x3FAE]  }
0x2d: {  	s3 =	simm.s32 $0x108;
	s8 =	sld [smem:$0x3FAF]  }
0x2e: {  	s3 =	simm.s32 @!p0 $0x1082;
	s9 =	sld [smem:$0x3FB0]  }
0x2f: {  	lr =	sadd.s32 s0, s3;
	s0 =	sld [smem:$0x3FA7]  }
0x30: {  	s3 =	sld [smem:$0x3FAA]  }
0x31: {  	[smem:$0x3FB3] =	sst s10  }
0x32: {  	s10 =	sld [smem:$0x3FB1];
	_ =	sdelay $0x3  }
0x33: {  	p0 =	seq.s32 s10, $0x1;
	s10 =	sld [smem:$0x3FB3];
	_ =	sdelay $0x3  }
0x34: {  	[smem:$0x3FB3] =	sst s10  }
0x35: {  	s10 =	sld [smem:$0x3FB2];
	_ =	sdelay $0x3  }
0x36: {  	p1 =	seq.s32 s10, $0x1;
	s10 =	sld [smem:$0x3FB3];
	_ =	sdelay $0x3  }
0x37: {  	[smem:$0x3FB3] =	sst s10  }
0x38: {  	s10 =	sld [smem:$0x3FB4]  }
0x39: {  	_ = 	snop;
	(pc) =	sbr.ind lr, $3  }
0x3a: {  	_ = 	snop  }
0x3b: {  	_ = 	snop  }
0x3c: {  	p2 =	seq.s32 s10, $0x1;
	s10 =	sld [smem:$0x3FB3]  }
0x3d: {  	_ =	shalt  }
0x3e: {  	_ =	shalt  }
0x3f: {  	_ =	shalt  }
0x40: {  	_ =	shalt  }
0x41: {  	_ =	shalt  }
0x42: {  	_ =	shalt  }
0x43: {  	_ =	shalt  }
0x44: {  	_ =	shalt  }
0x45: {  	_ =	shalt  }
0x46: {  	_ =	shalt  }
0x47: {  	_ =	shalt  }
0x48: {  	_ =	shalt  }
0x49: {  	_ =	shalt  }
0x4a: {  	_ =	shalt  }
0x4b: {  	_ =	shalt  }
0x4c: {  	_ =	shalt  }
0x4d: {  	_ =	shalt  }
0x4e: {  	_ =	shalt  }
0x4f: {  	_ =	shalt  }
0x50: {  	_ =	shalt  }
0x51: {  	_ =	shalt  }
0x52: {  	_ =	shalt  }
0x53: {  	_ =	shalt  }
0x54: {  	_ =	shalt  }
0x55: {  	_ =	shalt  }
0x56: {  	_ =	shalt  }
0x57: {  	_ =	shalt  }
0x58: {  	_ =	shalt  }
0x59: {  	_ =	shalt  }
0x5a: {  	_ =	shalt  }
0x5b: {  	_ =	shalt  }
0x5c: {  	_ =	shalt  }
0x5d: {  	_ =	shalt  }
0x5e: {  	_ =	shalt  }
0x5f: {  	_ =	shalt  }
0x60: {  	_ =	shalt  }
0x61: {  	_ =	shalt  }
0x62: {  	_ =	shalt  }
0x63: {  	_ =	shalt  }
0x64: {  	_ =	shalt  }
0x65: {  	_ =	shalt  }
0x66: {  	_ =	shalt  }
0x67: {  	_ =	shalt  }
0x68: {  	_ =	shalt  }
0x69: {  	_ =	shalt  }
0x6a: {  	_ =	shalt  }
0x6b: {  	_ =	shalt  }
0x6c: {  	_ =	shalt  }
0x6d: {  	_ =	shalt  }
0x6e: {  	_ =	shalt  }
0x6f: {  	_ =	shalt  }
0x70: {  	_ =	shalt  }
0x71: {  	_ =	shalt  }
0x72: {  	_ =	shalt  }
0x73: {  	_ =	shalt  }
0x74: {  	_ =	shalt  }
0x75: {  	_ =	shalt  }
0x76: {  	_ =	shalt  }
0x77: {  	_ =	shalt  }
0x78: {  	_ =	shalt  }
0x79: {  	_ =	shalt  }
0x7a: {  	_ =	shalt  }
0x7b: {  	_ =	shalt  }
0x7c: {  	_ =	shalt  }
0x7d: {  	_ =	shalt  }
0x7e: {  	_ =	shalt  }
0x7f: {  	_ =	shalt  }
0x80: {  	_ =	shalt  }
0x81: {  	_ =	shalt  }
0x82: {  	_ =	shalt  }
0x83: {  	_ =	shalt  }
0x84: {  	_ =	shalt  }
0x85: {  	_ =	shalt  }
0x86: {  	_ =	shalt  }
0x87: {  	_ =	shalt  }
.Lfunc_end0:
.L_simem_size_0:
called_computation.1_lowered:
.L_overlay_start_0:
0x88: {  	s2 =	sld [smem:$0x3FD9]  }
0x89: {  	s3 =	sld [smem:$0x3FFE];
	_ =	sdelay $0x1  }
0x8a: {  	s1 =	srdreg.scid  }
0x8b: {  	s0 =	sand.u32 $0x1, s1  }
0x8c: {  	s17 =	sshll.u32 s0, $0xA;
	s2 =	sadd.s32 s3, s2  }
0x8d: {  	s2 =	sadd.s32 s2, s17  }
0x8e: {  	[smem:$0x3FBF] =	sst s2  }
0x8f: {  	_ = 	snop  }
0x90: {  	s2 =	sld [smem:$0x3FD0];
	(tm) =	ssettm $0x1  }
0x91: {  	s18 =	sld [smem:$0x3FFB];
	_ =	sdelay $0x3  }
0x92: {  	_ =	strace s18  }
0x93: {  	s3 =	sld [smem:$0x3FFC];
	_ =	sdelay $0x3  }
0x94: {  	_ =	strace s3  }
0x95: {  	s3 =	sld [smem:$0x3FFD];
	_ =	sdelay $0x3  }
0x96: {  	_ =	strace s3  }
0x97: {  	_ =	strace $0x8FFFFFFF  }
0x98: {  	s19 =	sld [smem:$0x3FDB];
	_ =	sdelay $0x1  }
0x99: {  	s4 =	simm.s32 $_scs_section_size  }
0x9a: {  	s5 =	simm.s32 $_size__tile_overlayer_lowered;
	s6 =	simm.s32 $_tile_overlayer_lowered  }
0x9b: {  	s22 =	simm.s32 $0x1BFF;
	s21 =	sshll.u32 s6, $0x1;
	s3 =	sadd.s32 s4, s19  }
0x9c: {  	s7 =	simm.s32 $0x0;
	s20 =	sshll.u32 s5, $0x1;
	s5 =	sadd.s32 s21, s3  }
0x9d: {  	[timem:s7], [sflag:s22] =	dma.local [hbm:s5], s20  }
0x9e: {  	_ =	swait.ge [sflag:s22], s20  }
0x9f: {  	s4 =	ssub.s32 $0x0, s20;
	[sflag:s22] =	ssyncset.done $0x0  }
0xa0: {  	[sflag:s22] =	ssyncadd.s32 s4;
	_ =	sdelay $0x1  }
0xa1: {  	s23 =	simm.s32 $0x1B8B  }
0xa2: {  	_ =	swait.ge [sflag:s23], $0x1  }
0xa3: {  	[sflag:s23] =	ssyncset.done $0x0  }
0xa4: {  	s25 =	simm.s32 $0x1B8E;
	s24 =	sld [smem:$0x3FFE];
	[sflag:s23] =	ssyncadd.s32 $0xFFFFFFFF  }
0xa5: {  	s26 =	simm.s32 $execute0_lowered;
	[smem:$0x3FD2] =	sst s25  }
0xa6: {  	s5 =	sshll.u32 s26, $0x1;
	_ =	strace $0x80000046;
	[dreg:$0x1] =	wrdreg $0xFFFFFFFF  }
0xa7: {  	s28 =	simm.s32 $_size_execute0_lowered;
	s3 =	sadd.s32 s3, s5;
	[dreg:$0x0] =	wrdreg $0x0  }
0xa8: {  	s5 =	sshll.u32 s28, $0x1;
	[dreg:$0x2] =	wrdreg s3  }
0xa9: {  	[dreg:$0x3] =	wrdreg s5  }
0xaa: {  	[dreg:$0x4] =	wrdreg $0xC0  }
0xab: {  	_ =	task [dreg:s7], $0x5FFFF  }
0xac: {  	[dreg:$0x1] =	wrdreg $0xFFFFFFFF  }
0xad: {  	[dreg:$0x0] =	wrdreg $0x60  }
0xae: {  	[dreg:$0x2] =	wrdreg s2  }
0xaf: {  	[dreg:$0x3] =	wrdreg s24  }
0xb0: {  	[dreg:$0x4] =	wrdreg $0x9  }
0xb1: {  	_ =	task.clear_ibuf [dreg:s7], $0x5FFFF;
	_ =	strace $0x90000046  }
0xb2: {  	s29 =	simm.s32 $0x9;
	_ =	strace $0x80000048  }
0xb3: {  	_ =	swait.ge [sflag:s29], $0x1  }
0xb4: {  	[sflag:s29] =	ssyncadd.s32 $0xFFFFFFFF  }
0xb5: {  	_ =	strace $0x90000048  }
0xb6: {  	_ =	sfence  }
0xb7: {  	s30 =	sld [smem:$0x0];
	_ =	sdelay $0x2  }
0xb8: {  	s31 =	sshll.u32 s1, $0xD;
	s1 =	sshrl.u32 s1, $0x2  }
0xb9: {  	s3 =	sand.u32 $0x4000, s31;
	s1 =	sadd.s32 s1, s30  }
0xba: {  	s0 =	sor.u32 s3, s0;
	s1 =	sshll.u32 s1, $0x11  }
0xbb: {  	s0 =	sor.u32 s1, s0  }
0xbc: {  	s0 =	sadd.s32 $0x8F2B, s0  }
0xbd: {  	[sflag:s0] =	ssyncadd.remote.s32 $0x1  }
0xbe: {  	_ =	sfence.sel $0xFFFF  }
0xbf: {  	[dreg:$0x0] =	wrdreg $0xFFFFFFFF;
	(pc) =	sbr.abs _section_cstart, $3  }
0xc0: {  	[dreg:$0x1] =	wrdreg $0xFFFFFFFF  }
0xc1: {  	_ =	task.clear_ibuf [dreg:s7], $0x2FFFF;
	_ =	strace $0x9FFFFFFF  }
0xc2: {  	(tm) =	ssettm $0x7FFFFFFF  }
0xc3: {  	_ =	shalt  }
tec
execute0_lowered:
.L_overlay_start_1:
0x0: {  	(tag) =	ssettag $0x1  }
0x1: {  	s1 =	srdreg.scid;
	s0 =	stileid.u32  }
0x2: {  	s1 =	sand.u32 $0x1, s1;
	s3 =	sshll.u32 s0, $0x1  }
0x3: {  	s2 =	rddreg [dreg:$0x0];
	s5 =	sor.u32 s1, s3  }
0x4: {  	s4 =	rddreg [dreg:$0x1];
	s3 =	simm.s32 $0x0;
	s6 =	smul.u32 $0x120, s5  }
0x5: {  	[smem:$0x7FF] =	sst s3;
	s7 =	smul.u32 $0x36000, s5  }
0x6: {  	s5 =	smul.u32 $0x6C00, s5;
	_ =	strace $0x80000047;
	s6 =	sadd.s32 s6, s4  }
0x7: {  	s4 =	sadd.s32 $0x489C00, s4;
	s7 =	sshrl.u32 s7, $0x3;
	s6 =	sadd.s32 $0x7800, s6  }
0x8: {  	s5 =	sadd.s32 s4, s5;
	s31 =	sadd.s32 s4, s7;
	[dreg:$0x3] =	wrdreg s6  }
0x9: {  	[dreg:$0x4] =	wrdreg s5;
	s4 =	sadd.s32 $0x600, s31  }
0xa: {  	s15 =	sadd.s32 $0xC00, s31;
	[dreg:$0x5] =	wrdreg s4  }
0xb: {  	s16 =	sadd.s32 $0x1200, s31;
	[dreg:$0x6] =	wrdreg s15  }
0xc: {  	s17 =	sadd.s32 $0x1800, s31;
	[dreg:$0x7] =	wrdreg s16  }
0xd: {  	s18 =	sadd.s32 $0x1E00, s31;
	[dreg:$0x8] =	wrdreg s17  }
0xe: {  	s19 =	sadd.s32 $0x2400, s31;
	[dreg:$0x9] =	wrdreg s18  }
0xf: {  	s20 =	sadd.s32 $0x2A00, s31;
	[dreg:$0xa] =	wrdreg s19  }
0x10: {  	s21 =	sadd.s32 $0x3000, s31;
	[dreg:$0xb] =	wrdreg s20  }
0x11: {  	s22 =	sadd.s32 $0x3600, s31;
	[dreg:$0xc] =	wrdreg s21  }
0x12: {  	s23 =	sadd.s32 $0x3C00, s31;
	[dreg:$0xd] =	wrdreg s22  }
0x13: {  	[dreg:$0xe] =	wrdreg s23  }
0x14: {  	s24 =	sadd.s32 $0x4200, s31;
	s25 =	rddreg [dreg:$0x3]  }
0x15: {  	s26 =	sadd.s32 $0x4800, s31;
	[dreg:$0xf] =	wrdreg s24  }
0x16: {  	[dreg:$0x10] =	wrdreg s26;
	s4 =	simm.s32 $0x3  }
0x17: {  	[tilespmem:s3], [sflag:$0x3] =	stream.linear.gather [hbm4b:s25+s3], $0x900, $0x38;
	[tilespmem:$0x6900] =	vst v63  }
0x18: {  	_ =	swait.ge [sflag:s4], $0x900  }
0x19: {  	[sflag:s4] =	ssyncset.done $0x0  }
0x1a: {  	s5 =	simm.s32 $0x80;
	s6 =	simm.s32 $0x900;
	[sflag:s4] =	ssyncadd.s32 $0xFFFFF700  }
0x1b: {  	[tilespmem:s6], [sflag:$0x1] =	stream.indirect.gather [hbm4b:s2+s5], $0x60, s3, s5, $0xb8;
	[tilespmem:$0x6900] =	vst v63  }
0x1c: {  	s8 =	simm.s32 $0x1;
	s7 =	simm.s32 $0x3900  }
0x1d: {  	[tilespmem:s7], [sflag:$0x1] =	stream.indirect.gather [hbm4b:s2+s5], $0x60, s5, s5, $0xb8;
	[tilespmem:$0x6900] =	vst v63  }
0x1e: {  	_ =	swait.ge [sflag:s8], $0x3000  }
0x1f: {  	[sflag:s8] =	ssyncset.done $0x0  }
0x20: {  	s9 =	simm.s32 $0x2;
	s10 =	rddreg [dreg:$0x4];
	[sflag:s8] =	ssyncadd.s32 $0xFFFFD000  }
0x21: {  	[hbm4b:s10+s3] =	stream.linear.scatter [tilespmem:s6], [sflag:$0x2], $0x3000, $0x38;
	[tilespmem:$0x6900] =	vst v63  }
0x22: {  	_ =	swait.ge [sflag:s9], $0x3000  }
0x23: {  	[sflag:s9] =	ssyncset.done $0x0  }
0x24: {  	s10 =	simm.s32 $0x100;
	[sflag:s9] =	ssyncadd.s32 $0xFFFFD000  }
0x25: {  	[tilespmem:s6], [sflag:$0x1] =	stream.indirect.gather [hbm4b:s2+s5], $0x60, s10, s5, $0xb8;
	[tilespmem:$0x6900] =	vst v63  }
0x26: {  	_ =	swait.ge [sflag:s8], $0x3000  }
0x27: {  	[sflag:s8] =	ssyncset.done $0x0  }
0x28: {  	s11 =	rddreg [dreg:$0x5];
	[sflag:s8] =	ssyncadd.s32 $0xFFFFD000  }
0x29: {  	[hbm4b:s11+s3] =	stream.linear.scatter [tilespmem:s7], [sflag:$0x2], $0x3000, $0x38;
	[tilespmem:$0x6900] =	vst v63  }
0x2a: {  	_ =	swait.ge [sflag:s9], $0x3000  }
0x2b: {  	[sflag:s9] =	ssyncset.done $0x0  }
0x2c: {  	s11 =	simm.s32 $0x180;
	[sflag:s9] =	ssyncadd.s32 $0xFFFFD000  }
0x2d: {  	[tilespmem:s7], [sflag:$0x1] =	stream.indirect.gather [hbm4b:s2+s5], $0x60, s11, s5, $0xb8;
	[tilespmem:$0x6900] =	vst v63  }
0x2e: {  	_ =	swait.ge [sflag:s8], $0x3000  }
0x2f: {  	[sflag:s8] =	ssyncset.done $0x0  }
0x30: {  	s12 =	rddreg [dreg:$0x6];
	[sflag:s8] =	ssyncadd.s32 $0xFFFFD000  }
0x31: {  	[hbm4b:s12+s3] =	stream.linear.scatter [tilespmem:s6], [sflag:$0x2], $0x3000, $0x38;
	[tilespmem:$0x6900] =	vst v63  }
0x32: {  	_ =	swait.ge [sflag:s9], $0x3000  }
0x33: {  	[sflag:s9] =	ssyncset.done $0x0  }
0x34: {  	s12 =	simm.s32 $0x200;
	[sflag:s9] =	ssyncadd.s32 $0xFFFFD000  }
0x35: {  	[tilespmem:s6], [sflag:$0x1] =	stream.indirect.gather [hbm4b:s2+s5], $0x60, s12, s5, $0xb8;
	[tilespmem:$0x6900] =	vst v63  }
0x36: {  	_ =	swait.ge [sflag:s8], $0x3000  }
0x37: {  	[sflag:s8] =	ssyncset.done $0x0  }
0x38: {  	s13 =	rddreg [dreg:$0x7];
	[sflag:s8] =	ssyncadd.s32 $0xFFFFD000  }
0x39: {  	[hbm4b:s13+s3] =	stream.linear.scatter [tilespmem:s7], [sflag:$0x2], $0x3000, $0x38;
	[tilespmem:$0x6900] =	vst v63  }
0x3a: {  	_ =	swait.ge [sflag:s9], $0x3000  }
0x3b: {  	[sflag:s9] =	ssyncset.done $0x0  }
0x3c: {  	s13 =	simm.s32 $0x280;
	[sflag:s9] =	ssyncadd.s32 $0xFFFFD000  }
0x3d: {  	[tilespmem:s7], [sflag:$0x1] =	stream.indirect.gather [hbm4b:s2+s5], $0x60, s13, s5, $0xb8;
	[tilespmem:$0x6900] =	vst v63  }
0x3e: {  	_ =	swait.ge [sflag:s8], $0x3000  }
0x3f: {  	[sflag:s8] =	ssyncset.done $0x0  }
0x40: {  	s14 =	rddreg [dreg:$0x8];
	[sflag:s8] =	ssyncadd.s32 $0xFFFFD000  }
0x41: {  	[hbm4b:s14+s3] =	stream.linear.scatter [tilespmem:s6], [sflag:$0x2], $0x3000, $0x38;
	[tilespmem:$0x6900] =	vst v63  }
0x42: {  	_ =	swait.ge [sflag:s9], $0x3000  }
0x43: {  	[sflag:s9] =	ssyncset.done $0x0  }
0x44: {  	s14 =	simm.s32 $0x300;
	[sflag:s9] =	ssyncadd.s32 $0xFFFFD000  }
0x45: {  	[tilespmem:s6], [sflag:$0x1] =	stream.indirect.gather [hbm4b:s2+s5], $0x60, s14, s5, $0xb8;
	[tilespmem:$0x6900] =	vst v63  }
0x46: {  	_ =	swait.ge [sflag:s8], $0x3000  }
0x47: {  	[sflag:s8] =	ssyncset.done $0x0  }
0x48: {  	s15 =	rddreg [dreg:$0x9];
	[sflag:s8] =	ssyncadd.s32 $0xFFFFD000  }
0x49: {  	[hbm4b:s15+s3] =	stream.linear.scatter [tilespmem:s7], [sflag:$0x2], $0x3000, $0x38;
	[tilespmem:$0x6900] =	vst v63  }
0x4a: {  	_ =	swait.ge [sflag:s9], $0x3000  }
0x4b: {  	[sflag:s9] =	ssyncset.done $0x0  }
0x4c: {  	s15 =	simm.s32 $0x380;
	[sflag:s9] =	ssyncadd.s32 $0xFFFFD000  }
0x4d: {  	[tilespmem:s7], [sflag:$0x1] =	stream.indirect.gather [hbm4b:s2+s5], $0x60, s15, s5, $0xb8;
	[tilespmem:$0x6900] =	vst v63  }
0x4e: {  	_ =	swait.ge [sflag:s8], $0x3000  }
0x4f: {  	[sflag:s8] =	ssyncset.done $0x0  }
0x50: {  	s16 =	rddreg [dreg:$0xa];
	[sflag:s8] =	ssyncadd.s32 $0xFFFFD000  }
0x51: {  	[hbm4b:s16+s3] =	stream.linear.scatter [tilespmem:s6], [sflag:$0x2], $0x3000, $0x38;
	[tilespmem:$0x6900] =	vst v63  }
0x52: {  	_ =	swait.ge [sflag:s9], $0x3000  }
0x53: {  	[sflag:s9] =	ssyncset.done $0x0  }
0x54: {  	s16 =	simm.s32 $0x400;
	[sflag:s9] =	ssyncadd.s32 $0xFFFFD000  }
0x55: {  	[tilespmem:s6], [sflag:$0x1] =	stream.indirect.gather [hbm4b:s2+s5], $0x60, s16, s5, $0xb8;
	[tilespmem:$0x6900] =	vst v63  }
0x56: {  	_ =	swait.ge [sflag:s8], $0x3000  }
0x57: {  	[sflag:s8] =	ssyncset.done $0x0  }
0x58: {  	s17 =	rddreg [dreg:$0xb];
	[sflag:s8] =	ssyncadd.s32 $0xFFFFD000  }
0x59: {  	[hbm4b:s17+s3] =	stream.linear.scatter [tilespmem:s7], [sflag:$0x2], $0x3000, $0x38;
	[tilespmem:$0x6900] =	vst v63  }
0x5a: {  	_ =	swait.ge [sflag:s9], $0x3000  }
0x5b: {  	[sflag:s9] =	ssyncset.done $0x0  }
0x5c: {  	s17 =	simm.s32 $0x480;
	[sflag:s9] =	ssyncadd.s32 $0xFFFFD000  }
0x5d: {  	[tilespmem:s7], [sflag:$0x1] =	stream.indirect.gather [hbm4b:s2+s5], $0x60, s17, s5, $0xb8;
	[tilespmem:$0x6900] =	vst v63  }
0x5e: {  	_ =	swait.ge [sflag:s8], $0x3000  }
0x5f: {  	[sflag:s8] =	ssyncset.done $0x0  }
0x60: {  	s18 =	rddreg [dreg:$0xc];
	[sflag:s8] =	ssyncadd.s32 $0xFFFFD000  }
0x61: {  	[hbm4b:s18+s3] =	stream.linear.scatter [tilespmem:s6], [sflag:$0x2], $0x3000, $0x38;
	[tilespmem:$0x6900] =	vst v63  }
0x62: {  	_ =	swait.ge [sflag:s9], $0x3000  }
0x63: {  	[sflag:s9] =	ssyncset.done $0x0  }
0x64: {  	s18 =	simm.s32 $0x500;
	[sflag:s9] =	ssyncadd.s32 $0xFFFFD000  }
0x65: {  	[tilespmem:s6], [sflag:$0x1] =	stream.indirect.gather [hbm4b:s2+s5], $0x60, s18, s5, $0xb8;
	[tilespmem:$0x6900] =	vst v63  }
0x66: {  	_ =	swait.ge [sflag:s8], $0x3000  }
0x67: {  	[sflag:s8] =	ssyncset.done $0x0  }
0x68: {  	s19 =	rddreg [dreg:$0xd];
	[sflag:s8] =	ssyncadd.s32 $0xFFFFD000  }
0x69: {  	[hbm4b:s19+s3] =	stream.linear.scatter [tilespmem:s7], [sflag:$0x2], $0x3000, $0x38;
	[tilespmem:$0x6900] =	vst v63  }
0x6a: {  	_ =	swait.ge [sflag:s9], $0x3000  }
0x6b: {  	[sflag:s9] =	ssyncset.done $0x0  }
0x6c: {  	s19 =	simm.s32 $0x580;
	[sflag:s9] =	ssyncadd.s32 $0xFFFFD000  }
0x6d: {  	[tilespmem:s7], [sflag:$0x1] =	stream.indirect.gather [hbm4b:s2+s5], $0x60, s19, s5, $0xb8;
	[tilespmem:$0x6900] =	vst v63  }
0x6e: {  	_ =	swait.ge [sflag:s8], $0x3000  }
0x6f: {  	[sflag:s8] =	ssyncset.done $0x0  }
0x70: {  	s20 =	rddreg [dreg:$0xe];
	[sflag:s8] =	ssyncadd.s32 $0xFFFFD000  }
0x71: {  	[hbm4b:s20+s3] =	stream.linear.scatter [tilespmem:s6], [sflag:$0x2], $0x3000, $0x38;
	[tilespmem:$0x6900] =	vst v63  }
0x72: {  	_ =	swait.ge [sflag:s9], $0x3000  }
0x73: {  	[sflag:s9] =	ssyncset.done $0x0  }
0x74: {  	s20 =	simm.s32 $0x600;
	[sflag:s9] =	ssyncadd.s32 $0xFFFFD000  }
0x75: {  	[tilespmem:s6], [sflag:$0x1] =	stream.indirect.gather [hbm4b:s2+s5], $0x60, s20, s5, $0xb8;
	[tilespmem:$0x6900] =	vst v63  }
0x76: {  	_ =	swait.ge [sflag:s8], $0x3000  }
0x77: {  	[sflag:s8] =	ssyncset.done $0x0  }
0x78: {  	s21 =	rddreg [dreg:$0xf];
	[sflag:s8] =	ssyncadd.s32 $0xFFFFD000  }
0x79: {  	[hbm4b:s21+s3] =	stream.linear.scatter [tilespmem:s7], [sflag:$0x2], $0x3000, $0x38;
	[tilespmem:$0x6900] =	vst v63  }
0x7a: {  	_ =	swait.ge [sflag:s9], $0x3000  }
0x7b: {  	[sflag:s9] =	ssyncset.done $0x0  }
0x7c: {  	s21 =	simm.s32 $0x680;
	[sflag:s9] =	ssyncadd.s32 $0xFFFFD000  }
0x7d: {  	[tilespmem:s7], [sflag:$0x1] =	stream.indirect.gather [hbm4b:s2+s5], $0x60, s21, s5, $0xb8;
	[tilespmem:$0x6900] =	vst v63  }
0x7e: {  	_ =	swait.ge [sflag:s8], $0x3000  }
0x7f: {  	[sflag:s8] =	ssyncset.done $0x0  }
0x80: {  	s22 =	rddreg [dreg:$0x10];
	[sflag:s8] =	ssyncadd.s32 $0xFFFFD000  }
0x81: {  	[hbm4b:s22+s3] =	stream.linear.scatter [tilespmem:s6], [sflag:$0x2], $0x3000, $0x38;
	[tilespmem:$0x6900] =	vst v63  }
0x82: {  	_ =	swait.ge [sflag:s9], $0x3000  }
0x83: {  	[sflag:s9] =	ssyncset.done $0x0  }
0x84: {  	s22 =	simm.s32 $0x700;
	[sflag:s9] =	ssyncadd.s32 $0xFFFFD000  }
0x85: {  	[tilespmem:s6], [sflag:$0x1] =	stream.indirect.gather [hbm4b:s2+s5], $0x60, s22, s5, $0xb8;
	[tilespmem:$0x6900] =	vst v63  }
0x86: {  	_ =	swait.ge [sflag:s8], $0x3000  }
0x87: {  	[sflag:s8] =	ssyncset.done $0x0  }
0x88: {  	s23 =	sadd.s32 $0x4E00, s31;
	[sflag:s8] =	ssyncadd.s32 $0xFFFFD000  }
0x89: {  	[hbm4b:s23+s3] =	stream.linear.scatter [tilespmem:s7], [sflag:$0x2], $0x3000, $0x38;
	[tilespmem:$0x6900] =	vst v63  }
0x8a: {  	_ =	swait.ge [sflag:s9], $0x3000  }
0x8b: {  	[sflag:s9] =	ssyncset.done $0x0  }
0x8c: {  	s24 =	simm.s32 $0x780;
	[sflag:s9] =	ssyncadd.s32 $0xFFFFD000  }
0x8d: {  	[tilespmem:s7], [sflag:$0x1] =	stream.indirect.gather [hbm4b:s2+s5], $0x60, s24, s5, $0xb8;
	[tilespmem:$0x6900] =	vst v63  }
0x8e: {  	_ =	swait.ge [sflag:s8], $0x3000  }
0x8f: {  	[sflag:s8] =	ssyncset.done $0x0  }
0x90: {  	s25 =	sadd.s32 $0x5400, s31;
	[sflag:s8] =	ssyncadd.s32 $0xFFFFD000  }
0x91: {  	[hbm4b:s25+s3] =	stream.linear.scatter [tilespmem:s6], [sflag:$0x2], $0x3000, $0x38;
	[tilespmem:$0x6900] =	vst v63  }
0x92: {  	_ =	swait.ge [sflag:s9], $0x3000  }
0x93: {  	[sflag:s9] =	ssyncset.done $0x0  }
0x94: {  	s26 =	simm.s32 $0x800;
	[sflag:s9] =	ssyncadd.s32 $0xFFFFD000  }
0x95: {  	[tilespmem:s6], [sflag:$0x1] =	stream.indirect.gather [hbm4b:s2+s5], $0x60, s26, s5, $0xb8;
	[tilespmem:$0x6900] =	vst v63  }
0x96: {  	_ =	swait.ge [sflag:s8], $0x3000  }
0x97: {  	[sflag:s8] =	ssyncset.done $0x0  }
0x98: {  	s28 =	sadd.s32 $0x5A00, s31;
	[sflag:s8] =	ssyncadd.s32 $0xFFFFD000  }
0x99: {  	[hbm4b:s28+s3] =	stream.linear.scatter [tilespmem:s7], [sflag:$0x2], $0x3000, $0x38;
	[tilespmem:$0x6900] =	vst v63  }
0x9a: {  	_ =	swait.ge [sflag:s9], $0x3000  }
0x9b: {  	[sflag:s9] =	ssyncset.done $0x0  }
0x9c: {  	s29 =	simm.s32 $0x880;
	[sflag:s9] =	ssyncadd.s32 $0xFFFFD000  }
0x9d: {  	[tilespmem:s7], [sflag:$0x1] =	stream.indirect.gather [hbm4b:s2+s5], $0x60, s29, s5, $0xb8;
	[tilespmem:$0x6900] =	vst v63  }
0x9e: {  	_ =	swait.ge [sflag:s8], $0x3000  }
0x9f: {  	s1 =	ssub.s32 $0x2, s1;
	[sflag:s8] =	ssyncset.done $0x0  }
0xa0: {  	s0 =	sshrl.u32 s1, $0x1;
	s30 =	sadd.s32 $0x6000, s31;
	[sflag:s8] =	ssyncadd.s32 $0xFFFFD000  }
0xa1: {  	[hbm4b:s30+s3] =	stream.linear.scatter [tilespmem:s6], [sflag:$0x2], $0x3000, $0x38;
	[tilespmem:$0x6900] =	vst v63  }
0xa2: {  	s0 =	ssub.s32 s1, s0;
	_ =	swait.ge [sflag:s8], $0x3000  }
0xa3: {  	s0 =	smax.u32 s0, $0x1;
	[sflag:s8] =	ssyncset.done $0x0  }
0xa4: {  	p0 =	sne.s32 s0, $0x1;
	s31 =	sadd.s32 $0x6600, s31;
	[sflag:s8] =	ssyncadd.s32 $0xFFFFD000  }
0xa5: {  	[hbm4b:s31+s3] =	stream.linear.scatter [tilespmem:s7], [sflag:$0x2], $0x3000, $0x38;
	[tilespmem:$0x6900] =	vst v63  }
.Ltmp0:
0xa6: {  	_ =	swait.ge [sflag:s9], $0x3000;
	(pc) =	sbr.rel @!p0 .LBB2_2-.Ltmp0, $4  }
0xa7: {  	[sflag:s9] =	ssyncset.done $0x0  }
0xa8: {  	[sflag:s9] =	ssyncadd.s32 $0xFFFFD000  }
0xa9: {  	_ =	swait.ge [sflag:s9], $0x3000  }
0xaa: {  	s1 =	sadd.s32 $0xFFFFFFFF, s0;
	[sflag:s9] =	ssyncset.done $0x0  }
.LBB2_1:
0xab: {  	s0 =	rddreg [dreg:$0x3];
	[sflag:s9] =	ssyncadd.s32 $0xFFFFD000  }
0xac: {  	[tilespmem:s3], [sflag:$0x3] =	stream.linear.gather [hbm4b:s0+s3], $0x900, $0x38;
	[tilespmem:$0x6900] =	vst v63  }
0xad: {  	_ =	swait.ge [sflag:s4], $0x900  }
0xae: {  	[sflag:s4] =	ssyncset.done $0x0  }
0xaf: {  	[sflag:s4] =	ssyncadd.s32 $0xFFFFF700  }
0xb0: {  	[tilespmem:s6], [sflag:$0x1] =	stream.indirect.gather [hbm4b:s2+s5], $0x60, s3, s5, $0xb8;
	[tilespmem:$0x6900] =	vst v63  }
0xb1: {  	_ = 	snop  }
0xb2: {  	[tilespmem:s7], [sflag:$0x1] =	stream.indirect.gather [hbm4b:s2+s5], $0x60, s5, s5, $0xb8;
	[tilespmem:$0x6900] =	vst v63  }
0xb3: {  	_ =	swait.ge [sflag:s8], $0x3000  }
0xb4: {  	[sflag:s8] =	ssyncset.done $0x0  }
0xb5: {  	s0 =	rddreg [dreg:$0x4];
	[sflag:s8] =	ssyncadd.s32 $0xFFFFD000  }
0xb6: {  	[hbm4b:s0+s3] =	stream.linear.scatter [tilespmem:s6], [sflag:$0x2], $0x3000, $0x38;
	[tilespmem:$0x6900] =	vst v63  }
0xb7: {  	_ =	swait.ge [sflag:s9], $0x3000  }
0xb8: {  	[sflag:s9] =	ssyncset.done $0x0  }
0xb9: {  	[sflag:s9] =	ssyncadd.s32 $0xFFFFD000  }
0xba: {  	[tilespmem:s6], [sflag:$0x1] =	stream.indirect.gather [hbm4b:s2+s5], $0x60, s10, s5, $0xb8;
	[tilespmem:$0x6900] =	vst v63  }
0xbb: {  	_ =	swait.ge [sflag:s8], $0x3000  }
0xbc: {  	[sflag:s8] =	ssyncset.done $0x0  }
0xbd: {  	s0 =	rddreg [dreg:$0x5];
	[sflag:s8] =	ssyncadd.s32 $0xFFFFD000  }
0xbe: {  	[hbm4b:s0+s3] =	stream.linear.scatter [tilespmem:s7], [sflag:$0x2], $0x3000, $0x38;
	[tilespmem:$0x6900] =	vst v63  }
0xbf: {  	_ =	swait.ge [sflag:s9], $0x3000  }
0xc0: {  	[sflag:s9] =	ssyncset.done $0x0  }
0xc1: {  	[sflag:s9] =	ssyncadd.s32 $0xFFFFD000  }
0xc2: {  	[tilespmem:s7], [sflag:$0x1] =	stream.indirect.gather [hbm4b:s2+s5], $0x60, s11, s5, $0xb8;
	[tilespmem:$0x6900] =	vst v63  }
0xc3: {  	_ =	swait.ge [sflag:s8], $0x3000  }
0xc4: {  	[sflag:s8] =	ssyncset.done $0x0  }
0xc5: {  	s0 =	rddreg [dreg:$0x6];
	[sflag:s8] =	ssyncadd.s32 $0xFFFFD000  }
0xc6: {  	[hbm4b:s0+s3] =	stream.linear.scatter [tilespmem:s6], [sflag:$0x2], $0x3000, $0x38;
	[tilespmem:$0x6900] =	vst v63  }
0xc7: {  	_ =	swait.ge [sflag:s9], $0x3000  }
0xc8: {  	[sflag:s9] =	ssyncset.done $0x0  }
0xc9: {  	[sflag:s9] =	ssyncadd.s32 $0xFFFFD000  }
0xca: {  	[tilespmem:s6], [sflag:$0x1] =	stream.indirect.gather [hbm4b:s2+s5], $0x60, s12, s5, $0xb8;
	[tilespmem:$0x6900] =	vst v63  }
0xcb: {  	_ =	swait.ge [sflag:s8], $0x3000  }
0xcc: {  	[sflag:s8] =	ssyncset.done $0x0  }
0xcd: {  	s0 =	rddreg [dreg:$0x7];
	[sflag:s8] =	ssyncadd.s32 $0xFFFFD000  }
0xce: {  	[hbm4b:s0+s3] =	stream.linear.scatter [tilespmem:s7], [sflag:$0x2], $0x3000, $0x38;
	[tilespmem:$0x6900] =	vst v63  }
0xcf: {  	_ =	swait.ge [sflag:s9], $0x3000  }
0xd0: {  	[sflag:s9] =	ssyncset.done $0x0  }
0xd1: {  	[sflag:s9] =	ssyncadd.s32 $0xFFFFD000  }
0xd2: {  	[tilespmem:s7], [sflag:$0x1] =	stream.indirect.gather [hbm4b:s2+s5], $0x60, s13, s5, $0xb8;
	[tilespmem:$0x6900] =	vst v63  }
0xd3: {  	_ =	swait.ge [sflag:s8], $0x3000  }
0xd4: {  	[sflag:s8] =	ssyncset.done $0x0  }
0xd5: {  	s0 =	rddreg [dreg:$0x8];
	[sflag:s8] =	ssyncadd.s32 $0xFFFFD000  }
0xd6: {  	[hbm4b:s0+s3] =	stream.linear.scatter [tilespmem:s6], [sflag:$0x2], $0x3000, $0x38;
	[tilespmem:$0x6900] =	vst v63  }
0xd7: {  	_ =	swait.ge [sflag:s9], $0x3000  }
0xd8: {  	[sflag:s9] =	ssyncset.done $0x0  }
0xd9: {  	[sflag:s9] =	ssyncadd.s32 $0xFFFFD000  }
0xda: {  	[tilespmem:s6], [sflag:$0x1] =	stream.indirect.gather [hbm4b:s2+s5], $0x60, s14, s5, $0xb8;
	[tilespmem:$0x6900] =	vst v63  }
0xdb: {  	_ =	swait.ge [sflag:s8], $0x3000  }
0xdc: {  	[sflag:s8] =	ssyncset.done $0x0  }
0xdd: {  	s0 =	rddreg [dreg:$0x9];
	[sflag:s8] =	ssyncadd.s32 $0xFFFFD000  }
0xde: {  	[hbm4b:s0+s3] =	stream.linear.scatter [tilespmem:s7], [sflag:$0x2], $0x3000, $0x38;
	[tilespmem:$0x6900] =	vst v63  }
0xdf: {  	_ =	swait.ge [sflag:s9], $0x3000  }
0xe0: {  	[sflag:s9] =	ssyncset.done $0x0  }
0xe1: {  	[sflag:s9] =	ssyncadd.s32 $0xFFFFD000  }
0xe2: {  	[tilespmem:s7], [sflag:$0x1] =	stream.indirect.gather [hbm4b:s2+s5], $0x60, s15, s5, $0xb8;
	[tilespmem:$0x6900] =	vst v63  }
0xe3: {  	_ =	swait.ge [sflag:s8], $0x3000  }
0xe4: {  	[sflag:s8] =	ssyncset.done $0x0  }
0xe5: {  	s0 =	rddreg [dreg:$0xa];
	[sflag:s8] =	ssyncadd.s32 $0xFFFFD000  }
0xe6: {  	[hbm4b:s0+s3] =	stream.linear.scatter [tilespmem:s6], [sflag:$0x2], $0x3000, $0x38;
	[tilespmem:$0x6900] =	vst v63  }
0xe7: {  	_ =	swait.ge [sflag:s9], $0x3000  }
0xe8: {  	[sflag:s9] =	ssyncset.done $0x0  }
0xe9: {  	[sflag:s9] =	ssyncadd.s32 $0xFFFFD000  }
0xea: {  	[tilespmem:s6], [sflag:$0x1] =	stream.indirect.gather [hbm4b:s2+s5], $0x60, s16, s5, $0xb8;
	[tilespmem:$0x6900] =	vst v63  }
0xeb: {  	_ =	swait.ge [sflag:s8], $0x3000  }
0xec: {  	[sflag:s8] =	ssyncset.done $0x0  }
0xed: {  	s0 =	rddreg [dreg:$0xb];
	[sflag:s8] =	ssyncadd.s32 $0xFFFFD000  }
0xee: {  	[hbm4b:s0+s3] =	stream.linear.scatter [tilespmem:s7], [sflag:$0x2], $0x3000, $0x38;
	[tilespmem:$0x6900] =	vst v63  }
0xef: {  	_ =	swait.ge [sflag:s9], $0x3000  }
0xf0: {  	[sflag:s9] =	ssyncset.done $0x0  }
0xf1: {  	[sflag:s9] =	ssyncadd.s32 $0xFFFFD000  }
0xf2: {  	[tilespmem:s7], [sflag:$0x1] =	stream.indirect.gather [hbm4b:s2+s5], $0x60, s17, s5, $0xb8;
	[tilespmem:$0x6900] =	vst v63  }
0xf3: {  	_ =	swait.ge [sflag:s8], $0x3000  }
0xf4: {  	[sflag:s8] =	ssyncset.done $0x0  }
0xf5: {  	s0 =	rddreg [dreg:$0xc];
	[sflag:s8] =	ssyncadd.s32 $0xFFFFD000  }
0xf6: {  	[hbm4b:s0+s3] =	stream.linear.scatter [tilespmem:s6], [sflag:$0x2], $0x3000, $0x38;
	[tilespmem:$0x6900] =	vst v63  }
0xf7: {  	_ =	swait.ge [sflag:s9], $0x3000  }
0xf8: {  	[sflag:s9] =	ssyncset.done $0x0  }
0xf9: {  	[sflag:s9] =	ssyncadd.s32 $0xFFFFD000  }
0xfa: {  	[tilespmem:s6], [sflag:$0x1] =	stream.indirect.gather [hbm4b:s2+s5], $0x60, s18, s5, $0xb8;
	[tilespmem:$0x6900] =	vst v63  }
0xfb: {  	_ =	swait.ge [sflag:s8], $0x3000  }
0xfc: {  	[sflag:s8] =	ssyncset.done $0x0  }
0xfd: {  	s0 =	rddreg [dreg:$0xd];
	[sflag:s8] =	ssyncadd.s32 $0xFFFFD000  }
0xfe: {  	[hbm4b:s0+s3] =	stream.linear.scatter [tilespmem:s7], [sflag:$0x2], $0x3000, $0x38;
	[tilespmem:$0x6900] =	vst v63  }
0xff: {  	_ =	swait.ge [sflag:s9], $0x3000  }
0x100: {  	[sflag:s9] =	ssyncset.done $0x0  }
0x101: {  	[sflag:s9] =	ssyncadd.s32 $0xFFFFD000  }
0x102: {  	[tilespmem:s7], [sflag:$0x1] =	stream.indirect.gather [hbm4b:s2+s5], $0x60, s19, s5, $0xb8;
	[tilespmem:$0x6900] =	vst v63  }
0x103: {  	_ =	swait.ge [sflag:s8], $0x3000  }
0x104: {  	[sflag:s8] =	ssyncset.done $0x0  }
0x105: {  	s0 =	rddreg [dreg:$0xe];
	[sflag:s8] =	ssyncadd.s32 $0xFFFFD000  }
0x106: {  	[hbm4b:s0+s3] =	stream.linear.scatter [tilespmem:s6], [sflag:$0x2], $0x3000, $0x38;
	[tilespmem:$0x6900] =	vst v63  }
0x107: {  	_ =	swait.ge [sflag:s9], $0x3000  }
0x108: {  	[sflag:s9] =	ssyncset.done $0x0  }
0x109: {  	[sflag:s9] =	ssyncadd.s32 $0xFFFFD000  }
0x10a: {  	[tilespmem:s6], [sflag:$0x1] =	stream.indirect.gather [hbm4b:s2+s5], $0x60, s20, s5, $0xb8;
	[tilespmem:$0x6900] =	vst v63  }
0x10b: {  	_ =	swait.ge [sflag:s8], $0x3000  }
0x10c: {  	[sflag:s8] =	ssyncset.done $0x0  }
0x10d: {  	s0 =	rddreg [dreg:$0xf];
	[sflag:s8] =	ssyncadd.s32 $0xFFFFD000  }
0x10e: {  	[hbm4b:s0+s3] =	stream.linear.scatter [tilespmem:s7], [sflag:$0x2], $0x3000, $0x38;
	[tilespmem:$0x6900] =	vst v63  }
0x10f: {  	_ =	swait.ge [sflag:s9], $0x3000  }
0x110: {  	[sflag:s9] =	ssyncset.done $0x0  }
0x111: {  	[sflag:s9] =	ssyncadd.s32 $0xFFFFD000  }
0x112: {  	[tilespmem:s7], [sflag:$0x1] =	stream.indirect.gather [hbm4b:s2+s5], $0x60, s21, s5, $0xb8;
	[tilespmem:$0x6900] =	vst v63  }
0x113: {  	_ =	swait.ge [sflag:s8], $0x3000  }
0x114: {  	[sflag:s8] =	ssyncset.done $0x0  }
0x115: {  	s0 =	rddreg [dreg:$0x10];
	[sflag:s8] =	ssyncadd.s32 $0xFFFFD000  }
0x116: {  	[hbm4b:s0+s3] =	stream.linear.scatter [tilespmem:s6], [sflag:$0x2], $0x3000, $0x38;
	[tilespmem:$0x6900] =	vst v63  }
0x117: {  	_ =	swait.ge [sflag:s9], $0x3000  }
0x118: {  	[sflag:s9] =	ssyncset.done $0x0  }
0x119: {  	[sflag:s9] =	ssyncadd.s32 $0xFFFFD000  }
0x11a: {  	[tilespmem:s6], [sflag:$0x1] =	stream.indirect.gather [hbm4b:s2+s5], $0x60, s22, s5, $0xb8;
	[tilespmem:$0x6900] =	vst v63  }
0x11b: {  	_ =	swait.ge [sflag:s8], $0x3000  }
0x11c: {  	[sflag:s8] =	ssyncset.done $0x0  }
0x11d: {  	[sflag:s8] =	ssyncadd.s32 $0xFFFFD000  }
0x11e: {  	[hbm4b:s23+s3] =	stream.linear.scatter [tilespmem:s7], [sflag:$0x2], $0x3000, $0x38;
	[tilespmem:$0x6900] =	vst v63  }
0x11f: {  	_ =	swait.ge [sflag:s9], $0x3000  }
0x120: {  	[sflag:s9] =	ssyncset.done $0x0  }
0x121: {  	[sflag:s9] =	ssyncadd.s32 $0xFFFFD000  }
0x122: {  	[tilespmem:s7], [sflag:$0x1] =	stream.indirect.gather [hbm4b:s2+s5], $0x60, s24, s5, $0xb8;
	[tilespmem:$0x6900] =	vst v63  }
0x123: {  	_ =	swait.ge [sflag:s8], $0x3000  }
0x124: {  	[sflag:s8] =	ssyncset.done $0x0  }
0x125: {  	[sflag:s8] =	ssyncadd.s32 $0xFFFFD000  }
0x126: {  	[hbm4b:s25+s3] =	stream.linear.scatter [tilespmem:s6], [sflag:$0x2], $0x3000, $0x38;
	[tilespmem:$0x6900] =	vst v63  }
0x127: {  	_ =	swait.ge [sflag:s9], $0x3000  }
0x128: {  	[sflag:s9] =	ssyncset.done $0x0  }
0x129: {  	[sflag:s9] =	ssyncadd.s32 $0xFFFFD000  }
0x12a: {  	[tilespmem:s6], [sflag:$0x1] =	stream.indirect.gather [hbm4b:s2+s5], $0x60, s26, s5, $0xb8;
	[tilespmem:$0x6900] =	vst v63  }
0x12b: {  	_ =	swait.ge [sflag:s8], $0x3000  }
0x12c: {  	[sflag:s8] =	ssyncset.done $0x0  }
0x12d: {  	[sflag:s8] =	ssyncadd.s32 $0xFFFFD000  }
0x12e: {  	[hbm4b:s28+s3] =	stream.linear.scatter [tilespmem:s7], [sflag:$0x2], $0x3000, $0x38;
	[tilespmem:$0x6900] =	vst v63  }
0x12f: {  	_ =	swait.ge [sflag:s9], $0x3000  }
0x130: {  	[sflag:s9] =	ssyncset.done $0x0  }
0x131: {  	[sflag:s9] =	ssyncadd.s32 $0xFFFFD000  }
0x132: {  	[tilespmem:s7], [sflag:$0x1] =	stream.indirect.gather [hbm4b:s2+s5], $0x60, s29, s5, $0xb8;
	[tilespmem:$0x6900] =	vst v63  }
0x133: {  	_ =	swait.ge [sflag:s8], $0x3000  }
0x134: {  	[sflag:s8] =	ssyncset.done $0x0  }
0x135: {  	[sflag:s8] =	ssyncadd.s32 $0xFFFFD000  }
0x136: {  	[hbm4b:s30+s3] =	stream.linear.scatter [tilespmem:s6], [sflag:$0x2], $0x3000, $0x38;
	[tilespmem:$0x6900] =	vst v63  }
0x137: {  	_ =	swait.ge [sflag:s8], $0x3000  }
0x138: {  	[sflag:s8] =	ssyncset.done $0x0  }
0x139: {  	p0 =	sne.s32 s1, $0x1;
	[sflag:s8] =	ssyncadd.s32 $0xFFFFD000  }
0x13a: {  	[hbm4b:s31+s3] =	stream.linear.scatter [tilespmem:s7], [sflag:$0x2], $0x3000, $0x38;
	[tilespmem:$0x6900] =	vst v63  }
.Ltmp1:
0x13b: {  	_ =	swait.ge [sflag:s9], $0x3000;
	(pc) =	sbr.rel @p0 .LBB2_1-.Ltmp1, $4  }
0x13c: {  	[sflag:s9] =	ssyncset.done $0x0  }
0x13d: {  	[sflag:s9] =	ssyncadd.s32 $0xFFFFD000  }
0x13e: {  	_ =	swait.ge [sflag:s9], $0x3000  }
0x13f: {  	s1 =	sadd.s32 $0xFFFFFFFF, s1;
	[sflag:s9] =	ssyncset.done $0x0  }
.LBB2_2:
0x140: {  	[sflag:s9] =	ssyncadd.s32 $0xFFFFD000  }
0x141: {  	_ =	sfence.sel $0x180000  }
0x142: {  	[bflag:$0x0] =	sbarrier.arrive $0xFFFF  }
0x143: {  	_ =	strace $0x90000047  }
0x144: {  	s0 =	stileid.u32;
	[bflag:$0x2] =	sbarrier.arrive $0xFFFF  }
0x145: {  	p0 =	sne.s32 s0, $0x0;
	s0 =	rddreg [dreg:$0x2]  }
0x146: {  	s0 =	sadd.s32 @!p0 $0x100000, s0  }
0x147: {  	[sflag:s0] =	ssyncadd.tile.s32 @!p0 $0x1;
	_ =	shalt  }
.Lfunc_end2:
_tile_overlayer_lowered:
.L_overlay_start_2:
0x148: {  	(tag) =	ssettag $0x2  }
0x149: {  	s0 =	rddreg [dreg:$0x0];
	s2 =	stileid.u32  }
0x14a: {  	s1 =	rddreg [dreg:$0x1];
	p0 =	sne.s32 s2, $0x0  }
0x14b: {  	s3 =	rddreg [dreg:$0x2];
	[bflag:$0x3] =	sbarrier.arrive $0xFFFF;
	s2 =	simm.s32 @!p0 $0x1C03  }
0x14c: {  	[timem:s3], [sflag:s2] =	dma.local @!p0 [hbm:s0], s1  }
0x14d: {  	s0 =	simm.s32 @!p0 $0x3  }
0x14e: {  	_ =	swait.ge @!p0 [sflag:s0], s1  }
0x14f: {  	s1 =	ssub.s32 @!p0 $0x0, s1;
	[sflag:s0] =	ssyncset.done @!p0 $0x0  }
0x150: {  	[sflag:s0] =	ssyncadd.s32 @!p0 s1  }
0x151: {  	[bflag:$0x3] =	sbarrier.arrive $0xFFFF  }
0x152: {  	_ =	shalt  }

// kernel: sparse-core-data-format-call.cloned.1.call-start
scs
called_computation_lowered:
.L_overlay_start_0:
0x0: {  	s2 =	sld [smem:$0x3FD9]  }
0x1: {  	s3 =	sld [smem:$0x3FFE];
	_ =	sdelay $0x1  }
0x2: {  	s1 =	srdreg.scid  }
0x3: {  	s0 =	sand.u32 $0x1, s1  }
0x4: {  	s18 =	sshll.u32 s0, $0xA;
	s2 =	sadd.s32 s3, s2  }
0x5: {  	s2 =	sadd.s32 s2, s18  }
0x6: {  	[smem:$0x3FBF] =	sst s2  }
0x7: {  	_ = 	snop  }
0x8: {  	s2 =	sld [smem:$0x3FD0];
	(tm) =	ssettm $0x1  }
0x9: {  	s19 =	sld [smem:$0x3FFB];
	_ =	sdelay $0x3  }
0xa: {  	_ =	strace s19  }
0xb: {  	s3 =	sld [smem:$0x3FFC];
	_ =	sdelay $0x3  }
0xc: {  	_ =	strace s3  }
0xd: {  	s3 =	sld [smem:$0x3FFD];
	_ =	sdelay $0x3  }
0xe: {  	_ =	strace s3  }
0xf: {  	_ =	strace $0x8FFFFFFF  }
0x10: {  	s20 =	sld [smem:$0x3FDB];
	_ =	sdelay $0x1  }
0x11: {  	s4 =	simm.s32 $_scs_section_size  }
0x12: {  	s5 =	simm.s32 $_size__tile_overlayer_lowered;
	s6 =	simm.s32 $_tile_overlayer_lowered  }
0x13: {  	s23 =	simm.s32 $0x1BFF;
	s22 =	sshll.u32 s6, $0x1;
	s3 =	sadd.s32 s4, s20  }
0x14: {  	s7 =	simm.s32 $0x0;
	s21 =	sshll.u32 s5, $0x1;
	s5 =	sadd.s32 s22, s3  }
0x15: {  	[timem:s7], [sflag:s23] =	dma.local [hbm:s5], s21  }
0x16: {  	_ =	swait.ge [sflag:s23], s21  }
0x17: {  	s4 =	ssub.s32 $0x0, s21;
	[sflag:s23] =	ssyncset.done $0x0  }
0x18: {  	[sflag:s23] =	ssyncadd.s32 s4;
	_ =	sdelay $0x1  }
0x19: {  	s24 =	simm.s32 $0x1B8B  }
0x1a: {  	_ =	swait.ge [sflag:s24], $0x1  }
0x1b: {  	[sflag:s24] =	ssyncset.done $0x0  }
0x1c: {  	s26 =	simm.s32 $0x1B8E;
	s25 =	sld [smem:$0x3FFE];
	[sflag:s24] =	ssyncadd.s32 $0xFFFFFFFF  }
0x1d: {  	s27 =	simm.s32 $execute0_lowered;
	[smem:$0x3FD2] =	sst s26  }
0x1e: {  	s5 =	sshll.u32 s27, $0x1;
	_ =	strace $0x8000004C;
	[dreg:$0x1] =	wrdreg $0xFFFFFFFF  }
0x1f: {  	s28 =	simm.s32 $_size_execute0_lowered;
	s3 =	sadd.s32 s3, s5;
	[dreg:$0x0] =	wrdreg $0x0  }
0x20: {  	s5 =	sshll.u32 s28, $0x1;
	[dreg:$0x2] =	wrdreg s3  }
0x21: {  	[dreg:$0x3] =	wrdreg s5  }
0x22: {  	[dreg:$0x4] =	wrdreg $0xC0  }
0x23: {  	_ =	task [dreg:s7], $0x5FFFF  }
0x24: {  	[dreg:$0x1] =	wrdreg $0xFFFFFFFF  }
0x25: {  	[dreg:$0x0] =	wrdreg $0x60  }
0x26: {  	[dreg:$0x2] =	wrdreg s25  }
0x27: {  	[dreg:$0x3] =	wrdreg s2  }
0x28: {  	[dreg:$0x4] =	wrdreg $0x9  }
0x29: {  	_ =	task.clear_ibuf [dreg:s7], $0x5FFFF;
	_ =	strace $0x9000004C  }
0x2a: {  	s29 =	simm.s32 $0x9;
	_ =	strace $0x8000004E  }
0x2b: {  	_ =	swait.ge [sflag:s29], $0x1  }
0x2c: {  	[sflag:s29] =	ssyncadd.s32 $0xFFFFFFFF  }
0x2d: {  	_ =	strace $0x9000004E  }
0x2e: {  	_ =	sfence  }
0x2f: {  	s30 =	sld [smem:$0x0];
	_ =	sdelay $0x2  }
0x30: {  	s31 =	sshll.u32 s1, $0xD;
	s1 =	sshrl.u32 s1, $0x2  }
0x31: {  	s3 =	sand.u32 $0x4000, s31;
	s1 =	sadd.s32 s1, s30  }
0x32: {  	s0 =	sor.u32 s3, s0;
	s1 =	sshll.u32 s1, $0x11  }
0x33: {  	s0 =	sor.u32 s1, s0  }
0x34: {  	s0 =	sadd.s32 $0x8F2B, s0  }
0x35: {  	[sflag:s0] =	ssyncadd.remote.s32 $0x1  }
0x36: {  	_ =	sfence.sel $0xFFFF  }
0x37: {  	[dreg:$0x0] =	wrdreg $0xFFFFFFFF;
	(pc) =	sbr.abs _section_cstart, $3  }
0x38: {  	[dreg:$0x1] =	wrdreg $0xFFFFFFFF  }
0x39: {  	_ =	task.clear_ibuf [dreg:s7], $0x2FFFF;
	_ =	strace $0x9FFFFFFF  }
0x3a: {  	(tm) =	ssettm $0x7FFFFFFF  }
0x3b: {  	_ =	shalt  }
tec
execute0_lowered:
.L_overlay_start_1:
0x0: {  	(tag) =	ssettag $0x1  }
0x1: {  	s1 =	rddreg [dreg:$0x0]  }
0x2: {  	s2 =	rddreg [dreg:$0x1]  }
0x3: {  	s0 =	rddreg [dreg:$0x2];
	s4 =	srdreg.scid  }
0x4: {  	_ =	strace $0x8000004D;
	s7 =	simm.s32 $0x2;
	s15 =	simm.s32 $0x0  }
0x5: {  	p0 =	por $0x0, $0x0;
	s13 =	simm.s32 $0x0;
	s16 =	simm.s32 $0x0  }
0x6: {  	s14 =	simm.s32 $0x0;
	s9 =	simm.s32 $0x0;
	s11 =	simm.s32 $0x0  }
.Ltmp0:
0x7: {  	s3 =	sadd.s32 $0xE19C00, s1;
	s4 =	sshll.u32 s4, $0x4;
	(pc) =	sbr.rel .LBB1_1-.Ltmp0, $4  }
0x8: {  	s1 =	stileid.u32;
	s5 =	sand.u32 $0x10, s4;
	s4 =	simm.s32 $0x1  }
0x9: {  	s8 =	simm.s32 $0x0;
	s6 =	sor.u32 s1, s5;
	[sflag:s4] =	ssyncpa.u1 $0x0  }
0xa: {  	s5 =	sand.u32 $0x3, s1;
	s6 =	sshrl.u32 s6, $0x2;
	[sflag:s7] =	ssyncpa.u1 $0x0  }
0xb: {  	s7 =	simm.s32 $0xC00;
	s12 =	smov.u32 s5;
	s10 =	smov.u32 s6  }
.LBB1_5:
0xc: {  	s17 =	sadd.s32 $0x80, s9  }
0xd: {  	s13 =	sadd.s32 $0x8, s10;
	s18 =	smov.u32 s10;
	p2 =	sgt.s32 s17, $0x17F  }
0xe: {  	s18 =	smov.u32 @p2 s13  }
0xf: {  	s19 =	smov.u32 s11;
	s13 =	sadd.s32 $0x80, s11;
	p3 =	sgt.s32 s18, $0x7  }
0x10: {  	s19 =	smov.u32 @p3 s13  }
0x11: {  	s20 =	smov.u32 s12;
	s13 =	sadd.s32 $0x4, s12;
	p4 =	sgt.s32 s19, $0x17F  }
0x12: {  	p1 =	slt.u32 s8, $0x2;
	s20 =	smov.u32 @p4 s13  }
0x13: {  	s8 =	sadd.s32 $0x1, s8;
	s17 =	simm.s32 @p2 $0x0;
	p2 =	sgt.s32 s20, $0x17  }
0x14: {  	s15 =	smov.u32 s9;
	s20 =	smov.u32 @p2 s5;
	p2 =	sne.s32 s8, $0x38  }
.Ltmp1:
0x15: {  	s16 =	smov.u32 s11;
	s21 =	simm.s32 @!p1 $0x2;
	(pc) =	sbr.rel @!p2 .LBB1_6-.Ltmp1, $4  }
0x16: {  	s14 =	smov.u32 s12;
	p0 =	por !p0, !p0;
	_ =	swait.ge @!p1 [sflag:s21], $0x4000  }
0x17: {  	[sflag:s21] =	ssyncset.done @!p1 $0x0;
	s9 =	smov.u32 s17;
	s18 =	smov.u32 @p3 s6  }
0x18: {  	[sflag:s21] =	ssyncadd.s32 @!p1 $0xFFFFC000;
	s19 =	simm.s32 @p4 $0x0;
	s13 =	smov.u32 s10  }
0x19: {  	s10 =	smov.u32 s18;
	s11 =	smov.u32 s19;
	s12 =	smov.u32 s20  }
.LBB1_1:
0x1a: {  	p1 =	sgt.u32 s8, $0x35  }
0x1b: {  	s17 =	sshrl.u32 @!p1 s10, $0x3  }
0x1c: {  	s18 =	sshll.u32 @!p1 s9, $0x3;
	s17 =	smul.u32 @!p1 $0xC00, s17  }
0x1d: {  	s19 =	sshll.u32 @!p1 s10, $0x7;
	s18 =	sand.u32 @!p1 $0xFFFFFC00, s18  }
0x1e: {  	s17 =	sadd.s32 @!p1 s17, s18;
	s18 =	sand.u32 @!p1 $0x380, s19  }
0x1f: {  	s19 =	sand.u32 @!p1 $0x7F, s9;
	s17 =	sor.u32 @!p1 s18, s17  }
0x20: {  	s18 =	sor.u32 @!p1 s19, s17  }
0x21: {  	s19 =	smulhi.u32 @!p1 $0xAAAAAAAB, s18  }
0x22: {  	s17 =	smulhi.u32 @!p1 $0xAAAAAAAB, s17  }
0x23: {  	s21 =	smul.u32 @!p1 $0x24000, s12;
	s19 =	sshrl.u32 @!p1 s19, $0x8  }
0x24: {  	s20 =	sxor.u32 @!p1 $0xFFFFFFFF, s8;
	s17 =	sshrl.u32 @!p1 s17, $0x8;
	s19 =	smul.u32 @!p1 $0x180, s19  }
0x25: {  	s22 =	smul.u32 @!p1 $0x180, s11;
	s20 =	sshll.u32 @!p1 s20, $0xE;
	s17 =	sand.u32 @!p1 $0x7, s17  }
0x26: {  	s17 =	smul.u32 @!p1 $0x30, s17;
	s18 =	ssub.s32 @!p1 s18, s19;
	s19 =	sadd.s32 @!p1 s3, s21  }
0x27: {  	s20 =	sand.u32 @!p1 $0x4000, s20;
	s19 =	sadd.s32 @!p1 s22, s19;
	s21 =	sand.u32 @!p1 $0x7, s18  }
0x28: {  	s18 =	sshrl.u32 @!p1 s18, $0x3;
	s17 =	sadd.s32 @!p1 s17, s19;
	s19 =	sshll.u32 @!p1 s21, $0x12  }
0x29: {  	s17 =	sadd.s32 @!p1 s18, s17;
	s18 =	sor.u32 @!p1 $0x80, s19;
	s19 =	simm.s32 @!p1 $0xC00  }
0x2a: {  	[tilespmem:s20], [sflag:$0x1] =	stream.strided.gather @!p1 [hbm4b:s17+s18], $0x4000, s19, s18, $0x38;
	[tilespmem:$0x10000] =	vst v63  }
0x2b: {  	p1 =	seq.s32 s8, $0x0  }
0x2c: {  	p2 =	seq.s32 @!p1 s8, $0x37  }
0x2d: {  	p1 =	por p1, p2  }
.Ltmp2:
0x2e: {  	_ = 	snop;
	(pc) =	sbr.rel @p1 .LBB1_5-.Ltmp2, $1  }
0x2f: {  	_ =	sdelay $0x3  }
0x30: {  	s17 =	simm.s32 $0x1  }
0x31: {  	s17 =	simm.s32 @!p0 $0x0  }
0x32: {  	s17 =	sshll.u32 s17, $0xE  }
0x33: {  	s18 =	sor.u32 $0x70, s17  }
0x34: {  	v1 =	vmov s18;
	_ =	sdelay $0x1  }
0x35: {  	_ =	swait.ge [sflag:s4], $0x4000  }
0x36: {  	[sflag:s4] =	ssyncset.done $0x0  }
0x37: {  	s19 =	simm.s32 $0x0;
	[sflag:s4] =	ssyncadd.s32 $0xFFFFC000  }
0x38: {  	s17 =	sor.u32 $0x8040, s17;
	v6 =	vld.idx.msk [tilespmem:v1+s19+$0x0 ss:$0x1], $0xffff  }
0x39: {  	v0 =	vmov s17;
	v8 =	vld.idx.msk [tilespmem:v1+s19+$0xFFFFFF90 ss:$0x1], $0xffff  }
0x3a: {  	v7 =	vld.idx.msk [tilespmem:v1+s19+$0xFFFFFFA0 ss:$0x1], $0xffff  }
0x3b: {  	v5 =	vld.idx.msk [tilespmem:v1+s19+$0xFFFFFFB0 ss:$0x1], $0xffff  }
0x3c: {  	v4 =	vld.idx.msk [tilespmem:v1+s19+$0xFFFFFFC0 ss:$0x1], $0xffff  }
0x3d: {  	s31 =	sshll.u32 s8, $0xE;
	v2 =	vld.idx.msk [tilespmem:v1+s19+$0xFFFFFFD0 ss:$0x1], $0xffff  }
0x3e: {  	s17 =	sand.u32 $0x4000, s31;
	v3 =	vld.idx.msk [tilespmem:v1+s19+$0xFFFFFFE0 ss:$0x1], $0xffff;
	[tilespmem:v0+s19+$0x30 ss:$0x1] =	vst.idx.msk $0xffff, v6  }
0x3f: {  	s20 =	simm.s32 $0x400;
	s18 =	simm.s32 $0x80;
	s17 =	sor.u32 $0x8000, s17;
	[tilespmem:v0+s19+$0xFFFFFFC0 ss:$0x1] =	vst.idx.msk $0xffff, v8;
	v6 =	vld.idx.msk [tilespmem:v1+s19+$0xFFFFFFF0 ss:$0x1], $0xffff  }
.LBB1_3:
0x40: {  	p1 =	sne.s32 s20, $0xFE00;
	v8 =	vld.idx.msk [tilespmem:v1+s18+$0x0 ss:$0x1], $0xffff;
	[tilespmem:v0+s19+$0xFFFFFFD0 ss:$0x1] =	vst.idx.msk $0xffff, v7  }
0x41: {  	v9 =	vld.idx.msk [tilespmem:v1+s18+$0xFFFFFF90 ss:$0x1], $0xffff;
	[tilespmem:v0+s19+$0xFFFFFFE0 ss:$0x1] =	vst.idx.msk $0xffff, v5  }
0x42: {  	v7 =	vld.idx.msk [tilespmem:v1+s18+$0xFFFFFFA0 ss:$0x1], $0xffff;
	[tilespmem:v0+s19+$0xFFFFFFF0 ss:$0x1] =	vst.idx.msk $0xffff, v4  }
.Ltmp3:
0x43: {  	v5 =	vld.idx.msk [tilespmem:v1+s18+$0xFFFFFFB0 ss:$0x1], $0xffff;
	[tilespmem:v0+s19+$0x0 ss:$0x1] =	vst.idx.msk $0xffff, v2;
	(pc) =	sbr.rel @p1 .LBB1_3-.Ltmp3, $4  }
0x44: {  	v4 =	vld.idx.msk [tilespmem:v1+s18+$0xFFFFFFC0 ss:$0x1], $0xffff;
	[tilespmem:v0+s19+$0x10 ss:$0x1] =	vst.idx.msk $0xffff, v3  }
0x45: {  	v2 =	vld.idx.msk [tilespmem:v1+s18+$0xFFFFFFD0 ss:$0x1], $0xffff;
	[tilespmem:v0+s19+$0x20 ss:$0x1] =	vst.idx.msk $0xffff, v6;
	s19 =	smov.u32 s18  }
0x46: {  	v3 =	vld.idx.msk [tilespmem:v1+s19+$0xFFFFFFE0 ss:$0x1], $0xffff;
	[tilespmem:v0+s19+$0x30 ss:$0x1] =	vst.idx.msk $0xffff, v8  }
0x47: {  	s18 =	sshra.s32 s20, $0x2;
	s20 =	sadd.s32 $0x200, s20;
	[tilespmem:v0+s19+$0xFFFFFFC0 ss:$0x1] =	vst.idx.msk $0xffff, v9;
	v6 =	vld.idx.msk [tilespmem:v1+s19+$0xFFFFFFF0 ss:$0x1], $0xffff  }
0x48: {  	s20 =	sshrl.u32 s16, $0x3  }
0x49: {  	s21 =	sshll.u32 s15, $0x3;
	s20 =	smul.u32 $0xC00, s20  }
0x4a: {  	s26 =	sshll.u32 s16, $0x7;
	s21 =	sand.u32 $0xFFFFFC00, s21  }
0x4b: {  	s16 =	sand.u32 $0x380, s26;
	s20 =	sadd.s32 s20, s21  }
0x4c: {  	[tilespmem:v0+s19+$0xFFFFFFD0 ss:$0x1] =	vst.idx.msk $0xffff, v7;
	s27 =	sand.u32 $0x7F, s15;
	s16 =	sor.u32 s16, s20  }
0x4d: {  	v56 =	vld.idx.msk [tilespmem:v1+s18+$0x0 ss:$0x1], $0xffff;
	[tilespmem:v0+s19+$0xFFFFFFE0 ss:$0x1] =	vst.idx.msk $0xffff, v5;
	s15 =	sor.u32 s27, s16;
	s16 =	smulhi.u32 $0xAAAAAAAB, s16  }
0x4e: {  	v57 =	vld.idx.msk [tilespmem:v1+s18+$0xFFFFFF90 ss:$0x1], $0xffff;
	[tilespmem:v0+s19+$0xFFFFFFF0 ss:$0x1] =	vst.idx.msk $0xffff, v4  }
0x4f: {  	v58 =	vld.idx.msk [tilespmem:v1+s18+$0xFFFFFFA0 ss:$0x1], $0xffff;
	s14 =	smul.u32 $0x24000, s14;
	[tilespmem:v0+s19+$0x0 ss:$0x1] =	vst.idx.msk $0xffff, v2;
	s16 =	sshrl.u32 s16, $0x8  }
0x50: {  	v59 =	vld.idx.msk [tilespmem:v1+s18+$0xFFFFFFB0 ss:$0x1], $0xffff;
	[tilespmem:v0+s19+$0x10 ss:$0x1] =	vst.idx.msk $0xffff, v3;
	s30 =	smulhi.u32 $0xAAAAAB, s16  }
0x51: {  	v60 =	vld.idx.msk [tilespmem:v1+s18+$0xFFFFFFC0 ss:$0x1], $0xffff;
	[tilespmem:v0+s19+$0x20 ss:$0x1] =	vst.idx.msk $0xffff, v6;
	s28 =	smulhi.u32 $0xAAAAAAAB, s15  }
0x52: {  	v61 =	vld.idx.msk [tilespmem:v1+s18+$0xFFFFFFD0 ss:$0x1], $0xffff;
	[tilespmem:v0+s18+$0x30 ss:$0x1] =	vst.idx.msk $0xffff, v56;
	s20 =	smul.u32 $0x180, s30  }
0x53: {  	v62 =	vld.idx.msk [tilespmem:v1+s18+$0xFFFFFFE0 ss:$0x1], $0xffff;
	s13 =	smul.u32 $0x4800, s13;
	[tilespmem:v0+s18+$0xFFFFFFC0 ss:$0x1] =	vst.idx.msk $0xffff, v57;
	s29 =	sshrl.u32 s28, $0x8  }
0x54: {  	v63 =	vld.idx.msk [tilespmem:v1+s18+$0xFFFFFFF0 ss:$0x1], $0xffff;
	[tilespmem:v0+s18+$0xFFFFFFD0 ss:$0x1] =	vst.idx.msk $0xffff, v58;
	s19 =	smul.u32 $0x180, s29;
	s16 =	ssub.s32 s16, s20  }
0x55: {  	[tilespmem:v0+s18+$0xFFFFFFE0 ss:$0x1] =	vst.idx.msk $0xffff, v59;
	s16 =	smul.u32 $0x30, s16  }
.Ltmp4:
0x56: {  	s14 =	sadd.s32 s2, s14;
	[tilespmem:v0+s18+$0xFFFFFFF0 ss:$0x1] =	vst.idx.msk $0xffff, v60;
	s15 =	ssub.s32 s15, s19;
	(pc) =	sbr.rel .LBB1_5-.Ltmp4, $4  }
0x57: {  	s13 =	sadd.s32 s13, s14;
	[tilespmem:v0+s18+$0x0 ss:$0x1] =	vst.idx.msk $0xffff, v61;
	s31 =	sand.u32 $0x7, s15  }
0x58: {  	[tilespmem:v0+s18+$0x10 ss:$0x1] =	vst.idx.msk $0xffff, v62;
	s15 =	sshrl.u32 s15, $0x3;
	s14 =	sshll.u32 s31, $0x12;
	s13 =	sadd.s32 s16, s13  }
0x59: {  	[tilespmem:v0+s18+$0x20 ss:$0x1] =	vst.idx.msk $0xffff, v63;
	s14 =	sor.u32 $0x400, s14;
	s13 =	sadd.s32 s15, s13  }
0x5a: {  	[hbm4b:s13+s14] =	stream.strided.scatter [tilespmem:s17], [sflag:$0x2], $0x4000, s7, s14, $0x38;
	[tilespmem:$0x10000] =	vst v63  }
.LBB1_6:
0x5b: {  	_ =	sfence.sel $0x180000  }
0x5c: {  	s2 =	simm.s32 $0x1;
	[bflag:$0x0] =	sbarrier.arrive $0xFFFF  }
0x5d: {  	s31 =	simm.s32 $0x2;
	[sflag:s2] =	ssyncpa.u1 $0x1  }
0x5e: {  	[sflag:s31] =	ssyncpa.u1 $0x1  }
0x5f: {  	p0 =	sne.s32 s1, $0x0;
	_ =	strace $0x9000004D  }
0x60: {  	s0 =	sadd.s32 @!p0 $0x100000, s0;
	[bflag:$0x2] =	sbarrier.arrive $0xFFFF  }
0x61: {  	[sflag:s0] =	ssyncadd.tile.s32 @!p0 $0x1;
	_ =	shalt  }
.Lfunc_end1:
_tile_overlayer_lowered:
.L_overlay_start_2:
0x62: {  	(tag) =	ssettag $0x2  }
0x63: {  	s0 =	rddreg [dreg:$0x0];
	s2 =	stileid.u32  }
0x64: {  	s1 =	rddreg [dreg:$0x1];
	p0 =	sne.s32 s2, $0x0  }
0x65: {  	s3 =	rddreg [dreg:$0x2];
	[bflag:$0x3] =	sbarrier.arrive $0xFFFF;
	s2 =	simm.s32 @!p0 $0x1C01  }
0x66: {  	[timem:s3], [sflag:s2] =	dma.local @!p0 [hbm:s0], s1  }
0x67: {  	s0 =	simm.s32 @!p0 $0x1  }
0x68: {  	_ =	swait.ge @!p0 [sflag:s0], s1  }
0x69: {  	s1 =	ssub.s32 @!p0 $0x0, s1;
	[sflag:s0] =	ssyncset.done @!p0 $0x0  }
0x6a: {  	[sflag:s0] =	ssyncadd.s32 @!p0 s1  }
0x6b: {  	[bflag:$0x3] =	sbarrier.arrive $0xFFFF  }
0x6c: {  	_ =	shalt  }

</sc_bundles>
